<compile_context>
chip_gen: v7x
topology: tpu7x:2x2x1
jax: 0.10.2.dev20260603
libtpu: 0.0.44.dev20260713+nightly
codegen_flags: <defaults>
</compile_context>

<pallas_src>
import functools

import jax
import jax.numpy as jnp
from jax import lax
from jax.experimental import pallas as pl
from jax.experimental.pallas import tpu as pltpu
from jax.experimental.pallas import tpu_sc as plsc

_N = 10000
_E = 320000
_D = 128
_H = 256
_OUT = 128
_NS = 16
_K = 128
_EPT = 20096
_E2 = _NS * _EPT
_EPT_DEG = 10112
_E2D = 2 * _NS * _EPT_DEG
_G = 80
_NG = _N // _G
_GPT = 8
_NB = 2000



def _row_groups(s, copy_one):
    for g in range(_GPT):
        grp = s + _NS * g

        @pl.when(grp < _NG)
        def _(grp=grp):
            copy_one(grp * _G)


def _deg_body(dstd_hbm, ones_hbm, zeros_hbm, deg_hbm, dst_v, ones_v, acc_sh):
    c = lax.axis_index("c")
    s = lax.axis_index("s")
    _row_groups(s, lambda r0: pltpu.sync_copy(
        zeros_hbm.at[pl.ds(r0, _G)], acc_sh.at[pl.ds(r0, _G)]))
    pltpu.sync_copy(ones_hbm, ones_v)
    plsc.subcore_barrier()
    base = (c * _NS + s) * _EPT_DEG

    def body(i, carry):
        pltpu.sync_copy(dstd_hbm.at[pl.ds(base + i * _K, _K)], dst_v)
        pltpu.sync_copy(ones_v, acc_sh.at[dst_v], add=True)
        return carry

    lax.fori_loop(0, _EPT_DEG // _K, body, 0)
    plsc.subcore_barrier()
    _row_groups(s, lambda r0: pltpu.sync_copy(
        acc_sh.at[pl.ds(r0, _G)], deg_hbm.at[pl.ds(c * _N + r0, _G)]))


@functools.cache
def _deg_kernel():
    return pl.kernel(
        _deg_body,
        out_type=jax.ShapeDtypeStruct((2 * _N, _D), jnp.float32),
        mesh=plsc.VectorSubcoreMesh(core_axis_name="c", subcore_axis_name="s",
                                    num_cores=2, num_subcores=_NS),
        scratch_types=[
            pltpu.VMEM((_K,), jnp.int32),
            pltpu.VMEM((_K, _D), jnp.float32),
            pltpu.MemorySpace.VMEM_SHARED((_N + 8, _D), jnp.float32),
        ],
    )


def _run_deg(dstd, ones16, zeros16):
    return _deg_kernel()(dstd, ones16, zeros16)


def _agg_body(y_hbm, src_hbm, dst_hbm, z_hbm, src_v, dst_v, src_b, dst_b,
              rows_v, rows_b, acc_sh, sem, ssem):
    c = lax.axis_index("c")
    s = lax.axis_index("s")
    _row_groups(s, lambda r0: pltpu.sync_copy(
        y_hbm.at[pl.ds(c * _N + r0, _G)], acc_sh.at[pl.ds(r0, _G)]))
    plsc.subcore_barrier()
    ebase = c * _E2 + s * _EPT
    dbase = s * _EPT

    def body(j, carry):
        off = 2 * j * _K
        pltpu.sync_copy(src_hbm.at[pl.ds(ebase + off, _K)], src_v)
        g = pltpu.async_copy(y_hbm.at[src_v], rows_v, sem)
        pltpu.sync_copy(dst_hbm.at[pl.ds(dbase + off, _K)], dst_v)
        g.wait()
        sa = pltpu.async_copy(rows_v, acc_sh.at[dst_v], ssem, add=True)
        pltpu.sync_copy(src_hbm.at[pl.ds(ebase + off + _K, _K)], src_b)
        g2 = pltpu.async_copy(y_hbm.at[src_b], rows_b, sem)
        pltpu.sync_copy(dst_hbm.at[pl.ds(dbase + off + _K, _K)], dst_b)
        g2.wait()
        sa.wait()
        pltpu.sync_copy(rows_b, acc_sh.at[dst_b], add=True)
        return carry

    lax.fori_loop(0, _EPT // (2 * _K), body, 0)
    off = _EPT - _K
    pltpu.sync_copy(src_hbm.at[pl.ds(ebase + off, _K)], src_v)
    g = pltpu.async_copy(y_hbm.at[src_v], rows_v, sem)
    pltpu.sync_copy(dst_hbm.at[pl.ds(dbase + off, _K)], dst_v)
    g.wait()
    pltpu.sync_copy(rows_v, acc_sh.at[dst_v], add=True)
    plsc.subcore_barrier()
    _row_groups(s, lambda r0: pltpu.sync_copy(
        acc_sh.at[pl.ds(r0, _G)], z_hbm.at[pl.ds(c * _N + r0, _G)]))


@functools.cache
def _agg_kernel():
    return pl.kernel(
        _agg_body,
        out_type=jax.ShapeDtypeStruct((2 * _N, _D), jnp.float32),
        mesh=plsc.VectorSubcoreMesh(core_axis_name="c", subcore_axis_name="s",
                                    num_cores=2, num_subcores=_NS),
        scratch_types=[
            pltpu.VMEM((_K,), jnp.int32),
            pltpu.VMEM((_K,), jnp.int32),
            pltpu.VMEM((_K,), jnp.int32),
            pltpu.VMEM((_K,), jnp.int32),
            pltpu.VMEM((_K, _D), jnp.float32),
            pltpu.VMEM((_K, _D), jnp.float32),
            pltpu.MemorySpace.VMEM_SHARED((_N + 8, _D), jnp.float32),
            pltpu.SemaphoreType.DMA,
            pltpu.SemaphoreType.DMA,
        ],
    )


def _run_agg(y, srcp, dstp):
    return _agg_kernel()(y, srcp, dstp)



def _dinv_block(deg_ref):
    deg = deg_ref[0, :, 0] + deg_ref[1, :, 0] + 1.0
    return (1.0 / jnp.sqrt(deg))[:, None]


def _lin1_body(deg_ref, x1_ref, x2_ref, w_ref, y_ref):
    w = w_ref[...]
    xw = jnp.dot(x1_ref[...], w[:_D, :], preferred_element_type=jnp.float32)
    xw = xw + jnp.dot(x2_ref[...], w[_D:, :], preferred_element_type=jnp.float32)
    y_ref[...] = xw * _dinv_block(deg_ref)


def _mid_body(deg_ref, z_ref, b_ref, w_ref, y_ref):
    dinv = _dinv_block(deg_ref)
    z = jnp.concatenate([z_ref[0], z_ref[1]], axis=-1)
    h = jnp.maximum(z * dinv + b_ref[...], 0.0)
    y_ref[...] = jnp.dot(h, w_ref[...], preferred_element_type=jnp.float32) * dinv


def _out_body(deg_ref, z_ref, b_ref, wfc_ref, bfc_ref, o_ref):
    dinv = _dinv_block(deg_ref)
    z = jnp.concatenate([z_ref[0], z_ref[1]], axis=-1)
    h = jnp.maximum(z * dinv + b_ref[...], 0.0)
    o_ref[...] = (jnp.dot(h, wfc_ref[...], preferred_element_type=jnp.float32)
                  + bfc_ref[...])


_NRB = _N // _NB


def _lin1(deg2, x1, x2, W1):
    return pl.pallas_call(
        _lin1_body,
        grid=(2, _NRB),
        in_specs=[
            pl.BlockSpec((2, _NB, _D), lambda c, r: (0, r, 0)),
            pl.BlockSpec((_NB, _D), lambda c, r: (r, 0)),
            pl.BlockSpec((_NB, _D), lambda c, r: (r, 0)),
            pl.BlockSpec((_H, _D), lambda c, r: (0, c)),
        ],
        out_specs=pl.BlockSpec((_NB, _D), lambda c, r: (c * _NRB + r, 0)),
        out_shape=jax.ShapeDtypeStruct((2 * _N, _D), jnp.float32),
    )(deg2, x1, x2, W1)


def _mid(deg2, z, b1, W2):
    return pl.pallas_call(
        _mid_body,
        grid=(2, _NRB),
        in_specs=[
            pl.BlockSpec((2, _NB, _D), lambda c, r: (0, r, 0)),
            pl.BlockSpec((2, _NB, _D), lambda c, r: (0, r, 0)),
            pl.BlockSpec((1, _H), lambda c, r: (0, 0)),
            pl.BlockSpec((_H, _D), lambda c, r: (0, c)),
        ],
        out_specs=pl.BlockSpec((_NB, _D), lambda c, r: (c * _NRB + r, 0)),
        out_shape=jax.ShapeDtypeStruct((2 * _N, _D), jnp.float32),
    )(deg2, z, b1, W2)


def _fc(deg2, z, b2, Wfc, bfc):
    return pl.pallas_call(
        _out_body,
        grid=(_NRB,),
        in_specs=[
            pl.BlockSpec((2, _NB, _D), lambda r: (0, r, 0)),
            pl.BlockSpec((2, _NB, _D), lambda r: (0, r, 0)),
            pl.BlockSpec((1, _H), lambda r: (0, 0)),
            pl.BlockSpec((_H, _OUT), lambda r: (0, 0)),
            pl.BlockSpec((1, _OUT), lambda r: (0, 0)),
        ],
        out_specs=pl.BlockSpec((_NB, _OUT), lambda r: (r, 0)),
        out_shape=jax.ShapeDtypeStruct((_N, _OUT), jnp.float32),
    )(deg2, z, b2, Wfc, bfc)



def kernel(input1, input2, edge_index, W1, b1, W2, b2, Wfc, bfc):
    src = edge_index[0]
    dst = edge_index[1]
    pad_a = _E2 - _E
    zpad = jnp.zeros((pad_a,), jnp.int32)
    srcp = jnp.concatenate([src, zpad, src + _N, zpad])
    dstp = jnp.concatenate([dst, jnp.full((pad_a,), _N, jnp.int32)])
    dstd = jnp.concatenate([dst, jnp.full((_E2D - _E,), _N, jnp.int32)])
    ones128 = jnp.ones((_K, _D), jnp.float32)
    zeros128 = jnp.zeros((_N, _D), jnp.float32)

    deg2 = _run_deg(dstd, ones128, zeros128).reshape(2, _N, _D)
    y1 = _lin1(deg2, input1, input2, W1)
    z1 = _run_agg(y1, srcp, dstp).reshape(2, _N, _D)
    y2 = _mid(deg2, z1, b1.reshape(1, _H), W2)
    z2 = _run_agg(y2, srcp, dstp).reshape(2, _N, _D)
    return _fc(deg2, z2, b2.reshape(1, _H), Wfc, bfc.reshape(1, _OUT))

# --- scband reference (transcript-rebuilt; emitter-appended) ---
"""Pipeline reference for scband-fusion-gnn-41601053229622 (READ-ONLY COPY).

The authoritative reference and input builder live on the scoring server;
editing this copy changes nothing except your own understanding.
"""

import jax, jax.numpy as jnp
import numpy as np

N = 10000
E = 320000
D = 128
H = 256
OUT = 128


def setup_inputs(seed: int = 0) -> dict:
    key = jax.random.key(seed)
    ks = jax.random.split(key, 10)
    input1 = jax.random.normal(ks[0], (N, D), dtype=jnp.float32)
    input2 = jax.random.normal(ks[1], (N, D), dtype=jnp.float32)
    edge_index = jax.random.randint(ks[2], (2, E), 0, N, dtype=jnp.int32)
    W1 = jax.random.normal(ks[3], (2 * D, H), dtype=jnp.float32) * (1.0 / np.sqrt(2 * D))
    b1 = jnp.zeros((H,), dtype=jnp.float32)
    W2 = jax.random.normal(ks[4], (H, H), dtype=jnp.float32) * (1.0 / np.sqrt(H))
    b2 = jnp.zeros((H,), dtype=jnp.float32)
    Wfc = jax.random.normal(ks[5], (H, OUT), dtype=jnp.float32) * (1.0 / np.sqrt(H))
    bfc = jnp.zeros((OUT,), dtype=jnp.float32)
    return {"input1": input1, "input2": input2, "edge_index": edge_index,
            "W1": W1, "b1": b1, "W2": W2, "b2": b2, "Wfc": Wfc, "bfc": bfc}


def gcn_conv(x, edge_index, W, b):
    # PyG GCNConv: linear transform, add self-loops, symmetric normalization, scatter-add to dst
    x = x @ W
    loop = jnp.arange(N, dtype=edge_index.dtype)
    src = jnp.concatenate([edge_index[0], loop])
    dst = jnp.concatenate([edge_index[1], loop])
    deg = jax.ops.segment_sum(jnp.ones_like(dst, dtype=jnp.float32), dst, num_segments=N)
    deg_inv_sqrt = jnp.where(deg > 0, 1.0 / jnp.sqrt(deg), 0.0)
    norm = deg_inv_sqrt[src] * deg_inv_sqrt[dst]
    msgs = norm[:, None] * x[src]
    out = jax.ops.segment_sum(msgs, dst, num_segments=N)
    return out + b


def reference(input1, input2, edge_index, W1, b1, W2, b2, Wfc, bfc):
    x = jnp.concatenate([input1, input2], axis=1)
    x = jax.nn.relu(gcn_conv(x, edge_index, W1, b1))
    # dropout is identity in eval mode
    x = jax.nn.relu(gcn_conv(x, edge_index, W2, b2))
    out = x @ Wfc + bfc
    return out

if __name__ == "__main__":
    import jax
    _d = setup_inputs()
    print(jax.jit(kernel)(*tuple(_d.values())))

</pallas_src>

<mosaic_0001>
#map = affine_map<(d0, d1) -> (0)>
#map1 = affine_map<(d0, d1) -> (0, 0)>
module attributes {stable_mosaic.version = 14 : i64} {
  func.func @_deg_body(%arg0: i32, %arg1: i32, %arg2: memref<323584xi32, #tpu.memory_space<hbm>>, %arg3: memref<128x128xf32, #tpu.memory_space<hbm>>, %arg4: memref<10000x128xf32, #tpu.memory_space<hbm>>, %arg5: memref<20000x128xf32, #tpu.memory_space<hbm>>, %arg6: memref<128xi32, #tpu.memory_space<vmem>>, %arg7: memref<128x128xf32, #tpu.memory_space<vmem>>, %arg8: memref<10008x128xf32, #tpu.memory_space<vmem_shared>>) attributes {dimension_semantics = [#tpu.dimension_semantics<core_parallel>, #tpu.dimension_semantics<subcore_parallel>], iteration_bounds = array<i64: 2, 16>, scalar_prefetch = 0 : i64, scratch_operands = 3 : i64, tpu.core_type = #tpu.core_type<sc_vector_subcore>, window_params = [{transform_indices = #map}, {transform_indices = #map1}, {transform_indices = #map1}, {transform_indices = #map1}]} {
    %add3A = arith.constant 0 : i32
    %add3A_0 = arith.addi %arg1, %add3A : i32
    %lt3A = arith.constant 125 : i32
    %lt3A_1 = arith.cmpi slt, %add3A_0, %lt3A : i32
    %convert_element_type3A = arith.extui %lt3A_1 : i1 to i32
    %cond3A = arith.constant 0 : i32
    %cond3A_2 = arith.cmpi ne, %convert_element_type3A, %cond3A : i32
    scf.if %cond3A_2 {
      %mul3A_118 = arith.constant 80 : i32
      %mul3A_119 = arith.muli %add3A_0, %mul3A_118 : i32
      "tpu.region"() ({
        %run_scoped3A = tpu.sem_alloc : memref<!tpu.dma_semaphore, #tpu.memory_space<semaphore_mem>>
        %dma_start3A = arith.constant 0 : i32
        %dma_start3A_120 = tpu.memref_slice %arg8[%mul3A_119, %dma_start3A] : memref<10008x128xf32, #tpu.memory_space<vmem_shared>> -> memref<80x128xf32, #tpu.memory_space<vmem_shared>>
        %dma_start3A_121 = arith.constant 0 : i32
        %dma_start3A_122 = tpu.memref_slice %arg4[%mul3A_119, %dma_start3A_121] : memref<10000x128xf32, #tpu.memory_space<hbm>> -> memref<80x128xf32, #tpu.memory_space<hbm>>
        tpu.enqueue_dma source(%dma_start3A_122 : memref<80x128xf32, #tpu.memory_space<hbm>>) target(%dma_start3A_120 : memref<80x128xf32, #tpu.memory_space<vmem_shared>>) target_semaphore(%run_scoped3A : memref<!tpu.dma_semaphore, #tpu.memory_space<semaphore_mem>>)
        %dma_wait3A = arith.constant 0 : i32
        %dma_wait3A_123 = tpu.memref_slice %arg8[%mul3A_119, %dma_wait3A] : memref<10008x128xf32, #tpu.memory_space<vmem_shared>> -> memref<80x128xf32, #tpu.memory_space<vmem_shared>>
        %dma_wait3A_124 = arith.constant 0 : i32
        %dma_wait3A_125 = tpu.memref_slice %arg4[%mul3A_119, %dma_wait3A_124] : memref<10000x128xf32, #tpu.memory_space<hbm>> -> memref<80x128xf32, #tpu.memory_space<hbm>>
        tpu.wait_dma2 semaphore(%run_scoped3A : memref<!tpu.dma_semaphore, #tpu.memory_space<semaphore_mem>>) src(%dma_wait3A_125 : memref<80x128xf32, #tpu.memory_space<hbm>>) dst(%dma_wait3A_123 : memref<80x128xf32, #tpu.memory_space<vmem_shared>>)
        tpu.yield
      }) : () -> ()
    } else {
    }
    %add3A_3 = arith.constant 16 : i32
    %add3A_4 = arith.addi %arg1, %add3A_3 : i32
    %lt3A_5 = arith.constant 125 : i32
    %lt3A_6 = arith.cmpi slt, %add3A_4, %lt3A_5 : i32
    %convert_element_type3A_7 = arith.extui %lt3A_6 : i1 to i32
    %cond3A_8 = arith.constant 0 : i32
    %cond3A_9 = arith.cmpi ne, %convert_element_type3A_7, %cond3A_8 : i32
    scf.if %cond3A_9 {
      %mul3A_118 = arith.constant 80 : i32
      %mul3A_119 = arith.muli %add3A_4, %mul3A_118 : i32
      "tpu.region"() ({
        %run_scoped3A = tpu.sem_alloc : memref<!tpu.dma_semaphore, #tpu.memory_space<semaphore_mem>>
        %dma_start3A = arith.constant 0 : i32
        %dma_start3A_120 = tpu.memref_slice %arg8[%mul3A_119, %dma_start3A] : memref<10008x128xf32, #tpu.memory_space<vmem_shared>> -> memref<80x128xf32, #tpu.memory_space<vmem_shared>>
        %dma_start3A_121 = arith.constant 0 : i32
        %dma_start3A_122 = tpu.memref_slice %arg4[%mul3A_119, %dma_start3A_121] : memref<10000x128xf32, #tpu.memory_space<hbm>> -> memref<80x128xf32, #tpu.memory_space<hbm>>
        tpu.enqueue_dma source(%dma_start3A_122 : memref<80x128xf32, #tpu.memory_space<hbm>>) target(%dma_start3A_120 : memref<80x128xf32, #tpu.memory_space<vmem_shared>>) target_semaphore(%run_scoped3A : memref<!tpu.dma_semaphore, #tpu.memory_space<semaphore_mem>>)
        %dma_wait3A = arith.constant 0 : i32
        %dma_wait3A_123 = tpu.memref_slice %arg8[%mul3A_119, %dma_wait3A] : memref<10008x128xf32, #tpu.memory_space<vmem_shared>> -> memref<80x128xf32, #tpu.memory_space<vmem_shared>>
        %dma_wait3A_124 = arith.constant 0 : i32
        %dma_wait3A_125 = tpu.memref_slice %arg4[%mul3A_119, %dma_wait3A_124] : memref<10000x128xf32, #tpu.memory_space<hbm>> -> memref<80x128xf32, #tpu.memory_space<hbm>>
        tpu.wait_dma2 semaphore(%run_scoped3A : memref<!tpu.dma_semaphore, #tpu.memory_space<semaphore_mem>>) src(%dma_wait3A_125 : memref<80x128xf32, #tpu.memory_space<hbm>>) dst(%dma_wait3A_123 : memref<80x128xf32, #tpu.memory_space<vmem_shared>>)
        tpu.yield
      }) : () -> ()
    } else {
    }
    %add3A_10 = arith.constant 32 : i32
    %add3A_11 = arith.addi %arg1, %add3A_10 : i32
    %lt3A_12 = arith.constant 125 : i32
    %lt3A_13 = arith.cmpi slt, %add3A_11, %lt3A_12 : i32
    %convert_element_type3A_14 = arith.extui %lt3A_13 : i1 to i32
    %cond3A_15 = arith.constant 0 : i32
    %cond3A_16 = arith.cmpi ne, %convert_element_type3A_14, %cond3A_15 : i32
    scf.if %cond3A_16 {
      %mul3A_118 = arith.constant 80 : i32
      %mul3A_119 = arith.muli %add3A_11, %mul3A_118 : i32
      "tpu.region"() ({
        %run_scoped3A = tpu.sem_alloc : memref<!tpu.dma_semaphore, #tpu.memory_space<semaphore_mem>>
        %dma_start3A = arith.constant 0 : i32
        %dma_start3A_120 = tpu.memref_slice %arg8[%mul3A_119, %dma_start3A] : memref<10008x128xf32, #tpu.memory_space<vmem_shared>> -> memref<80x128xf32, #tpu.memory_space<vmem_shared>>
        %dma_start3A_121 = arith.constant 0 : i32
        %dma_start3A_122 = tpu.memref_slice %arg4[%mul3A_119, %dma_start3A_121] : memref<10000x128xf32, #tpu.memory_space<hbm>> -> memref<80x128xf32, #tpu.memory_space<hbm>>
        tpu.enqueue_dma source(%dma_start3A_122 : memref<80x128xf32, #tpu.memory_space<hbm>>) target(%dma_start3A_120 : memref<80x128xf32, #tpu.memory_space<vmem_shared>>) target_semaphore(%run_scoped3A : memref<!tpu.dma_semaphore, #tpu.memory_space<semaphore_mem>>)
        %dma_wait3A = arith.constant 0 : i32
        %dma_wait3A_123 = tpu.memref_slice %arg8[%mul3A_119, %dma_wait3A] : memref<10008x128xf32, #tpu.memory_space<vmem_shared>> -> memref<80x128xf32, #tpu.memory_space<vmem_shared>>
        %dma_wait3A_124 = arith.constant 0 : i32
        %dma_wait3A_125 = tpu.memref_slice %arg4[%mul3A_119, %dma_wait3A_124] : memref<10000x128xf32, #tpu.memory_space<hbm>> -> memref<80x128xf32, #tpu.memory_space<hbm>>
        tpu.wait_dma2 semaphore(%run_scoped3A : memref<!tpu.dma_semaphore, #tpu.memory_space<semaphore_mem>>) src(%dma_wait3A_125 : memref<80x128xf32, #tpu.memory_space<hbm>>) dst(%dma_wait3A_123 : memref<80x128xf32, #tpu.memory_space<vmem_shared>>)
        tpu.yield
      }) : () -> ()
    } else {
    }
    %add3A_17 = arith.constant 48 : i32
    %add3A_18 = arith.addi %arg1, %add3A_17 : i32
    %lt3A_19 = arith.constant 125 : i32
    %lt3A_20 = arith.cmpi slt, %add3A_18, %lt3A_19 : i32
    %convert_element_type3A_21 = arith.extui %lt3A_20 : i1 to i32
    %cond3A_22 = arith.constant 0 : i32
    %cond3A_23 = arith.cmpi ne, %convert_element_type3A_21, %cond3A_22 : i32
    scf.if %cond3A_23 {
      %mul3A_118 = arith.constant 80 : i32
      %mul3A_119 = arith.muli %add3A_18, %mul3A_118 : i32
      "tpu.region"() ({
        %run_scoped3A = tpu.sem_alloc : memref<!tpu.dma_semaphore, #tpu.memory_space<semaphore_mem>>
        %dma_start3A = arith.constant 0 : i32
        %dma_start3A_120 = tpu.memref_slice %arg8[%mul3A_119, %dma_start3A] : memref<10008x128xf32, #tpu.memory_space<vmem_shared>> -> memref<80x128xf32, #tpu.memory_space<vmem_shared>>
        %dma_start3A_121 = arith.constant 0 : i32
        %dma_start3A_122 = tpu.memref_slice %arg4[%mul3A_119, %dma_start3A_121] : memref<10000x128xf32, #tpu.memory_space<hbm>> -> memref<80x128xf32, #tpu.memory_space<hbm>>
        tpu.enqueue_dma source(%dma_start3A_122 : memref<80x128xf32, #tpu.memory_space<hbm>>) target(%dma_start3A_120 : memref<80x128xf32, #tpu.memory_space<vmem_shared>>) target_semaphore(%run_scoped3A : memref<!tpu.dma_semaphore, #tpu.memory_space<semaphore_mem>>)
        %dma_wait3A = arith.constant 0 : i32
        %dma_wait3A_123 = tpu.memref_slice %arg8[%mul3A_119, %dma_wait3A] : memref<10008x128xf32, #tpu.memory_space<vmem_shared>> -> memref<80x128xf32, #tpu.memory_space<vmem_shared>>
        %dma_wait3A_124 = arith.constant 0 : i32
        %dma_wait3A_125 = tpu.memref_slice %arg4[%mul3A_119, %dma_wait3A_124] : memref<10000x128xf32, #tpu.memory_space<hbm>> -> memref<80x128xf32, #tpu.memory_space<hbm>>
        tpu.wait_dma2 semaphore(%run_scoped3A : memref<!tpu.dma_semaphore, #tpu.memory_space<semaphore_mem>>) src(%dma_wait3A_125 : memref<80x128xf32, #tpu.memory_space<hbm>>) dst(%dma_wait3A_123 : memref<80x128xf32, #tpu.memory_space<vmem_shared>>)
        tpu.yield
      }) : () -> ()
    } else {
    }
    %add3A_24 = arith.constant 64 : i32
    %add3A_25 = arith.addi %arg1, %add3A_24 : i32
    %lt3A_26 = arith.constant 125 : i32
    %lt3A_27 = arith.cmpi slt, %add3A_25, %lt3A_26 : i32
    %convert_element_type3A_28 = arith.extui %lt3A_27 : i1 to i32
    %cond3A_29 = arith.constant 0 : i32
    %cond3A_30 = arith.cmpi ne, %convert_element_type3A_28, %cond3A_29 : i32
    scf.if %cond3A_30 {
      %mul3A_118 = arith.constant 80 : i32
      %mul3A_119 = arith.muli %add3A_25, %mul3A_118 : i32
      "tpu.region"() ({
        %run_scoped3A = tpu.sem_alloc : memref<!tpu.dma_semaphore, #tpu.memory_space<semaphore_mem>>
        %dma_start3A = arith.constant 0 : i32
        %dma_start3A_120 = tpu.memref_slice %arg8[%mul3A_119, %dma_start3A] : memref<10008x128xf32, #tpu.memory_space<vmem_shared>> -> memref<80x128xf32, #tpu.memory_space<vmem_shared>>
        %dma_start3A_121 = arith.constant 0 : i32
        %dma_start3A_122 = tpu.memref_slice %arg4[%mul3A_119, %dma_start3A_121] : memref<10000x128xf32, #tpu.memory_space<hbm>> -> memref<80x128xf32, #tpu.memory_space<hbm>>
        tpu.enqueue_dma source(%dma_start3A_122 : memref<80x128xf32, #tpu.memory_space<hbm>>) target(%dma_start3A_120 : memref<80x128xf32, #tpu.memory_space<vmem_shared>>) target_semaphore(%run_scoped3A : memref<!tpu.dma_semaphore, #tpu.memory_space<semaphore_mem>>)
        %dma_wait3A = arith.constant 0 : i32
        %dma_wait3A_123 = tpu.memref_slice %arg8[%mul3A_119, %dma_wait3A] : memref<10008x128xf32, #tpu.memory_space<vmem_shared>> -> memref<80x128xf32, #tpu.memory_space<vmem_shared>>
        %dma_wait3A_124 = arith.constant 0 : i32
        %dma_wait3A_125 = tpu.memref_slice %arg4[%mul3A_119, %dma_wait3A_124] : memref<10000x128xf32, #tpu.memory_space<hbm>> -> memref<80x128xf32, #tpu.memory_space<hbm>>
        tpu.wait_dma2 semaphore(%run_scoped3A : memref<!tpu.dma_semaphore, #tpu.memory_space<semaphore_mem>>) src(%dma_wait3A_125 : memref<80x128xf32, #tpu.memory_space<hbm>>) dst(%dma_wait3A_123 : memref<80x128xf32, #tpu.memory_space<vmem_shared>>)
        tpu.yield
      }) : () -> ()
    } else {
    }
    %add3A_31 = arith.constant 80 : i32
    %add3A_32 = arith.addi %arg1, %add3A_31 : i32
    %lt3A_33 = arith.constant 125 : i32
    %lt3A_34 = arith.cmpi slt, %add3A_32, %lt3A_33 : i32
    %convert_element_type3A_35 = arith.extui %lt3A_34 : i1 to i32
    %cond3A_36 = arith.constant 0 : i32
    %cond3A_37 = arith.cmpi ne, %convert_element_type3A_35, %cond3A_36 : i32
    scf.if %cond3A_37 {
      %mul3A_118 = arith.constant 80 : i32
      %mul3A_119 = arith.muli %add3A_32, %mul3A_118 : i32
      "tpu.region"() ({
        %run_scoped3A = tpu.sem_alloc : memref<!tpu.dma_semaphore, #tpu.memory_space<semaphore_mem>>
        %dma_start3A = arith.constant 0 : i32
        %dma_start3A_120 = tpu.memref_slice %arg8[%mul3A_119, %dma_start3A] : memref<10008x128xf32, #tpu.memory_space<vmem_shared>> -> memref<80x128xf32, #tpu.memory_space<vmem_shared>>
        %dma_start3A_121 = arith.constant 0 : i32
        %dma_start3A_122 = tpu.memref_slice %arg4[%mul3A_119, %dma_start3A_121] : memref<10000x128xf32, #tpu.memory_space<hbm>> -> memref<80x128xf32, #tpu.memory_space<hbm>>
        tpu.enqueue_dma source(%dma_start3A_122 : memref<80x128xf32, #tpu.memory_space<hbm>>) target(%dma_start3A_120 : memref<80x128xf32, #tpu.memory_space<vmem_shared>>) target_semaphore(%run_scoped3A : memref<!tpu.dma_semaphore, #tpu.memory_space<semaphore_mem>>)
        %dma_wait3A = arith.constant 0 : i32
        %dma_wait3A_123 = tpu.memref_slice %arg8[%mul3A_119, %dma_wait3A] : memref<10008x128xf32, #tpu.memory_space<vmem_shared>> -> memref<80x128xf32, #tpu.memory_space<vmem_shared>>
        %dma_wait3A_124 = arith.constant 0 : i32
        %dma_wait3A_125 = tpu.memref_slice %arg4[%mul3A_119, %dma_wait3A_124] : memref<10000x128xf32, #tpu.memory_space<hbm>> -> memref<80x128xf32, #tpu.memory_space<hbm>>
        tpu.wait_dma2 semaphore(%run_scoped3A : memref<!tpu.dma_semaphore, #tpu.memory_space<semaphore_mem>>) src(%dma_wait3A_125 : memref<80x128xf32, #tpu.memory_space<hbm>>) dst(%dma_wait3A_123 : memref<80x128xf32, #tpu.memory_space<vmem_shared>>)
        tpu.yield
      }) : () -> ()
    } else {
    }
    %add3A_38 = arith.constant 96 : i32
    %add3A_39 = arith.addi %arg1, %add3A_38 : i32
    %lt3A_40 = arith.constant 125 : i32
    %lt3A_41 = arith.cmpi slt, %add3A_39, %lt3A_40 : i32
    %convert_element_type3A_42 = arith.extui %lt3A_41 : i1 to i32
    %cond3A_43 = arith.constant 0 : i32
    %cond3A_44 = arith.cmpi ne, %convert_element_type3A_42, %cond3A_43 : i32
    scf.if %cond3A_44 {
      %mul3A_118 = arith.constant 80 : i32
      %mul3A_119 = arith.muli %add3A_39, %mul3A_118 : i32
      "tpu.region"() ({
        %run_scoped3A = tpu.sem_alloc : memref<!tpu.dma_semaphore, #tpu.memory_space<semaphore_mem>>
        %dma_start3A = arith.constant 0 : i32
        %dma_start3A_120 = tpu.memref_slice %arg8[%mul3A_119, %dma_start3A] : memref<10008x128xf32, #tpu.memory_space<vmem_shared>> -> memref<80x128xf32, #tpu.memory_space<vmem_shared>>
        %dma_start3A_121 = arith.constant 0 : i32
        %dma_start3A_122 = tpu.memref_slice %arg4[%mul3A_119, %dma_start3A_121] : memref<10000x128xf32, #tpu.memory_space<hbm>> -> memref<80x128xf32, #tpu.memory_space<hbm>>
        tpu.enqueue_dma source(%dma_start3A_122 : memref<80x128xf32, #tpu.memory_space<hbm>>) target(%dma_start3A_120 : memref<80x128xf32, #tpu.memory_space<vmem_shared>>) target_semaphore(%run_scoped3A : memref<!tpu.dma_semaphore, #tpu.memory_space<semaphore_mem>>)
        %dma_wait3A = arith.constant 0 : i32
        %dma_wait3A_123 = tpu.memref_slice %arg8[%mul3A_119, %dma_wait3A] : memref<10008x128xf32, #tpu.memory_space<vmem_shared>> -> memref<80x128xf32, #tpu.memory_space<vmem_shared>>
        %dma_wait3A_124 = arith.constant 0 : i32
        %dma_wait3A_125 = tpu.memref_slice %arg4[%mul3A_119, %dma_wait3A_124] : memref<10000x128xf32, #tpu.memory_space<hbm>> -> memref<80x128xf32, #tpu.memory_space<hbm>>
        tpu.wait_dma2 semaphore(%run_scoped3A : memref<!tpu.dma_semaphore, #tpu.memory_space<semaphore_mem>>) src(%dma_wait3A_125 : memref<80x128xf32, #tpu.memory_space<hbm>>) dst(%dma_wait3A_123 : memref<80x128xf32, #tpu.memory_space<vmem_shared>>)
        tpu.yield
      }) : () -> ()
    } else {
    }
    %add3A_45 = arith.constant 112 : i32
    %add3A_46 = arith.addi %arg1, %add3A_45 : i32
    %lt3A_47 = arith.constant 125 : i32
    %lt3A_48 = arith.cmpi slt, %add3A_46, %lt3A_47 : i32
    %convert_element_type3A_49 = arith.extui %lt3A_48 : i1 to i32
    %cond3A_50 = arith.constant 0 : i32
    %cond3A_51 = arith.cmpi ne, %convert_element_type3A_49, %cond3A_50 : i32
    scf.if %cond3A_51 {
      %mul3A_118 = arith.constant 80 : i32
      %mul3A_119 = arith.muli %add3A_46, %mul3A_118 : i32
      "tpu.region"() ({
        %run_scoped3A = tpu.sem_alloc : memref<!tpu.dma_semaphore, #tpu.memory_space<semaphore_mem>>
        %dma_start3A = arith.constant 0 : i32
        %dma_start3A_120 = tpu.memref_slice %arg8[%mul3A_119, %dma_start3A] : memref<10008x128xf32, #tpu.memory_space<vmem_shared>> -> memref<80x128xf32, #tpu.memory_space<vmem_shared>>
        %dma_start3A_121 = arith.constant 0 : i32
        %dma_start3A_122 = tpu.memref_slice %arg4[%mul3A_119, %dma_start3A_121] : memref<10000x128xf32, #tpu.memory_space<hbm>> -> memref<80x128xf32, #tpu.memory_space<hbm>>
        tpu.enqueue_dma source(%dma_start3A_122 : memref<80x128xf32, #tpu.memory_space<hbm>>) target(%dma_start3A_120 : memref<80x128xf32, #tpu.memory_space<vmem_shared>>) target_semaphore(%run_scoped3A : memref<!tpu.dma_semaphore, #tpu.memory_space<semaphore_mem>>)
        %dma_wait3A = arith.constant 0 : i32
        %dma_wait3A_123 = tpu.memref_slice %arg8[%mul3A_119, %dma_wait3A] : memref<10008x128xf32, #tpu.memory_space<vmem_shared>> -> memref<80x128xf32, #tpu.memory_space<vmem_shared>>
        %dma_wait3A_124 = arith.constant 0 : i32
        %dma_wait3A_125 = tpu.memref_slice %arg4[%mul3A_119, %dma_wait3A_124] : memref<10000x128xf32, #tpu.memory_space<hbm>> -> memref<80x128xf32, #tpu.memory_space<hbm>>
        tpu.wait_dma2 semaphore(%run_scoped3A : memref<!tpu.dma_semaphore, #tpu.memory_space<semaphore_mem>>) src(%dma_wait3A_125 : memref<80x128xf32, #tpu.memory_space<hbm>>) dst(%dma_wait3A_123 : memref<80x128xf32, #tpu.memory_space<vmem_shared>>)
        tpu.yield
      }) : () -> ()
    } else {
    }
    "tpu.region"() ({
      %run_scoped3A = tpu.sem_alloc : memref<!tpu.dma_semaphore, #tpu.memory_space<semaphore_mem>>
      tpu.enqueue_dma source(%arg3 : memref<128x128xf32, #tpu.memory_space<hbm>>) target(%arg7 : memref<128x128xf32, #tpu.memory_space<vmem>>) target_semaphore(%run_scoped3A : memref<!tpu.dma_semaphore, #tpu.memory_space<semaphore_mem>>)
      tpu.wait_dma2 semaphore(%run_scoped3A : memref<!tpu.dma_semaphore, #tpu.memory_space<semaphore_mem>>) src(%arg3 : memref<128x128xf32, #tpu.memory_space<hbm>>) dst(%arg7 : memref<128x128xf32, #tpu.memory_space<vmem>>)
      tpu.yield
    }) : () -> ()
    %barrier3A = arith.constant 0 : index
    tpu.barrier barrier_id(%barrier3A)
    %mul3A = arith.constant 16 : i32
    %mul3A_52 = arith.muli %arg0, %mul3A : i32
    %add3A_53 = arith.addi %mul3A_52, %arg1 : i32
    %mul3A_54 = arith.constant 10112 : i32
    %mul3A_55 = arith.muli %add3A_53, %mul3A_54 : i32
    %scan3A = arith.constant 0 : i32
    %scan3A_56 = arith.constant 0 : i32
    %scan3A_57 = arith.constant 79 : i32
    %scan3A_58 = arith.addi %scan3A_56, %scan3A_57 : i32
    %scan3A_59 = arith.constant 1 : i32
    scf.for %scan3A_118 = %scan3A_56 to %scan3A_58 step %scan3A_59  : i32 {
      %mul3A_119 = arith.constant 128 : i32
      %mul3A_120 = arith.muli %scan3A_118, %mul3A_119 : i32
      %add3A_121 = arith.addi %mul3A_55, %mul3A_120 : i32
      "tpu.region"() ({
        %run_scoped3A = tpu.sem_alloc : memref<!tpu.dma_semaphore, #tpu.memory_space<semaphore_mem>>
        %dma_start3A = tpu.memref_slice %arg2[%add3A_121] : memref<323584xi32, #tpu.memory_space<hbm>> -> memref<128xi32, #tpu.memory_space<hbm>>
        %dma_start3A_122 = tpu.memref_slice %arg2[%add3A_121] : memref<323584xi32, #tpu.memory_space<hbm>> -> memref<128xi32, #tpu.memory_space<hbm>>
        tpu.enqueue_dma source(%dma_start3A_122 : memref<128xi32, #tpu.memory_space<hbm>>) target(%arg6 : memref<128xi32, #tpu.memory_space<vmem>>) target_semaphore(%run_scoped3A : memref<!tpu.dma_semaphore, #tpu.memory_space<semaphore_mem>>)
        %dma_wait3A = tpu.memref_slice %arg2[%add3A_121] : memref<323584xi32, #tpu.memory_space<hbm>> -> memref<128xi32, #tpu.memory_space<hbm>>
        %dma_wait3A_123 = tpu.memref_slice %arg2[%add3A_121] : memref<323584xi32, #tpu.memory_space<hbm>> -> memref<128xi32, #tpu.memory_space<hbm>>
        tpu.wait_dma2 semaphore(%run_scoped3A : memref<!tpu.dma_semaphore, #tpu.memory_space<semaphore_mem>>) src(%dma_wait3A_123 : memref<128xi32, #tpu.memory_space<hbm>>) dst(%arg6 : memref<128xi32, #tpu.memory_space<vmem>>)
        tpu.yield
      }) : () -> ()
      "tpu.region"() ({
        %run_scoped3A = tpu.sem_alloc : memref<!tpu.dma_semaphore, #tpu.memory_space<semaphore_mem>>
        %dma_start3A = arith.constant 0 : i32
        %dma_start3A_122 = arith.constant 0 : i32
        %dma_start3A_123 = tpu.memref_slice %arg8[%dma_start3A, %dma_start3A_122] : memref<10008x128xf32, #tpu.memory_space<vmem_shared>> -> memref<10008x128xf32, #tpu.memory_space<vmem_shared>>
        tpu.enqueue_indirect_dma source(%arg7 : memref<128x128xf32, #tpu.memory_space<vmem>>) target(%dma_start3A_123 : memref<10008x128xf32, #tpu.memory_space<vmem_shared>>) offsets(%arg6 : memref<128xi32, #tpu.memory_space<vmem>>) semaphore(%run_scoped3A : memref<!tpu.dma_semaphore, #tpu.memory_space<semaphore_mem>>) {add = true}
        %dma_wait3A = arith.constant 0 : i32
        %dma_wait3A_124 = arith.constant 0 : i32
        %dma_wait3A_125 = tpu.memref_slice %arg8[%dma_wait3A, %dma_wait3A_124] : memref<10008x128xf32, #tpu.memory_space<vmem_shared>> -> memref<10008x128xf32, #tpu.memory_space<vmem_shared>>
        tpu.wait_indirect_dma semaphore(%run_scoped3A : memref<!tpu.dma_semaphore, #tpu.memory_space<semaphore_mem>>) src(%arg7 : memref<128x128xf32, #tpu.memory_space<vmem>>) dst(%dma_wait3A_125 : memref<10008x128xf32, #tpu.memory_space<vmem_shared>>)
        tpu.yield
      }) : () -> ()
    }
    %scan3A_60 = arith.constant 79 : i32
    %barrier3A_61 = arith.constant 0 : index
    tpu.barrier barrier_id(%barrier3A_61)
    %add3A_62 = arith.constant 0 : i32
    %add3A_63 = arith.addi %arg1, %add3A_62 : i32
    %lt3A_64 = arith.constant 125 : i32
    %lt3A_65 = arith.cmpi slt, %add3A_63, %lt3A_64 : i32
    %convert_element_type3A_66 = arith.extui %lt3A_65 : i1 to i32
    %cond3A_67 = arith.constant 0 : i32
    %cond3A_68 = arith.cmpi ne, %convert_element_type3A_66, %cond3A_67 : i32
    scf.if %cond3A_68 {
      %mul3A_118 = arith.constant 80 : i32
      %mul3A_119 = arith.muli %add3A_63, %mul3A_118 : i32
      %mul3A_120 = arith.constant 10000 : i32
      %mul3A_121 = arith.muli %arg0, %mul3A_120 : i32
      %add3A_122 = arith.addi %mul3A_121, %mul3A_119 : i32
      "tpu.region"() ({
        %run_scoped3A = tpu.sem_alloc : memref<!tpu.dma_semaphore, #tpu.memory_space<semaphore_mem>>
        %dma_start3A = arith.constant 0 : i32
        %dma_start3A_123 = tpu.memref_slice %arg5[%add3A_122, %dma_start3A] : memref<20000x128xf32, #tpu.memory_space<hbm>> -> memref<80x128xf32, #tpu.memory_space<hbm>>
        %dma_start3A_124 = arith.constant 0 : i32
        %dma_start3A_125 = tpu.memref_slice %arg8[%mul3A_119, %dma_start3A_124] : memref<10008x128xf32, #tpu.memory_space<vmem_shared>> -> memref<80x128xf32, #tpu.memory_space<vmem_shared>>
        tpu.enqueue_dma source(%dma_start3A_125 : memref<80x128xf32, #tpu.memory_space<vmem_shared>>) target(%dma_start3A_123 : memref<80x128xf32, #tpu.memory_space<hbm>>) target_semaphore(%run_scoped3A : memref<!tpu.dma_semaphore, #tpu.memory_space<semaphore_mem>>)
        %dma_wait3A = arith.constant 0 : i32
        %dma_wait3A_126 = tpu.memref_slice %arg5[%add3A_122, %dma_wait3A] : memref<20000x128xf32, #tpu.memory_space<hbm>> -> memref<80x128xf32, #tpu.memory_space<hbm>>
        %dma_wait3A_127 = arith.constant 0 : i32
        %dma_wait3A_128 = tpu.memref_slice %arg8[%mul3A_119, %dma_wait3A_127] : memref<10008x128xf32, #tpu.memory_space<vmem_shared>> -> memref<80x128xf32, #tpu.memory_space<vmem_shared>>
        tpu.wait_dma2 semaphore(%run_scoped3A : memref<!tpu.dma_semaphore, #tpu.memory_space<semaphore_mem>>) src(%dma_wait3A_128 : memref<80x128xf32, #tpu.memory_space<vmem_shared>>) dst(%dma_wait3A_126 : memref<80x128xf32, #tpu.memory_space<hbm>>)
        tpu.yield
      }) : () -> ()
    } else {
    }
    %add3A_69 = arith.constant 16 : i32
    %add3A_70 = arith.addi %arg1, %add3A_69 : i32
    %lt3A_71 = arith.constant 125 : i32
    %lt3A_72 = arith.cmpi slt, %add3A_70, %lt3A_71 : i32
    %convert_element_type3A_73 = arith.extui %lt3A_72 : i1 to i32
    %cond3A_74 = arith.constant 0 : i32
    %cond3A_75 = arith.cmpi ne, %convert_element_type3A_73, %cond3A_74 : i32
    scf.if %cond3A_75 {
      %mul3A_118 = arith.constant 80 : i32
      %mul3A_119 = arith.muli %add3A_70, %mul3A_118 : i32
      %mul3A_120 = arith.constant 10000 : i32
      %mul3A_121 = arith.muli %arg0, %mul3A_120 : i32
      %add3A_122 = arith.addi %mul3A_121, %mul3A_119 : i32
      "tpu.region"() ({
        %run_scoped3A = tpu.sem_alloc : memref<!tpu.dma_semaphore, #tpu.memory_space<semaphore_mem>>
        %dma_start3A = arith.constant 0 : i32
        %dma_start3A_123 = tpu.memref_slice %arg5[%add3A_122, %dma_start3A] : memref<20000x128xf32, #tpu.memory_space<hbm>> -> memref<80x128xf32, #tpu.memory_space<hbm>>
        %dma_start3A_124 = arith.constant 0 : i32
        %dma_start3A_125 = tpu.memref_slice %arg8[%mul3A_119, %dma_start3A_124] : memref<10008x128xf32, #tpu.memory_space<vmem_shared>> -> memref<80x128xf32, #tpu.memory_space<vmem_shared>>
        tpu.enqueue_dma source(%dma_start3A_125 : memref<80x128xf32, #tpu.memory_space<vmem_shared>>) target(%dma_start3A_123 : memref<80x128xf32, #tpu.memory_space<hbm>>) target_semaphore(%run_scoped3A : memref<!tpu.dma_semaphore, #tpu.memory_space<semaphore_mem>>)
        %dma_wait3A = arith.constant 0 : i32
        %dma_wait3A_126 = tpu.memref_slice %arg5[%add3A_122, %dma_wait3A] : memref<20000x128xf32, #tpu.memory_space<hbm>> -> memref<80x128xf32, #tpu.memory_space<hbm>>
        %dma_wait3A_127 = arith.constant 0 : i32
        %dma_wait3A_128 = tpu.memref_slice %arg8[%mul3A_119, %dma_wait3A_127] : memref<10008x128xf32, #tpu.memory_space<vmem_shared>> -> memref<80x128xf32, #tpu.memory_space<vmem_shared>>
        tpu.wait_dma2 semaphore(%run_scoped3A : memref<!tpu.dma_semaphore, #tpu.memory_space<semaphore_mem>>) src(%dma_wait3A_128 : memref<80x128xf32, #tpu.memory_space<vmem_shared>>) dst(%dma_wait3A_126 : memref<80x128xf32, #tpu.memory_space<hbm>>)
        tpu.yield
      }) : () -> ()
    } else {
    }
    %add3A_76 = arith.constant 32 : i32
    %add3A_77 = arith.addi %arg1, %add3A_76 : i32
    %lt3A_78 = arith.constant 125 : i32
    %lt3A_79 = arith.cmpi slt, %add3A_77, %lt3A_78 : i32
    %convert_element_type3A_80 = arith.extui %lt3A_79 : i1 to i32
    %cond3A_81 = arith.constant 0 : i32
    %cond3A_82 = arith.cmpi ne, %convert_element_type3A_80, %cond3A_81 : i32
    scf.if %cond3A_82 {
      %mul3A_118 = arith.constant 80 : i32
      %mul3A_119 = arith.muli %add3A_77, %mul3A_118 : i32
      %mul3A_120 = arith.constant 10000 : i32
      %mul3A_121 = arith.muli %arg0, %mul3A_120 : i32
      %add3A_122 = arith.addi %mul3A_121, %mul3A_119 : i32
      "tpu.region"() ({
        %run_scoped3A = tpu.sem_alloc : memref<!tpu.dma_semaphore, #tpu.memory_space<semaphore_mem>>
        %dma_start3A = arith.constant 0 : i32
        %dma_start3A_123 = tpu.memref_slice %arg5[%add3A_122, %dma_start3A] : memref<20000x128xf32, #tpu.memory_space<hbm>> -> memref<80x128xf32, #tpu.memory_space<hbm>>
        %dma_start3A_124 = arith.constant 0 : i32
        %dma_start3A_125 = tpu.memref_slice %arg8[%mul3A_119, %dma_start3A_124] : memref<10008x128xf32, #tpu.memory_space<vmem_shared>> -> memref<80x128xf32, #tpu.memory_space<vmem_shared>>
        tpu.enqueue_dma source(%dma_start3A_125 : memref<80x128xf32, #tpu.memory_space<vmem_shared>>) target(%dma_start3A_123 : memref<80x128xf32, #tpu.memory_space<hbm>>) target_semaphore(%run_scoped3A : memref<!tpu.dma_semaphore, #tpu.memory_space<semaphore_mem>>)
        %dma_wait3A = arith.constant 0 : i32
        %dma_wait3A_126 = tpu.memref_slice %arg5[%add3A_122, %dma_wait3A] : memref<20000x128xf32, #tpu.memory_space<hbm>> -> memref<80x128xf32, #tpu.memory_space<hbm>>
        %dma_wait3A_127 = arith.constant 0 : i32
        %dma_wait3A_128 = tpu.memref_slice %arg8[%mul3A_119, %dma_wait3A_127] : memref<10008x128xf32, #tpu.memory_space<vmem_shared>> -> memref<80x128xf32, #tpu.memory_space<vmem_shared>>
        tpu.wait_dma2 semaphore(%run_scoped3A : memref<!tpu.dma_semaphore, #tpu.memory_space<semaphore_mem>>) src(%dma_wait3A_128 : memref<80x128xf32, #tpu.memory_space<vmem_shared>>) dst(%dma_wait3A_126 : memref<80x128xf32, #tpu.memory_space<hbm>>)
        tpu.yield
      }) : () -> ()
    } else {
    }
    %add3A_83 = arith.constant 48 : i32
    %add3A_84 = arith.addi %arg1, %add3A_83 : i32
    %lt3A_85 = arith.constant 125 : i32
    %lt3A_86 = arith.cmpi slt, %add3A_84, %lt3A_85 : i32
    %convert_element_type3A_87 = arith.extui %lt3A_86 : i1 to i32
    %cond3A_88 = arith.constant 0 : i32
    %cond3A_89 = arith.cmpi ne, %convert_element_type3A_87, %cond3A_88 : i32
    scf.if %cond3A_89 {
      %mul3A_118 = arith.constant 80 : i32
      %mul3A_119 = arith.muli %add3A_84, %mul3A_118 : i32
      %mul3A_120 = arith.constant 10000 : i32
      %mul3A_121 = arith.muli %arg0, %mul3A_120 : i32
      %add3A_122 = arith.addi %mul3A_121, %mul3A_119 : i32
      "tpu.region"() ({
        %run_scoped3A = tpu.sem_alloc : memref<!tpu.dma_semaphore, #tpu.memory_space<semaphore_mem>>
        %dma_start3A = arith.constant 0 : i32
        %dma_start3A_123 = tpu.memref_slice %arg5[%add3A_122, %dma_start3A] : memref<20000x128xf32, #tpu.memory_space<hbm>> -> memref<80x128xf32, #tpu.memory_space<hbm>>
        %dma_start3A_124 = arith.constant 0 : i32
        %dma_start3A_125 = tpu.memref_slice %arg8[%mul3A_119, %dma_start3A_124] : memref<10008x128xf32, #tpu.memory_space<vmem_shared>> -> memref<80x128xf32, #tpu.memory_space<vmem_shared>>
        tpu.enqueue_dma source(%dma_start3A_125 : memref<80x128xf32, #tpu.memory_space<vmem_shared>>) target(%dma_start3A_123 : memref<80x128xf32, #tpu.memory_space<hbm>>) target_semaphore(%run_scoped3A : memref<!tpu.dma_semaphore, #tpu.memory_space<semaphore_mem>>)
        %dma_wait3A = arith.constant 0 : i32
        %dma_wait3A_126 = tpu.memref_slice %arg5[%add3A_122, %dma_wait3A] : memref<20000x128xf32, #tpu.memory_space<hbm>> -> memref<80x128xf32, #tpu.memory_space<hbm>>
        %dma_wait3A_127 = arith.constant 0 : i32
        %dma_wait3A_128 = tpu.memref_slice %arg8[%mul3A_119, %dma_wait3A_127] : memref<10008x128xf32, #tpu.memory_space<vmem_shared>> -> memref<80x128xf32, #tpu.memory_space<vmem_shared>>
        tpu.wait_dma2 semaphore(%run_scoped3A : memref<!tpu.dma_semaphore, #tpu.memory_space<semaphore_mem>>) src(%dma_wait3A_128 : memref<80x128xf32, #tpu.memory_space<vmem_shared>>) dst(%dma_wait3A_126 : memref<80x128xf32, #tpu.memory_space<hbm>>)
        tpu.yield
      }) : () -> ()
    } else {
    }
    %add3A_90 = arith.constant 64 : i32
    %add3A_91 = arith.addi %arg1, %add3A_90 : i32
    %lt3A_92 = arith.constant 125 : i32
    %lt3A_93 = arith.cmpi slt, %add3A_91, %lt3A_92 : i32
    %convert_element_type3A_94 = arith.extui %lt3A_93 : i1 to i32
    %cond3A_95 = arith.constant 0 : i32
    %cond3A_96 = arith.cmpi ne, %convert_element_type3A_94, %cond3A_95 : i32
    scf.if %cond3A_96 {
      %mul3A_118 = arith.constant 80 : i32
      %mul3A_119 = arith.muli %add3A_91, %mul3A_118 : i32
      %mul3A_120 = arith.constant 10000 : i32
      %mul3A_121 = arith.muli %arg0, %mul3A_120 : i32
      %add3A_122 = arith.addi %mul3A_121, %mul3A_119 : i32
      "tpu.region"() ({
        %run_scoped3A = tpu.sem_alloc : memref<!tpu.dma_semaphore, #tpu.memory_space<semaphore_mem>>
        %dma_start3A = arith.constant 0 : i32
        %dma_start3A_123 = tpu.memref_slice %arg5[%add3A_122, %dma_start3A] : memref<20000x128xf32, #tpu.memory_space<hbm>> -> memref<80x128xf32, #tpu.memory_space<hbm>>
        %dma_start3A_124 = arith.constant 0 : i32
        %dma_start3A_125 = tpu.memref_slice %arg8[%mul3A_119, %dma_start3A_124] : memref<10008x128xf32, #tpu.memory_space<vmem_shared>> -> memref<80x128xf32, #tpu.memory_space<vmem_shared>>
        tpu.enqueue_dma source(%dma_start3A_125 : memref<80x128xf32, #tpu.memory_space<vmem_shared>>) target(%dma_start3A_123 : memref<80x128xf32, #tpu.memory_space<hbm>>) target_semaphore(%run_scoped3A : memref<!tpu.dma_semaphore, #tpu.memory_space<semaphore_mem>>)
        %dma_wait3A = arith.constant 0 : i32
        %dma_wait3A_126 = tpu.memref_slice %arg5[%add3A_122, %dma_wait3A] : memref<20000x128xf32, #tpu.memory_space<hbm>> -> memref<80x128xf32, #tpu.memory_space<hbm>>
        %dma_wait3A_127 = arith.constant 0 : i32
        %dma_wait3A_128 = tpu.memref_slice %arg8[%mul3A_119, %dma_wait3A_127] : memref<10008x128xf32, #tpu.memory_space<vmem_shared>> -> memref<80x128xf32, #tpu.memory_space<vmem_shared>>
        tpu.wait_dma2 semaphore(%run_scoped3A : memref<!tpu.dma_semaphore, #tpu.memory_space<semaphore_mem>>) src(%dma_wait3A_128 : memref<80x128xf32, #tpu.memory_space<vmem_shared>>) dst(%dma_wait3A_126 : memref<80x128xf32, #tpu.memory_space<hbm>>)
        tpu.yield
      }) : () -> ()
    } else {
    }
    %add3A_97 = arith.constant 80 : i32
    %add3A_98 = arith.addi %arg1, %add3A_97 : i32
    %lt3A_99 = arith.constant 125 : i32
    %lt3A_100 = arith.cmpi slt, %add3A_98, %lt3A_99 : i32
    %convert_element_type3A_101 = arith.extui %lt3A_100 : i1 to i32
    %cond3A_102 = arith.constant 0 : i32
    %cond3A_103 = arith.cmpi ne, %convert_element_type3A_101, %cond3A_102 : i32
    scf.if %cond3A_103 {
      %mul3A_118 = arith.constant 80 : i32
      %mul3A_119 = arith.muli %add3A_98, %mul3A_118 : i32
      %mul3A_120 = arith.constant 10000 : i32
      %mul3A_121 = arith.muli %arg0, %mul3A_120 : i32
      %add3A_122 = arith.addi %mul3A_121, %mul3A_119 : i32
      "tpu.region"() ({
        %run_scoped3A = tpu.sem_alloc : memref<!tpu.dma_semaphore, #tpu.memory_space<semaphore_mem>>
        %dma_start3A = arith.constant 0 : i32
        %dma_start3A_123 = tpu.memref_slice %arg5[%add3A_122, %dma_start3A] : memref<20000x128xf32, #tpu.memory_space<hbm>> -> memref<80x128xf32, #tpu.memory_space<hbm>>
        %dma_start3A_124 = arith.constant 0 : i32
        %dma_start3A_125 = tpu.memref_slice %arg8[%mul3A_119, %dma_start3A_124] : memref<10008x128xf32, #tpu.memory_space<vmem_shared>> -> memref<80x128xf32, #tpu.memory_space<vmem_shared>>
        tpu.enqueue_dma source(%dma_start3A_125 : memref<80x128xf32, #tpu.memory_space<vmem_shared>>) target(%dma_start3A_123 : memref<80x128xf32, #tpu.memory_space<hbm>>) target_semaphore(%run_scoped3A : memref<!tpu.dma_semaphore, #tpu.memory_space<semaphore_mem>>)
        %dma_wait3A = arith.constant 0 : i32
        %dma_wait3A_126 = tpu.memref_slice %arg5[%add3A_122, %dma_wait3A] : memref<20000x128xf32, #tpu.memory_space<hbm>> -> memref<80x128xf32, #tpu.memory_space<hbm>>
        %dma_wait3A_127 = arith.constant 0 : i32
        %dma_wait3A_128 = tpu.memref_slice %arg8[%mul3A_119, %dma_wait3A_127] : memref<10008x128xf32, #tpu.memory_space<vmem_shared>> -> memref<80x128xf32, #tpu.memory_space<vmem_shared>>
        tpu.wait_dma2 semaphore(%run_scoped3A : memref<!tpu.dma_semaphore, #tpu.memory_space<semaphore_mem>>) src(%dma_wait3A_128 : memref<80x128xf32, #tpu.memory_space<vmem_shared>>) dst(%dma_wait3A_126 : memref<80x128xf32, #tpu.memory_space<hbm>>)
        tpu.yield
      }) : () -> ()
    } else {
    }
    %add3A_104 = arith.constant 96 : i32
    %add3A_105 = arith.addi %arg1, %add3A_104 : i32
    %lt3A_106 = arith.constant 125 : i32
    %lt3A_107 = arith.cmpi slt, %add3A_105, %lt3A_106 : i32
    %convert_element_type3A_108 = arith.extui %lt3A_107 : i1 to i32
    %cond3A_109 = arith.constant 0 : i32
    %cond3A_110 = arith.cmpi ne, %convert_element_type3A_108, %cond3A_109 : i32
    scf.if %cond3A_110 {
      %mul3A_118 = arith.constant 80 : i32
      %mul3A_119 = arith.muli %add3A_105, %mul3A_118 : i32
      %mul3A_120 = arith.constant 10000 : i32
      %mul3A_121 = arith.muli %arg0, %mul3A_120 : i32
      %add3A_122 = arith.addi %mul3A_121, %mul3A_119 : i32
      "tpu.region"() ({
        %run_scoped3A = tpu.sem_alloc : memref<!tpu.dma_semaphore, #tpu.memory_space<semaphore_mem>>
        %dma_start3A = arith.constant 0 : i32
        %dma_start3A_123 = tpu.memref_slice %arg5[%add3A_122, %dma_start3A] : memref<20000x128xf32, #tpu.memory_space<hbm>> -> memref<80x128xf32, #tpu.memory_space<hbm>>
        %dma_start3A_124 = arith.constant 0 : i32
        %dma_start3A_125 = tpu.memref_slice %arg8[%mul3A_119, %dma_start3A_124] : memref<10008x128xf32, #tpu.memory_space<vmem_shared>> -> memref<80x128xf32, #tpu.memory_space<vmem_shared>>
        tpu.enqueue_dma source(%dma_start3A_125 : memref<80x128xf32, #tpu.memory_space<vmem_shared>>) target(%dma_start3A_123 : memref<80x128xf32, #tpu.memory_space<hbm>>) target_semaphore(%run_scoped3A : memref<!tpu.dma_semaphore, #tpu.memory_space<semaphore_mem>>)
        %dma_wait3A = arith.constant 0 : i32
        %dma_wait3A_126 = tpu.memref_slice %arg5[%add3A_122, %dma_wait3A] : memref<20000x128xf32, #tpu.memory_space<hbm>> -> memref<80x128xf32, #tpu.memory_space<hbm>>
        %dma_wait3A_127 = arith.constant 0 : i32
        %dma_wait3A_128 = tpu.memref_slice %arg8[%mul3A_119, %dma_wait3A_127] : memref<10008x128xf32, #tpu.memory_space<vmem_shared>> -> memref<80x128xf32, #tpu.memory_space<vmem_shared>>
        tpu.wait_dma2 semaphore(%run_scoped3A : memref<!tpu.dma_semaphore, #tpu.memory_space<semaphore_mem>>) src(%dma_wait3A_128 : memref<80x128xf32, #tpu.memory_space<vmem_shared>>) dst(%dma_wait3A_126 : memref<80x128xf32, #tpu.memory_space<hbm>>)
        tpu.yield
      }) : () -> ()
    } else {
    }
    %add3A_111 = arith.constant 112 : i32
    %add3A_112 = arith.addi %arg1, %add3A_111 : i32
    %lt3A_113 = arith.constant 125 : i32
    %lt3A_114 = arith.cmpi slt, %add3A_112, %lt3A_113 : i32
    %convert_element_type3A_115 = arith.extui %lt3A_114 : i1 to i32
    %cond3A_116 = arith.constant 0 : i32
    %cond3A_117 = arith.cmpi ne, %convert_element_type3A_115, %cond3A_116 : i32
    scf.if %cond3A_117 {
      %mul3A_118 = arith.constant 80 : i32
      %mul3A_119 = arith.muli %add3A_112, %mul3A_118 : i32
      %mul3A_120 = arith.constant 10000 : i32
      %mul3A_121 = arith.muli %arg0, %mul3A_120 : i32
      %add3A_122 = arith.addi %mul3A_121, %mul3A_119 : i32
      "tpu.region"() ({
        %run_scoped3A = tpu.sem_alloc : memref<!tpu.dma_semaphore, #tpu.memory_space<semaphore_mem>>
        %dma_start3A = arith.constant 0 : i32
        %dma_start3A_123 = tpu.memref_slice %arg5[%add3A_122, %dma_start3A] : memref<20000x128xf32, #tpu.memory_space<hbm>> -> memref<80x128xf32, #tpu.memory_space<hbm>>
        %dma_start3A_124 = arith.constant 0 : i32
        %dma_start3A_125 = tpu.memref_slice %arg8[%mul3A_119, %dma_start3A_124] : memref<10008x128xf32, #tpu.memory_space<vmem_shared>> -> memref<80x128xf32, #tpu.memory_space<vmem_shared>>
        tpu.enqueue_dma source(%dma_start3A_125 : memref<80x128xf32, #tpu.memory_space<vmem_shared>>) target(%dma_start3A_123 : memref<80x128xf32, #tpu.memory_space<hbm>>) target_semaphore(%run_scoped3A : memref<!tpu.dma_semaphore, #tpu.memory_space<semaphore_mem>>)
        %dma_wait3A = arith.constant 0 : i32
        %dma_wait3A_126 = tpu.memref_slice %arg5[%add3A_122, %dma_wait3A] : memref<20000x128xf32, #tpu.memory_space<hbm>> -> memref<80x128xf32, #tpu.memory_space<hbm>>
        %dma_wait3A_127 = arith.constant 0 : i32
        %dma_wait3A_128 = tpu.memref_slice %arg8[%mul3A_119, %dma_wait3A_127] : memref<10008x128xf32, #tpu.memory_space<vmem_shared>> -> memref<80x128xf32, #tpu.memory_space<vmem_shared>>
        tpu.wait_dma2 semaphore(%run_scoped3A : memref<!tpu.dma_semaphore, #tpu.memory_space<semaphore_mem>>) src(%dma_wait3A_128 : memref<80x128xf32, #tpu.memory_space<vmem_shared>>) dst(%dma_wait3A_126 : memref<80x128xf32, #tpu.memory_space<hbm>>)
        tpu.yield
      }) : () -> ()
    } else {
    }
    return
  }
}

#map = affine_map<(d0, d1) -> (0, 0)>
#map1 = affine_map<(d0, d1) -> (0)>
module attributes {stable_mosaic.version = 14 : i64} {
  func.func @_agg_body(%arg0: i32, %arg1: i32, %arg2: memref<20000x128xf32, #tpu.memory_space<hbm>>, %arg3: memref<643072xi32, #tpu.memory_space<hbm>>, %arg4: memref<321536xi32, #tpu.memory_space<hbm>>, %arg5: memref<20000x128xf32, #tpu.memory_space<hbm>>, %arg6: memref<128xi32, #tpu.memory_space<vmem>>, %arg7: memref<128xi32, #tpu.memory_space<vmem>>, %arg8: memref<128xi32, #tpu.memory_space<vmem>>, %arg9: memref<128xi32, #tpu.memory_space<vmem>>, %arg10: memref<128x128xf32, #tpu.memory_space<vmem>>, %arg11: memref<128x128xf32, #tpu.memory_space<vmem>>, %arg12: memref<10008x128xf32, #tpu.memory_space<vmem_shared>>, %arg13: memref<!tpu.dma_semaphore, #tpu.memory_space<semaphore_mem>>, %arg14: memref<!tpu.dma_semaphore, #tpu.memory_space<semaphore_mem>>) attributes {dimension_semantics = [#tpu.dimension_semantics<core_parallel>, #tpu.dimension_semantics<subcore_parallel>], iteration_bounds = array<i64: 2, 16>, scalar_prefetch = 0 : i64, scratch_operands = 9 : i64, tpu.core_type = #tpu.core_type<sc_vector_subcore>, window_params = [{transform_indices = #map}, {transform_indices = #map1}, {transform_indices = #map1}, {transform_indices = #map}]} {
    %add3A = arith.constant 0 : i32
    %add3A_0 = arith.addi %arg1, %add3A : i32
    %lt3A = arith.constant 125 : i32
    %lt3A_1 = arith.cmpi slt, %add3A_0, %lt3A : i32
    %convert_element_type3A = arith.extui %lt3A_1 : i1 to i32
    %cond3A = arith.constant 0 : i32
    %cond3A_2 = arith.cmpi ne, %convert_element_type3A, %cond3A : i32
    scf.if %cond3A_2 {
      %mul3A_128 = arith.constant 80 : i32
      %mul3A_129 = arith.muli %add3A_0, %mul3A_128 : i32
      %mul3A_130 = arith.constant 10000 : i32
      %mul3A_131 = arith.muli %arg0, %mul3A_130 : i32
      %add3A_132 = arith.addi %mul3A_131, %mul3A_129 : i32
      "tpu.region"() ({
        %run_scoped3A = tpu.sem_alloc : memref<!tpu.dma_semaphore, #tpu.memory_space<semaphore_mem>>
        %dma_start3A_133 = arith.constant 0 : i32
        %dma_start3A_134 = tpu.memref_slice %arg12[%mul3A_129, %dma_start3A_133] : memref<10008x128xf32, #tpu.memory_space<vmem_shared>> -> memref<80x128xf32, #tpu.memory_space<vmem_shared>>
        %dma_start3A_135 = arith.constant 0 : i32
        %dma_start3A_136 = tpu.memref_slice %arg2[%add3A_132, %dma_start3A_135] : memref<20000x128xf32, #tpu.memory_space<hbm>> -> memref<80x128xf32, #tpu.memory_space<hbm>>
        tpu.enqueue_dma source(%dma_start3A_136 : memref<80x128xf32, #tpu.memory_space<hbm>>) target(%dma_start3A_134 : memref<80x128xf32, #tpu.memory_space<vmem_shared>>) target_semaphore(%run_scoped3A : memref<!tpu.dma_semaphore, #tpu.memory_space<semaphore_mem>>)
        %dma_wait3A_137 = arith.constant 0 : i32
        %dma_wait3A_138 = tpu.memref_slice %arg12[%mul3A_129, %dma_wait3A_137] : memref<10008x128xf32, #tpu.memory_space<vmem_shared>> -> memref<80x128xf32, #tpu.memory_space<vmem_shared>>
        %dma_wait3A_139 = arith.constant 0 : i32
        %dma_wait3A_140 = tpu.memref_slice %arg2[%add3A_132, %dma_wait3A_139] : memref<20000x128xf32, #tpu.memory_space<hbm>> -> memref<80x128xf32, #tpu.memory_space<hbm>>
        tpu.wait_dma2 semaphore(%run_scoped3A : memref<!tpu.dma_semaphore, #tpu.memory_space<semaphore_mem>>) src(%dma_wait3A_140 : memref<80x128xf32, #tpu.memory_space<hbm>>) dst(%dma_wait3A_138 : memref<80x128xf32, #tpu.memory_space<vmem_shared>>)
        tpu.yield
      }) : () -> ()
    } else {
    }
    %add3A_3 = arith.constant 16 : i32
    %add3A_4 = arith.addi %arg1, %add3A_3 : i32
    %lt3A_5 = arith.constant 125 : i32
    %lt3A_6 = arith.cmpi slt, %add3A_4, %lt3A_5 : i32
    %convert_element_type3A_7 = arith.extui %lt3A_6 : i1 to i32
    %cond3A_8 = arith.constant 0 : i32
    %cond3A_9 = arith.cmpi ne, %convert_element_type3A_7, %cond3A_8 : i32
    scf.if %cond3A_9 {
      %mul3A_128 = arith.constant 80 : i32
      %mul3A_129 = arith.muli %add3A_4, %mul3A_128 : i32
      %mul3A_130 = arith.constant 10000 : i32
      %mul3A_131 = arith.muli %arg0, %mul3A_130 : i32
      %add3A_132 = arith.addi %mul3A_131, %mul3A_129 : i32
      "tpu.region"() ({
        %run_scoped3A = tpu.sem_alloc : memref<!tpu.dma_semaphore, #tpu.memory_space<semaphore_mem>>
        %dma_start3A_133 = arith.constant 0 : i32
        %dma_start3A_134 = tpu.memref_slice %arg12[%mul3A_129, %dma_start3A_133] : memref<10008x128xf32, #tpu.memory_space<vmem_shared>> -> memref<80x128xf32, #tpu.memory_space<vmem_shared>>
        %dma_start3A_135 = arith.constant 0 : i32
        %dma_start3A_136 = tpu.memref_slice %arg2[%add3A_132, %dma_start3A_135] : memref<20000x128xf32, #tpu.memory_space<hbm>> -> memref<80x128xf32, #tpu.memory_space<hbm>>
        tpu.enqueue_dma source(%dma_start3A_136 : memref<80x128xf32, #tpu.memory_space<hbm>>) target(%dma_start3A_134 : memref<80x128xf32, #tpu.memory_space<vmem_shared>>) target_semaphore(%run_scoped3A : memref<!tpu.dma_semaphore, #tpu.memory_space<semaphore_mem>>)
        %dma_wait3A_137 = arith.constant 0 : i32
        %dma_wait3A_138 = tpu.memref_slice %arg12[%mul3A_129, %dma_wait3A_137] : memref<10008x128xf32, #tpu.memory_space<vmem_shared>> -> memref<80x128xf32, #tpu.memory_space<vmem_shared>>
        %dma_wait3A_139 = arith.constant 0 : i32
        %dma_wait3A_140 = tpu.memref_slice %arg2[%add3A_132, %dma_wait3A_139] : memref<20000x128xf32, #tpu.memory_space<hbm>> -> memref<80x128xf32, #tpu.memory_space<hbm>>
        tpu.wait_dma2 semaphore(%run_scoped3A : memref<!tpu.dma_semaphore, #tpu.memory_space<semaphore_mem>>) src(%dma_wait3A_140 : memref<80x128xf32, #tpu.memory_space<hbm>>) dst(%dma_wait3A_138 : memref<80x128xf32, #tpu.memory_space<vmem_shared>>)
        tpu.yield
      }) : () -> ()
    } else {
    }
    %add3A_10 = arith.constant 32 : i32
    %add3A_11 = arith.addi %arg1, %add3A_10 : i32
    %lt3A_12 = arith.constant 125 : i32
    %lt3A_13 = arith.cmpi slt, %add3A_11, %lt3A_12 : i32
    %convert_element_type3A_14 = arith.extui %lt3A_13 : i1 to i32
    %cond3A_15 = arith.constant 0 : i32
    %cond3A_16 = arith.cmpi ne, %convert_element_type3A_14, %cond3A_15 : i32
    scf.if %cond3A_16 {
      %mul3A_128 = arith.constant 80 : i32
      %mul3A_129 = arith.muli %add3A_11, %mul3A_128 : i32
      %mul3A_130 = arith.constant 10000 : i32
      %mul3A_131 = arith.muli %arg0, %mul3A_130 : i32
      %add3A_132 = arith.addi %mul3A_131, %mul3A_129 : i32
      "tpu.region"() ({
        %run_scoped3A = tpu.sem_alloc : memref<!tpu.dma_semaphore, #tpu.memory_space<semaphore_mem>>
        %dma_start3A_133 = arith.constant 0 : i32
        %dma_start3A_134 = tpu.memref_slice %arg12[%mul3A_129, %dma_start3A_133] : memref<10008x128xf32, #tpu.memory_space<vmem_shared>> -> memref<80x128xf32, #tpu.memory_space<vmem_shared>>
        %dma_start3A_135 = arith.constant 0 : i32
        %dma_start3A_136 = tpu.memref_slice %arg2[%add3A_132, %dma_start3A_135] : memref<20000x128xf32, #tpu.memory_space<hbm>> -> memref<80x128xf32, #tpu.memory_space<hbm>>
        tpu.enqueue_dma source(%dma_start3A_136 : memref<80x128xf32, #tpu.memory_space<hbm>>) target(%dma_start3A_134 : memref<80x128xf32, #tpu.memory_space<vmem_shared>>) target_semaphore(%run_scoped3A : memref<!tpu.dma_semaphore, #tpu.memory_space<semaphore_mem>>)
        %dma_wait3A_137 = arith.constant 0 : i32
        %dma_wait3A_138 = tpu.memref_slice %arg12[%mul3A_129, %dma_wait3A_137] : memref<10008x128xf32, #tpu.memory_space<vmem_shared>> -> memref<80x128xf32, #tpu.memory_space<vmem_shared>>
        %dma_wait3A_139 = arith.constant 0 : i32
        %dma_wait3A_140 = tpu.memref_slice %arg2[%add3A_132, %dma_wait3A_139] : memref<20000x128xf32, #tpu.memory_space<hbm>> -> memref<80x128xf32, #tpu.memory_space<hbm>>
        tpu.wait_dma2 semaphore(%run_scoped3A : memref<!tpu.dma_semaphore, #tpu.memory_space<semaphore_mem>>) src(%dma_wait3A_140 : memref<80x128xf32, #tpu.memory_space<hbm>>) dst(%dma_wait3A_138 : memref<80x128xf32, #tpu.memory_space<vmem_shared>>)
        tpu.yield
      }) : () -> ()
    } else {
    }
    %add3A_17 = arith.constant 48 : i32
    %add3A_18 = arith.addi %arg1, %add3A_17 : i32
    %lt3A_19 = arith.constant 125 : i32
    %lt3A_20 = arith.cmpi slt, %add3A_18, %lt3A_19 : i32
    %convert_element_type3A_21 = arith.extui %lt3A_20 : i1 to i32
    %cond3A_22 = arith.constant 0 : i32
    %cond3A_23 = arith.cmpi ne, %convert_element_type3A_21, %cond3A_22 : i32
    scf.if %cond3A_23 {
      %mul3A_128 = arith.constant 80 : i32
      %mul3A_129 = arith.muli %add3A_18, %mul3A_128 : i32
      %mul3A_130 = arith.constant 10000 : i32
      %mul3A_131 = arith.muli %arg0, %mul3A_130 : i32
      %add3A_132 = arith.addi %mul3A_131, %mul3A_129 : i32
      "tpu.region"() ({
        %run_scoped3A = tpu.sem_alloc : memref<!tpu.dma_semaphore, #tpu.memory_space<semaphore_mem>>
        %dma_start3A_133 = arith.constant 0 : i32
        %dma_start3A_134 = tpu.memref_slice %arg12[%mul3A_129, %dma_start3A_133] : memref<10008x128xf32, #tpu.memory_space<vmem_shared>> -> memref<80x128xf32, #tpu.memory_space<vmem_shared>>
        %dma_start3A_135 = arith.constant 0 : i32
        %dma_start3A_136 = tpu.memref_slice %arg2[%add3A_132, %dma_start3A_135] : memref<20000x128xf32, #tpu.memory_space<hbm>> -> memref<80x128xf32, #tpu.memory_space<hbm>>
        tpu.enqueue_dma source(%dma_start3A_136 : memref<80x128xf32, #tpu.memory_space<hbm>>) target(%dma_start3A_134 : memref<80x128xf32, #tpu.memory_space<vmem_shared>>) target_semaphore(%run_scoped3A : memref<!tpu.dma_semaphore, #tpu.memory_space<semaphore_mem>>)
        %dma_wait3A_137 = arith.constant 0 : i32
        %dma_wait3A_138 = tpu.memref_slice %arg12[%mul3A_129, %dma_wait3A_137] : memref<10008x128xf32, #tpu.memory_space<vmem_shared>> -> memref<80x128xf32, #tpu.memory_space<vmem_shared>>
        %dma_wait3A_139 = arith.constant 0 : i32
        %dma_wait3A_140 = tpu.memref_slice %arg2[%add3A_132, %dma_wait3A_139] : memref<20000x128xf32, #tpu.memory_space<hbm>> -> memref<80x128xf32, #tpu.memory_space<hbm>>
        tpu.wait_dma2 semaphore(%run_scoped3A : memref<!tpu.dma_semaphore, #tpu.memory_space<semaphore_mem>>) src(%dma_wait3A_140 : memref<80x128xf32, #tpu.memory_space<hbm>>) dst(%dma_wait3A_138 : memref<80x128xf32, #tpu.memory_space<vmem_shared>>)
        tpu.yield
      }) : () -> ()
    } else {
    }
    %add3A_24 = arith.constant 64 : i32
    %add3A_25 = arith.addi %arg1, %add3A_24 : i32
    %lt3A_26 = arith.constant 125 : i32
    %lt3A_27 = arith.cmpi slt, %add3A_25, %lt3A_26 : i32
    %convert_element_type3A_28 = arith.extui %lt3A_27 : i1 to i32
    %cond3A_29 = arith.constant 0 : i32
    %cond3A_30 = arith.cmpi ne, %convert_element_type3A_28, %cond3A_29 : i32
    scf.if %cond3A_30 {
      %mul3A_128 = arith.constant 80 : i32
      %mul3A_129 = arith.muli %add3A_25, %mul3A_128 : i32
      %mul3A_130 = arith.constant 10000 : i32
      %mul3A_131 = arith.muli %arg0, %mul3A_130 : i32
      %add3A_132 = arith.addi %mul3A_131, %mul3A_129 : i32
      "tpu.region"() ({
        %run_scoped3A = tpu.sem_alloc : memref<!tpu.dma_semaphore, #tpu.memory_space<semaphore_mem>>
        %dma_start3A_133 = arith.constant 0 : i32
        %dma_start3A_134 = tpu.memref_slice %arg12[%mul3A_129, %dma_start3A_133] : memref<10008x128xf32, #tpu.memory_space<vmem_shared>> -> memref<80x128xf32, #tpu.memory_space<vmem_shared>>
        %dma_start3A_135 = arith.constant 0 : i32
        %dma_start3A_136 = tpu.memref_slice %arg2[%add3A_132, %dma_start3A_135] : memref<20000x128xf32, #tpu.memory_space<hbm>> -> memref<80x128xf32, #tpu.memory_space<hbm>>
        tpu.enqueue_dma source(%dma_start3A_136 : memref<80x128xf32, #tpu.memory_space<hbm>>) target(%dma_start3A_134 : memref<80x128xf32, #tpu.memory_space<vmem_shared>>) target_semaphore(%run_scoped3A : memref<!tpu.dma_semaphore, #tpu.memory_space<semaphore_mem>>)
        %dma_wait3A_137 = arith.constant 0 : i32
        %dma_wait3A_138 = tpu.memref_slice %arg12[%mul3A_129, %dma_wait3A_137] : memref<10008x128xf32, #tpu.memory_space<vmem_shared>> -> memref<80x128xf32, #tpu.memory_space<vmem_shared>>
        %dma_wait3A_139 = arith.constant 0 : i32
        %dma_wait3A_140 = tpu.memref_slice %arg2[%add3A_132, %dma_wait3A_139] : memref<20000x128xf32, #tpu.memory_space<hbm>> -> memref<80x128xf32, #tpu.memory_space<hbm>>
        tpu.wait_dma2 semaphore(%run_scoped3A : memref<!tpu.dma_semaphore, #tpu.memory_space<semaphore_mem>>) src(%dma_wait3A_140 : memref<80x128xf32, #tpu.memory_space<hbm>>) dst(%dma_wait3A_138 : memref<80x128xf32, #tpu.memory_space<vmem_shared>>)
        tpu.yield
      }) : () -> ()
    } else {
    }
    %add3A_31 = arith.constant 80 : i32
    %add3A_32 = arith.addi %arg1, %add3A_31 : i32
    %lt3A_33 = arith.constant 125 : i32
    %lt3A_34 = arith.cmpi slt, %add3A_32, %lt3A_33 : i32
    %convert_element_type3A_35 = arith.extui %lt3A_34 : i1 to i32
    %cond3A_36 = arith.constant 0 : i32
    %cond3A_37 = arith.cmpi ne, %convert_element_type3A_35, %cond3A_36 : i32
    scf.if %cond3A_37 {
      %mul3A_128 = arith.constant 80 : i32
      %mul3A_129 = arith.muli %add3A_32, %mul3A_128 : i32
      %mul3A_130 = arith.constant 10000 : i32
      %mul3A_131 = arith.muli %arg0, %mul3A_130 : i32
      %add3A_132 = arith.addi %mul3A_131, %mul3A_129 : i32
      "tpu.region"() ({
        %run_scoped3A = tpu.sem_alloc : memref<!tpu.dma_semaphore, #tpu.memory_space<semaphore_mem>>
        %dma_start3A_133 = arith.constant 0 : i32
        %dma_start3A_134 = tpu.memref_slice %arg12[%mul3A_129, %dma_start3A_133] : memref<10008x128xf32, #tpu.memory_space<vmem_shared>> -> memref<80x128xf32, #tpu.memory_space<vmem_shared>>
        %dma_start3A_135 = arith.constant 0 : i32
        %dma_start3A_136 = tpu.memref_slice %arg2[%add3A_132, %dma_start3A_135] : memref<20000x128xf32, #tpu.memory_space<hbm>> -> memref<80x128xf32, #tpu.memory_space<hbm>>
        tpu.enqueue_dma source(%dma_start3A_136 : memref<80x128xf32, #tpu.memory_space<hbm>>) target(%dma_start3A_134 : memref<80x128xf32, #tpu.memory_space<vmem_shared>>) target_semaphore(%run_scoped3A : memref<!tpu.dma_semaphore, #tpu.memory_space<semaphore_mem>>)
        %dma_wait3A_137 = arith.constant 0 : i32
        %dma_wait3A_138 = tpu.memref_slice %arg12[%mul3A_129, %dma_wait3A_137] : memref<10008x128xf32, #tpu.memory_space<vmem_shared>> -> memref<80x128xf32, #tpu.memory_space<vmem_shared>>
        %dma_wait3A_139 = arith.constant 0 : i32
        %dma_wait3A_140 = tpu.memref_slice %arg2[%add3A_132, %dma_wait3A_139] : memref<20000x128xf32, #tpu.memory_space<hbm>> -> memref<80x128xf32, #tpu.memory_space<hbm>>
        tpu.wait_dma2 semaphore(%run_scoped3A : memref<!tpu.dma_semaphore, #tpu.memory_space<semaphore_mem>>) src(%dma_wait3A_140 : memref<80x128xf32, #tpu.memory_space<hbm>>) dst(%dma_wait3A_138 : memref<80x128xf32, #tpu.memory_space<vmem_shared>>)
        tpu.yield
      }) : () -> ()
    } else {
    }
    %add3A_38 = arith.constant 96 : i32
    %add3A_39 = arith.addi %arg1, %add3A_38 : i32
    %lt3A_40 = arith.constant 125 : i32
    %lt3A_41 = arith.cmpi slt, %add3A_39, %lt3A_40 : i32
    %convert_element_type3A_42 = arith.extui %lt3A_41 : i1 to i32
    %cond3A_43 = arith.constant 0 : i32
    %cond3A_44 = arith.cmpi ne, %convert_element_type3A_42, %cond3A_43 : i32
    scf.if %cond3A_44 {
      %mul3A_128 = arith.constant 80 : i32
      %mul3A_129 = arith.muli %add3A_39, %mul3A_128 : i32
      %mul3A_130 = arith.constant 10000 : i32
      %mul3A_131 = arith.muli %arg0, %mul3A_130 : i32
      %add3A_132 = arith.addi %mul3A_131, %mul3A_129 : i32
      "tpu.region"() ({
        %run_scoped3A = tpu.sem_alloc : memref<!tpu.dma_semaphore, #tpu.memory_space<semaphore_mem>>
        %dma_start3A_133 = arith.constant 0 : i32
        %dma_start3A_134 = tpu.memref_slice %arg12[%mul3A_129, %dma_start3A_133] : memref<10008x128xf32, #tpu.memory_space<vmem_shared>> -> memref<80x128xf32, #tpu.memory_space<vmem_shared>>
        %dma_start3A_135 = arith.constant 0 : i32
        %dma_start3A_136 = tpu.memref_slice %arg2[%add3A_132, %dma_start3A_135] : memref<20000x128xf32, #tpu.memory_space<hbm>> -> memref<80x128xf32, #tpu.memory_space<hbm>>
        tpu.enqueue_dma source(%dma_start3A_136 : memref<80x128xf32, #tpu.memory_space<hbm>>) target(%dma_start3A_134 : memref<80x128xf32, #tpu.memory_space<vmem_shared>>) target_semaphore(%run_scoped3A : memref<!tpu.dma_semaphore, #tpu.memory_space<semaphore_mem>>)
        %dma_wait3A_137 = arith.constant 0 : i32
        %dma_wait3A_138 = tpu.memref_slice %arg12[%mul3A_129, %dma_wait3A_137] : memref<10008x128xf32, #tpu.memory_space<vmem_shared>> -> memref<80x128xf32, #tpu.memory_space<vmem_shared>>
        %dma_wait3A_139 = arith.constant 0 : i32
        %dma_wait3A_140 = tpu.memref_slice %arg2[%add3A_132, %dma_wait3A_139] : memref<20000x128xf32, #tpu.memory_space<hbm>> -> memref<80x128xf32, #tpu.memory_space<hbm>>
        tpu.wait_dma2 semaphore(%run_scoped3A : memref<!tpu.dma_semaphore, #tpu.memory_space<semaphore_mem>>) src(%dma_wait3A_140 : memref<80x128xf32, #tpu.memory_space<hbm>>) dst(%dma_wait3A_138 : memref<80x128xf32, #tpu.memory_space<vmem_shared>>)
        tpu.yield
      }) : () -> ()
    } else {
    }
    %add3A_45 = arith.constant 112 : i32
    %add3A_46 = arith.addi %arg1, %add3A_45 : i32
    %lt3A_47 = arith.constant 125 : i32
    %lt3A_48 = arith.cmpi slt, %add3A_46, %lt3A_47 : i32
    %convert_element_type3A_49 = arith.extui %lt3A_48 : i1 to i32
    %cond3A_50 = arith.constant 0 : i32
    %cond3A_51 = arith.cmpi ne, %convert_element_type3A_49, %cond3A_50 : i32
    scf.if %cond3A_51 {
      %mul3A_128 = arith.constant 80 : i32
      %mul3A_129 = arith.muli %add3A_46, %mul3A_128 : i32
      %mul3A_130 = arith.constant 10000 : i32
      %mul3A_131 = arith.muli %arg0, %mul3A_130 : i32
      %add3A_132 = arith.addi %mul3A_131, %mul3A_129 : i32
      "tpu.region"() ({
        %run_scoped3A = tpu.sem_alloc : memref<!tpu.dma_semaphore, #tpu.memory_space<semaphore_mem>>
        %dma_start3A_133 = arith.constant 0 : i32
        %dma_start3A_134 = tpu.memref_slice %arg12[%mul3A_129, %dma_start3A_133] : memref<10008x128xf32, #tpu.memory_space<vmem_shared>> -> memref<80x128xf32, #tpu.memory_space<vmem_shared>>
        %dma_start3A_135 = arith.constant 0 : i32
        %dma_start3A_136 = tpu.memref_slice %arg2[%add3A_132, %dma_start3A_135] : memref<20000x128xf32, #tpu.memory_space<hbm>> -> memref<80x128xf32, #tpu.memory_space<hbm>>
        tpu.enqueue_dma source(%dma_start3A_136 : memref<80x128xf32, #tpu.memory_space<hbm>>) target(%dma_start3A_134 : memref<80x128xf32, #tpu.memory_space<vmem_shared>>) target_semaphore(%run_scoped3A : memref<!tpu.dma_semaphore, #tpu.memory_space<semaphore_mem>>)
        %dma_wait3A_137 = arith.constant 0 : i32
        %dma_wait3A_138 = tpu.memref_slice %arg12[%mul3A_129, %dma_wait3A_137] : memref<10008x128xf32, #tpu.memory_space<vmem_shared>> -> memref<80x128xf32, #tpu.memory_space<vmem_shared>>
        %dma_wait3A_139 = arith.constant 0 : i32
        %dma_wait3A_140 = tpu.memref_slice %arg2[%add3A_132, %dma_wait3A_139] : memref<20000x128xf32, #tpu.memory_space<hbm>> -> memref<80x128xf32, #tpu.memory_space<hbm>>
        tpu.wait_dma2 semaphore(%run_scoped3A : memref<!tpu.dma_semaphore, #tpu.memory_space<semaphore_mem>>) src(%dma_wait3A_140 : memref<80x128xf32, #tpu.memory_space<hbm>>) dst(%dma_wait3A_138 : memref<80x128xf32, #tpu.memory_space<vmem_shared>>)
        tpu.yield
      }) : () -> ()
    } else {
    }
    %barrier3A = arith.constant 0 : index
    tpu.barrier barrier_id(%barrier3A)
    %mul3A = arith.constant 321536 : i32
    %mul3A_52 = arith.muli %arg0, %mul3A : i32
    %mul3A_53 = arith.constant 20096 : i32
    %mul3A_54 = arith.muli %arg1, %mul3A_53 : i32
    %add3A_55 = arith.addi %mul3A_52, %mul3A_54 : i32
    %mul3A_56 = arith.constant 20096 : i32
    %mul3A_57 = arith.muli %arg1, %mul3A_56 : i32
    %scan3A = arith.constant 0 : i32
    %scan3A_58 = arith.constant 0 : i32
    %scan3A_59 = arith.constant 78 : i32
    %scan3A_60 = arith.addi %scan3A_58, %scan3A_59 : i32
    %scan3A_61 = arith.constant 1 : i32
    scf.for %scan3A_128 = %scan3A_58 to %scan3A_60 step %scan3A_61  : i32 {
      %mul3A_129 = arith.constant 2 : i32
      %mul3A_130 = arith.muli %mul3A_129, %scan3A_128 : i32
      %mul3A_131 = arith.constant 128 : i32
      %mul3A_132 = arith.muli %mul3A_130, %mul3A_131 : i32
      %add3A_133 = arith.addi %add3A_55, %mul3A_132 : i32
      "tpu.region"() ({
        %run_scoped3A = tpu.sem_alloc : memref<!tpu.dma_semaphore, #tpu.memory_space<semaphore_mem>>
        %dma_start3A_159 = tpu.memref_slice %arg3[%add3A_133] : memref<643072xi32, #tpu.memory_space<hbm>> -> memref<128xi32, #tpu.memory_space<hbm>>
        %dma_start3A_160 = tpu.memref_slice %arg3[%add3A_133] : memref<643072xi32, #tpu.memory_space<hbm>> -> memref<128xi32, #tpu.memory_space<hbm>>
        tpu.enqueue_dma source(%dma_start3A_160 : memref<128xi32, #tpu.memory_space<hbm>>) target(%arg6 : memref<128xi32, #tpu.memory_space<vmem>>) target_semaphore(%run_scoped3A : memref<!tpu.dma_semaphore, #tpu.memory_space<semaphore_mem>>)
        %dma_wait3A_161 = tpu.memref_slice %arg3[%add3A_133] : memref<643072xi32, #tpu.memory_space<hbm>> -> memref<128xi32, #tpu.memory_space<hbm>>
        %dma_wait3A_162 = tpu.memref_slice %arg3[%add3A_133] : memref<643072xi32, #tpu.memory_space<hbm>> -> memref<128xi32, #tpu.memory_space<hbm>>
        tpu.wait_dma2 semaphore(%run_scoped3A : memref<!tpu.dma_semaphore, #tpu.memory_space<semaphore_mem>>) src(%dma_wait3A_162 : memref<128xi32, #tpu.memory_space<hbm>>) dst(%arg6 : memref<128xi32, #tpu.memory_space<vmem>>)
        tpu.yield
      }) : () -> ()
      %dma_start3A_134 = arith.constant 0 : i32
      %dma_start3A_135 = arith.constant 0 : i32
      %dma_start3A_136 = tpu.memref_slice %arg2[%dma_start3A_134, %dma_start3A_135] : memref<20000x128xf32, #tpu.memory_space<hbm>> -> memref<20000x128xf32, #tpu.memory_space<hbm>>
      tpu.enqueue_indirect_dma source(%dma_start3A_136 : memref<20000x128xf32, #tpu.memory_space<hbm>>) target(%arg10 : memref<128x128xf32, #tpu.memory_space<vmem>>) offsets(%arg6 : memref<128xi32, #tpu.memory_space<vmem>>) semaphore(%arg13 : memref<!tpu.dma_semaphore, #tpu.memory_space<semaphore_mem>>)
      %add3A_137 = arith.addi %mul3A_57, %mul3A_132 : i32
      "tpu.region"() ({
        %run_scoped3A = tpu.sem_alloc : memref<!tpu.dma_semaphore, #tpu.memory_space<semaphore_mem>>
        %dma_start3A_159 = tpu.memref_slice %arg4[%add3A_137] : memref<321536xi32, #tpu.memory_space<hbm>> -> memref<128xi32, #tpu.memory_space<hbm>>
        %dma_start3A_160 = tpu.memref_slice %arg4[%add3A_137] : memref<321536xi32, #tpu.memory_space<hbm>> -> memref<128xi32, #tpu.memory_space<hbm>>
        tpu.enqueue_dma source(%dma_start3A_160 : memref<128xi32, #tpu.memory_space<hbm>>) target(%arg7 : memref<128xi32, #tpu.memory_space<vmem>>) target_semaphore(%run_scoped3A : memref<!tpu.dma_semaphore, #tpu.memory_space<semaphore_mem>>)
        %dma_wait3A_161 = tpu.memref_slice %arg4[%add3A_137] : memref<321536xi32, #tpu.memory_space<hbm>> -> memref<128xi32, #tpu.memory_space<hbm>>
        %dma_wait3A_162 = tpu.memref_slice %arg4[%add3A_137] : memref<321536xi32, #tpu.memory_space<hbm>> -> memref<128xi32, #tpu.memory_space<hbm>>
        tpu.wait_dma2 semaphore(%run_scoped3A : memref<!tpu.dma_semaphore, #tpu.memory_space<semaphore_mem>>) src(%dma_wait3A_162 : memref<128xi32, #tpu.memory_space<hbm>>) dst(%arg7 : memref<128xi32, #tpu.memory_space<vmem>>)
        tpu.yield
      }) : () -> ()
      %dma_wait3A_138 = arith.constant 0 : i32
      %dma_wait3A_139 = arith.constant 0 : i32
      %dma_wait3A_140 = tpu.memref_slice %arg2[%dma_wait3A_138, %dma_wait3A_139] : memref<20000x128xf32, #tpu.memory_space<hbm>> -> memref<20000x128xf32, #tpu.memory_space<hbm>>
      tpu.wait_indirect_dma semaphore(%arg13 : memref<!tpu.dma_semaphore, #tpu.memory_space<semaphore_mem>>) src(%dma_wait3A_140 : memref<20000x128xf32, #tpu.memory_space<hbm>>) dst(%arg10 : memref<128x128xf32, #tpu.memory_space<vmem>>)
      %dma_start3A_141 = arith.constant 0 : i32
      %dma_start3A_142 = arith.constant 0 : i32
      %dma_start3A_143 = tpu.memref_slice %arg12[%dma_start3A_141, %dma_start3A_142] : memref<10008x128xf32, #tpu.memory_space<vmem_shared>> -> memref<10008x128xf32, #tpu.memory_space<vmem_shared>>
      tpu.enqueue_indirect_dma source(%arg10 : memref<128x128xf32, #tpu.memory_space<vmem>>) target(%dma_start3A_143 : memref<10008x128xf32, #tpu.memory_space<vmem_shared>>) offsets(%arg7 : memref<128xi32, #tpu.memory_space<vmem>>) semaphore(%arg14 : memref<!tpu.dma_semaphore, #tpu.memory_space<semaphore_mem>>) {add = true}
      %add3A_144 = arith.addi %add3A_55, %mul3A_132 : i32
      %add3A_145 = arith.constant 128 : i32
      %add3A_146 = arith.addi %add3A_144, %add3A_145 : i32
      "tpu.region"() ({
        %run_scoped3A = tpu.sem_alloc : memref<!tpu.dma_semaphore, #tpu.memory_space<semaphore_mem>>
        %dma_start3A_159 = tpu.memref_slice %arg3[%add3A_146] : memref<643072xi32, #tpu.memory_space<hbm>> -> memref<128xi32, #tpu.memory_space<hbm>>
        %dma_start3A_160 = tpu.memref_slice %arg3[%add3A_146] : memref<643072xi32, #tpu.memory_space<hbm>> -> memref<128xi32, #tpu.memory_space<hbm>>
        tpu.enqueue_dma source(%dma_start3A_160 : memref<128xi32, #tpu.memory_space<hbm>>) target(%arg8 : memref<128xi32, #tpu.memory_space<vmem>>) target_semaphore(%run_scoped3A : memref<!tpu.dma_semaphore, #tpu.memory_space<semaphore_mem>>)
        %dma_wait3A_161 = tpu.memref_slice %arg3[%add3A_146] : memref<643072xi32, #tpu.memory_space<hbm>> -> memref<128xi32, #tpu.memory_space<hbm>>
        %dma_wait3A_162 = tpu.memref_slice %arg3[%add3A_146] : memref<643072xi32, #tpu.memory_space<hbm>> -> memref<128xi32, #tpu.memory_space<hbm>>
        tpu.wait_dma2 semaphore(%run_scoped3A : memref<!tpu.dma_semaphore, #tpu.memory_space<semaphore_mem>>) src(%dma_wait3A_162 : memref<128xi32, #tpu.memory_space<hbm>>) dst(%arg8 : memref<128xi32, #tpu.memory_space<vmem>>)
        tpu.yield
      }) : () -> ()
      %dma_start3A_147 = arith.constant 0 : i32
      %dma_start3A_148 = arith.constant 0 : i32
      %dma_start3A_149 = tpu.memref_slice %arg2[%dma_start3A_147, %dma_start3A_148] : memref<20000x128xf32, #tpu.memory_space<hbm>> -> memref<20000x128xf32, #tpu.memory_space<hbm>>
      tpu.enqueue_indirect_dma source(%dma_start3A_149 : memref<20000x128xf32, #tpu.memory_space<hbm>>) target(%arg11 : memref<128x128xf32, #tpu.memory_space<vmem>>) offsets(%arg8 : memref<128xi32, #tpu.memory_space<vmem>>) semaphore(%arg13 : memref<!tpu.dma_semaphore, #tpu.memory_space<semaphore_mem>>)
      %add3A_150 = arith.addi %mul3A_57, %mul3A_132 : i32
      %add3A_151 = arith.constant 128 : i32
      %add3A_152 = arith.addi %add3A_150, %add3A_151 : i32
      "tpu.region"() ({
        %run_scoped3A = tpu.sem_alloc : memref<!tpu.dma_semaphore, #tpu.memory_space<semaphore_mem>>
        %dma_start3A_159 = tpu.memref_slice %arg4[%add3A_152] : memref<321536xi32, #tpu.memory_space<hbm>> -> memref<128xi32, #tpu.memory_space<hbm>>
        %dma_start3A_160 = tpu.memref_slice %arg4[%add3A_152] : memref<321536xi32, #tpu.memory_space<hbm>> -> memref<128xi32, #tpu.memory_space<hbm>>
        tpu.enqueue_dma source(%dma_start3A_160 : memref<128xi32, #tpu.memory_space<hbm>>) target(%arg9 : memref<128xi32, #tpu.memory_space<vmem>>) target_semaphore(%run_scoped3A : memref<!tpu.dma_semaphore, #tpu.memory_space<semaphore_mem>>)
        %dma_wait3A_161 = tpu.memref_slice %arg4[%add3A_152] : memref<321536xi32, #tpu.memory_space<hbm>> -> memref<128xi32, #tpu.memory_space<hbm>>
        %dma_wait3A_162 = tpu.memref_slice %arg4[%add3A_152] : memref<321536xi32, #tpu.memory_space<hbm>> -> memref<128xi32, #tpu.memory_space<hbm>>
        tpu.wait_dma2 semaphore(%run_scoped3A : memref<!tpu.dma_semaphore, #tpu.memory_space<semaphore_mem>>) src(%dma_wait3A_162 : memref<128xi32, #tpu.memory_space<hbm>>) dst(%arg9 : memref<128xi32, #tpu.memory_space<vmem>>)
        tpu.yield
      }) : () -> ()
      %dma_wait3A_153 = arith.constant 0 : i32
      %dma_wait3A_154 = arith.constant 0 : i32
      %dma_wait3A_155 = tpu.memref_slice %arg2[%dma_wait3A_153, %dma_wait3A_154] : memref<20000x128xf32, #tpu.memory_space<hbm>> -> memref<20000x128xf32, #tpu.memory_space<hbm>>
      tpu.wait_indirect_dma semaphore(%arg13 : memref<!tpu.dma_semaphore, #tpu.memory_space<semaphore_mem>>) src(%dma_wait3A_155 : memref<20000x128xf32, #tpu.memory_space<hbm>>) dst(%arg11 : memref<128x128xf32, #tpu.memory_space<vmem>>)
      %dma_wait3A_156 = arith.constant 0 : i32
      %dma_wait3A_157 = arith.constant 0 : i32
      %dma_wait3A_158 = tpu.memref_slice %arg12[%dma_wait3A_156, %dma_wait3A_157] : memref<10008x128xf32, #tpu.memory_space<vmem_shared>> -> memref<10008x128xf32, #tpu.memory_space<vmem_shared>>
      tpu.wait_indirect_dma semaphore(%arg14 : memref<!tpu.dma_semaphore, #tpu.memory_space<semaphore_mem>>) src(%arg10 : memref<128x128xf32, #tpu.memory_space<vmem>>) dst(%dma_wait3A_158 : memref<10008x128xf32, #tpu.memory_space<vmem_shared>>)
      "tpu.region"() ({
        %run_scoped3A = tpu.sem_alloc : memref<!tpu.dma_semaphore, #tpu.memory_space<semaphore_mem>>
        %dma_start3A_159 = arith.constant 0 : i32
        %dma_start3A_160 = arith.constant 0 : i32
        %dma_start3A_161 = tpu.memref_slice %arg12[%dma_start3A_159, %dma_start3A_160] : memref<10008x128xf32, #tpu.memory_space<vmem_shared>> -> memref<10008x128xf32, #tpu.memory_space<vmem_shared>>
        tpu.enqueue_indirect_dma source(%arg11 : memref<128x128xf32, #tpu.memory_space<vmem>>) target(%dma_start3A_161 : memref<10008x128xf32, #tpu.memory_space<vmem_shared>>) offsets(%arg9 : memref<128xi32, #tpu.memory_space<vmem>>) semaphore(%run_scoped3A : memref<!tpu.dma_semaphore, #tpu.memory_space<semaphore_mem>>) {add = true}
        %dma_wait3A_162 = arith.constant 0 : i32
        %dma_wait3A_163 = arith.constant 0 : i32
        %dma_wait3A_164 = tpu.memref_slice %arg12[%dma_wait3A_162, %dma_wait3A_163] : memref<10008x128xf32, #tpu.memory_space<vmem_shared>> -> memref<10008x128xf32, #tpu.memory_space<vmem_shared>>
        tpu.wait_indirect_dma semaphore(%run_scoped3A : memref<!tpu.dma_semaphore, #tpu.memory_space<semaphore_mem>>) src(%arg11 : memref<128x128xf32, #tpu.memory_space<vmem>>) dst(%dma_wait3A_164 : memref<10008x128xf32, #tpu.memory_space<vmem_shared>>)
        tpu.yield
      }) : () -> ()
    }
    %scan3A_62 = arith.constant 78 : i32
    %add3A_63 = arith.constant 19968 : i32
    %add3A_64 = arith.addi %add3A_55, %add3A_63 : i32
    "tpu.region"() ({
      %run_scoped3A = tpu.sem_alloc : memref<!tpu.dma_semaphore, #tpu.memory_space<semaphore_mem>>
      %dma_start3A_128 = tpu.memref_slice %arg3[%add3A_64] : memref<643072xi32, #tpu.memory_space<hbm>> -> memref<128xi32, #tpu.memory_space<hbm>>
      %dma_start3A_129 = tpu.memref_slice %arg3[%add3A_64] : memref<643072xi32, #tpu.memory_space<hbm>> -> memref<128xi32, #tpu.memory_space<hbm>>
      tpu.enqueue_dma source(%dma_start3A_129 : memref<128xi32, #tpu.memory_space<hbm>>) target(%arg6 : memref<128xi32, #tpu.memory_space<vmem>>) target_semaphore(%run_scoped3A : memref<!tpu.dma_semaphore, #tpu.memory_space<semaphore_mem>>)
      %dma_wait3A_130 = tpu.memref_slice %arg3[%add3A_64] : memref<643072xi32, #tpu.memory_space<hbm>> -> memref<128xi32, #tpu.memory_space<hbm>>
      %dma_wait3A_131 = tpu.memref_slice %arg3[%add3A_64] : memref<643072xi32, #tpu.memory_space<hbm>> -> memref<128xi32, #tpu.memory_space<hbm>>
      tpu.wait_dma2 semaphore(%run_scoped3A : memref<!tpu.dma_semaphore, #tpu.memory_space<semaphore_mem>>) src(%dma_wait3A_131 : memref<128xi32, #tpu.memory_space<hbm>>) dst(%arg6 : memref<128xi32, #tpu.memory_space<vmem>>)
      tpu.yield
    }) : () -> ()
    %dma_start3A = arith.constant 0 : i32
    %dma_start3A_65 = arith.constant 0 : i32
    %dma_start3A_66 = tpu.memref_slice %arg2[%dma_start3A, %dma_start3A_65] : memref<20000x128xf32, #tpu.memory_space<hbm>> -> memref<20000x128xf32, #tpu.memory_space<hbm>>
    tpu.enqueue_indirect_dma source(%dma_start3A_66 : memref<20000x128xf32, #tpu.memory_space<hbm>>) target(%arg10 : memref<128x128xf32, #tpu.memory_space<vmem>>) offsets(%arg6 : memref<128xi32, #tpu.memory_space<vmem>>) semaphore(%arg13 : memref<!tpu.dma_semaphore, #tpu.memory_space<semaphore_mem>>)
    %add3A_67 = arith.constant 19968 : i32
    %add3A_68 = arith.addi %mul3A_57, %add3A_67 : i32
    "tpu.region"() ({
      %run_scoped3A = tpu.sem_alloc : memref<!tpu.dma_semaphore, #tpu.memory_space<semaphore_mem>>
      %dma_start3A_128 = tpu.memref_slice %arg4[%add3A_68] : memref<321536xi32, #tpu.memory_space<hbm>> -> memref<128xi32, #tpu.memory_space<hbm>>
      %dma_start3A_129 = tpu.memref_slice %arg4[%add3A_68] : memref<321536xi32, #tpu.memory_space<hbm>> -> memref<128xi32, #tpu.memory_space<hbm>>
      tpu.enqueue_dma source(%dma_start3A_129 : memref<128xi32, #tpu.memory_space<hbm>>) target(%arg7 : memref<128xi32, #tpu.memory_space<vmem>>) target_semaphore(%run_scoped3A : memref<!tpu.dma_semaphore, #tpu.memory_space<semaphore_mem>>)
      %dma_wait3A_130 = tpu.memref_slice %arg4[%add3A_68] : memref<321536xi32, #tpu.memory_space<hbm>> -> memref<128xi32, #tpu.memory_space<hbm>>
      %dma_wait3A_131 = tpu.memref_slice %arg4[%add3A_68] : memref<321536xi32, #tpu.memory_space<hbm>> -> memref<128xi32, #tpu.memory_space<hbm>>
      tpu.wait_dma2 semaphore(%run_scoped3A : memref<!tpu.dma_semaphore, #tpu.memory_space<semaphore_mem>>) src(%dma_wait3A_131 : memref<128xi32, #tpu.memory_space<hbm>>) dst(%arg7 : memref<128xi32, #tpu.memory_space<vmem>>)
      tpu.yield
    }) : () -> ()
    %dma_wait3A = arith.constant 0 : i32
    %dma_wait3A_69 = arith.constant 0 : i32
    %dma_wait3A_70 = tpu.memref_slice %arg2[%dma_wait3A, %dma_wait3A_69] : memref<20000x128xf32, #tpu.memory_space<hbm>> -> memref<20000x128xf32, #tpu.memory_space<hbm>>
    tpu.wait_indirect_dma semaphore(%arg13 : memref<!tpu.dma_semaphore, #tpu.memory_space<semaphore_mem>>) src(%dma_wait3A_70 : memref<20000x128xf32, #tpu.memory_space<hbm>>) dst(%arg10 : memref<128x128xf32, #tpu.memory_space<vmem>>)
    "tpu.region"() ({
      %run_scoped3A = tpu.sem_alloc : memref<!tpu.dma_semaphore, #tpu.memory_space<semaphore_mem>>
      %dma_start3A_128 = arith.constant 0 : i32
      %dma_start3A_129 = arith.constant 0 : i32
      %dma_start3A_130 = tpu.memref_slice %arg12[%dma_start3A_128, %dma_start3A_129] : memref<10008x128xf32, #tpu.memory_space<vmem_shared>> -> memref<10008x128xf32, #tpu.memory_space<vmem_shared>>
      tpu.enqueue_indirect_dma source(%arg10 : memref<128x128xf32, #tpu.memory_space<vmem>>) target(%dma_start3A_130 : memref<10008x128xf32, #tpu.memory_space<vmem_shared>>) offsets(%arg7 : memref<128xi32, #tpu.memory_space<vmem>>) semaphore(%run_scoped3A : memref<!tpu.dma_semaphore, #tpu.memory_space<semaphore_mem>>) {add = true}
      %dma_wait3A_131 = arith.constant 0 : i32
      %dma_wait3A_132 = arith.constant 0 : i32
      %dma_wait3A_133 = tpu.memref_slice %arg12[%dma_wait3A_131, %dma_wait3A_132] : memref<10008x128xf32, #tpu.memory_space<vmem_shared>> -> memref<10008x128xf32, #tpu.memory_space<vmem_shared>>
      tpu.wait_indirect_dma semaphore(%run_scoped3A : memref<!tpu.dma_semaphore, #tpu.memory_space<semaphore_mem>>) src(%arg10 : memref<128x128xf32, #tpu.memory_space<vmem>>) dst(%dma_wait3A_133 : memref<10008x128xf32, #tpu.memory_space<vmem_shared>>)
      tpu.yield
    }) : () -> ()
    %barrier3A_71 = arith.constant 0 : index
    tpu.barrier barrier_id(%barrier3A_71)
    %add3A_72 = arith.constant 0 : i32
    %add3A_73 = arith.addi %arg1, %add3A_72 : i32
    %lt3A_74 = arith.constant 125 : i32
    %lt3A_75 = arith.cmpi slt, %add3A_73, %lt3A_74 : i32
    %convert_element_type3A_76 = arith.extui %lt3A_75 : i1 to i32
    %cond3A_77 = arith.constant 0 : i32
    %cond3A_78 = arith.cmpi ne, %convert_element_type3A_76, %cond3A_77 : i32
    scf.if %cond3A_78 {
      %mul3A_128 = arith.constant 80 : i32
      %mul3A_129 = arith.muli %add3A_73, %mul3A_128 : i32
      %mul3A_130 = arith.constant 10000 : i32
      %mul3A_131 = arith.muli %arg0, %mul3A_130 : i32
      %add3A_132 = arith.addi %mul3A_131, %mul3A_129 : i32
      "tpu.region"() ({
        %run_scoped3A = tpu.sem_alloc : memref<!tpu.dma_semaphore, #tpu.memory_space<semaphore_mem>>
        %dma_start3A_133 = arith.constant 0 : i32
        %dma_start3A_134 = tpu.memref_slice %arg5[%add3A_132, %dma_start3A_133] : memref<20000x128xf32, #tpu.memory_space<hbm>> -> memref<80x128xf32, #tpu.memory_space<hbm>>
        %dma_start3A_135 = arith.constant 0 : i32
        %dma_start3A_136 = tpu.memref_slice %arg12[%mul3A_129, %dma_start3A_135] : memref<10008x128xf32, #tpu.memory_space<vmem_shared>> -> memref<80x128xf32, #tpu.memory_space<vmem_shared>>
        tpu.enqueue_dma source(%dma_start3A_136 : memref<80x128xf32, #tpu.memory_space<vmem_shared>>) target(%dma_start3A_134 : memref<80x128xf32, #tpu.memory_space<hbm>>) target_semaphore(%run_scoped3A : memref<!tpu.dma_semaphore, #tpu.memory_space<semaphore_mem>>)
        %dma_wait3A_137 = arith.constant 0 : i32
        %dma_wait3A_138 = tpu.memref_slice %arg5[%add3A_132, %dma_wait3A_137] : memref<20000x128xf32, #tpu.memory_space<hbm>> -> memref<80x128xf32, #tpu.memory_space<hbm>>
        %dma_wait3A_139 = arith.constant 0 : i32
        %dma_wait3A_140 = tpu.memref_slice %arg12[%mul3A_129, %dma_wait3A_139] : memref<10008x128xf32, #tpu.memory_space<vmem_shared>> -> memref<80x128xf32, #tpu.memory_space<vmem_shared>>
        tpu.wait_dma2 semaphore(%run_scoped3A : memref<!tpu.dma_semaphore, #tpu.memory_space<semaphore_mem>>) src(%dma_wait3A_140 : memref<80x128xf32, #tpu.memory_space<vmem_shared>>) dst(%dma_wait3A_138 : memref<80x128xf32, #tpu.memory_space<hbm>>)
        tpu.yield
      }) : () -> ()
    } else {
    }
    %add3A_79 = arith.constant 16 : i32
    %add3A_80 = arith.addi %arg1, %add3A_79 : i32
    %lt3A_81 = arith.constant 125 : i32
    %lt3A_82 = arith.cmpi slt, %add3A_80, %lt3A_81 : i32
    %convert_element_type3A_83 = arith.extui %lt3A_82 : i1 to i32
    %cond3A_84 = arith.constant 0 : i32
    %cond3A_85 = arith.cmpi ne, %convert_element_type3A_83, %cond3A_84 : i32
    scf.if %cond3A_85 {
      %mul3A_128 = arith.constant 80 : i32
      %mul3A_129 = arith.muli %add3A_80, %mul3A_128 : i32
      %mul3A_130 = arith.constant 10000 : i32
      %mul3A_131 = arith.muli %arg0, %mul3A_130 : i32
      %add3A_132 = arith.addi %mul3A_131, %mul3A_129 : i32
      "tpu.region"() ({
        %run_scoped3A = tpu.sem_alloc : memref<!tpu.dma_semaphore, #tpu.memory_space<semaphore_mem>>
        %dma_start3A_133 = arith.constant 0 : i32
        %dma_start3A_134 = tpu.memref_slice %arg5[%add3A_132, %dma_start3A_133] : memref<20000x128xf32, #tpu.memory_space<hbm>> -> memref<80x128xf32, #tpu.memory_space<hbm>>
        %dma_start3A_135 = arith.constant 0 : i32
        %dma_start3A_136 = tpu.memref_slice %arg12[%mul3A_129, %dma_start3A_135] : memref<10008x128xf32, #tpu.memory_space<vmem_shared>> -> memref<80x128xf32, #tpu.memory_space<vmem_shared>>
        tpu.enqueue_dma source(%dma_start3A_136 : memref<80x128xf32, #tpu.memory_space<vmem_shared>>) target(%dma_start3A_134 : memref<80x128xf32, #tpu.memory_space<hbm>>) target_semaphore(%run_scoped3A : memref<!tpu.dma_semaphore, #tpu.memory_space<semaphore_mem>>)
        %dma_wait3A_137 = arith.constant 0 : i32
        %dma_wait3A_138 = tpu.memref_slice %arg5[%add3A_132, %dma_wait3A_137] : memref<20000x128xf32, #tpu.memory_space<hbm>> -> memref<80x128xf32, #tpu.memory_space<hbm>>
        %dma_wait3A_139 = arith.constant 0 : i32
        %dma_wait3A_140 = tpu.memref_slice %arg12[%mul3A_129, %dma_wait3A_139] : memref<10008x128xf32, #tpu.memory_space<vmem_shared>> -> memref<80x128xf32, #tpu.memory_space<vmem_shared>>
        tpu.wait_dma2 semaphore(%run_scoped3A : memref<!tpu.dma_semaphore, #tpu.memory_space<semaphore_mem>>) src(%dma_wait3A_140 : memref<80x128xf32, #tpu.memory_space<vmem_shared>>) dst(%dma_wait3A_138 : memref<80x128xf32, #tpu.memory_space<hbm>>)
        tpu.yield
      }) : () -> ()
    } else {
    }
    %add3A_86 = arith.constant 32 : i32
    %add3A_87 = arith.addi %arg1, %add3A_86 : i32
    %lt3A_88 = arith.constant 125 : i32
    %lt3A_89 = arith.cmpi slt, %add3A_87, %lt3A_88 : i32
    %convert_element_type3A_90 = arith.extui %lt3A_89 : i1 to i32
    %cond3A_91 = arith.constant 0 : i32
    %cond3A_92 = arith.cmpi ne, %convert_element_type3A_90, %cond3A_91 : i32
    scf.if %cond3A_92 {
      %mul3A_128 = arith.constant 80 : i32
      %mul3A_129 = arith.muli %add3A_87, %mul3A_128 : i32
      %mul3A_130 = arith.constant 10000 : i32
      %mul3A_131 = arith.muli %arg0, %mul3A_130 : i32
      %add3A_132 = arith.addi %mul3A_131, %mul3A_129 : i32
      "tpu.region"() ({
        %run_scoped3A = tpu.sem_alloc : memref<!tpu.dma_semaphore, #tpu.memory_space<semaphore_mem>>
        %dma_start3A_133 = arith.constant 0 : i32
        %dma_start3A_134 = tpu.memref_slice %arg5[%add3A_132, %dma_start3A_133] : memref<20000x128xf32, #tpu.memory_space<hbm>> -> memref<80x128xf32, #tpu.memory_space<hbm>>
        %dma_start3A_135 = arith.constant 0 : i32
        %dma_start3A_136 = tpu.memref_slice %arg12[%mul3A_129, %dma_start3A_135] : memref<10008x128xf32, #tpu.memory_space<vmem_shared>> -> memref<80x128xf32, #tpu.memory_space<vmem_shared>>
        tpu.enqueue_dma source(%dma_start3A_136 : memref<80x128xf32, #tpu.memory_space<vmem_shared>>) target(%dma_start3A_134 : memref<80x128xf32, #tpu.memory_space<hbm>>) target_semaphore(%run_scoped3A : memref<!tpu.dma_semaphore, #tpu.memory_space<semaphore_mem>>)
        %dma_wait3A_137 = arith.constant 0 : i32
        %dma_wait3A_138 = tpu.memref_slice %arg5[%add3A_132, %dma_wait3A_137] : memref<20000x128xf32, #tpu.memory_space<hbm>> -> memref<80x128xf32, #tpu.memory_space<hbm>>
        %dma_wait3A_139 = arith.constant 0 : i32
        %dma_wait3A_140 = tpu.memref_slice %arg12[%mul3A_129, %dma_wait3A_139] : memref<10008x128xf32, #tpu.memory_space<vmem_shared>> -> memref<80x128xf32, #tpu.memory_space<vmem_shared>>
        tpu.wait_dma2 semaphore(%run_scoped3A : memref<!tpu.dma_semaphore, #tpu.memory_space<semaphore_mem>>) src(%dma_wait3A_140 : memref<80x128xf32, #tpu.memory_space<vmem_shared>>) dst(%dma_wait3A_138 : memref<80x128xf32, #tpu.memory_space<hbm>>)
        tpu.yield
      }) : () -> ()
    } else {
    }
    %add3A_93 = arith.constant 48 : i32
    %add3A_94 = arith.addi %arg1, %add3A_93 : i32
    %lt3A_95 = arith.constant 125 : i32
    %lt3A_96 = arith.cmpi slt, %add3A_94, %lt3A_95 : i32
    %convert_element_type3A_97 = arith.extui %lt3A_96 : i1 to i32
    %cond3A_98 = arith.constant 0 : i32
    %cond3A_99 = arith.cmpi ne, %convert_element_type3A_97, %cond3A_98 : i32
    scf.if %cond3A_99 {
      %mul3A_128 = arith.constant 80 : i32
      %mul3A_129 = arith.muli %add3A_94, %mul3A_128 : i32
      %mul3A_130 = arith.constant 10000 : i32
      %mul3A_131 = arith.muli %arg0, %mul3A_130 : i32
      %add3A_132 = arith.addi %mul3A_131, %mul3A_129 : i32
      "tpu.region"() ({
        %run_scoped3A = tpu.sem_alloc : memref<!tpu.dma_semaphore, #tpu.memory_space<semaphore_mem>>
        %dma_start3A_133 = arith.constant 0 : i32
        %dma_start3A_134 = tpu.memref_slice %arg5[%add3A_132, %dma_start3A_133] : memref<20000x128xf32, #tpu.memory_space<hbm>> -> memref<80x128xf32, #tpu.memory_space<hbm>>
        %dma_start3A_135 = arith.constant 0 : i32
        %dma_start3A_136 = tpu.memref_slice %arg12[%mul3A_129, %dma_start3A_135] : memref<10008x128xf32, #tpu.memory_space<vmem_shared>> -> memref<80x128xf32, #tpu.memory_space<vmem_shared>>
        tpu.enqueue_dma source(%dma_start3A_136 : memref<80x128xf32, #tpu.memory_space<vmem_shared>>) target(%dma_start3A_134 : memref<80x128xf32, #tpu.memory_space<hbm>>) target_semaphore(%run_scoped3A : memref<!tpu.dma_semaphore, #tpu.memory_space<semaphore_mem>>)
        %dma_wait3A_137 = arith.constant 0 : i32
        %dma_wait3A_138 = tpu.memref_slice %arg5[%add3A_132, %dma_wait3A_137] : memref<20000x128xf32, #tpu.memory_space<hbm>> -> memref<80x128xf32, #tpu.memory_space<hbm>>
        %dma_wait3A_139 = arith.constant 0 : i32
        %dma_wait3A_140 = tpu.memref_slice %arg12[%mul3A_129, %dma_wait3A_139] : memref<10008x128xf32, #tpu.memory_space<vmem_shared>> -> memref<80x128xf32, #tpu.memory_space<vmem_shared>>
        tpu.wait_dma2 semaphore(%run_scoped3A : memref<!tpu.dma_semaphore, #tpu.memory_space<semaphore_mem>>) src(%dma_wait3A_140 : memref<80x128xf32, #tpu.memory_space<vmem_shared>>) dst(%dma_wait3A_138 : memref<80x128xf32, #tpu.memory_space<hbm>>)
        tpu.yield
      }) : () -> ()
    } else {
    }
    %add3A_100 = arith.constant 64 : i32
    %add3A_101 = arith.addi %arg1, %add3A_100 : i32
    %lt3A_102 = arith.constant 125 : i32
    %lt3A_103 = arith.cmpi slt, %add3A_101, %lt3A_102 : i32
    %convert_element_type3A_104 = arith.extui %lt3A_103 : i1 to i32
    %cond3A_105 = arith.constant 0 : i32
    %cond3A_106 = arith.cmpi ne, %convert_element_type3A_104, %cond3A_105 : i32
    scf.if %cond3A_106 {
      %mul3A_128 = arith.constant 80 : i32
      %mul3A_129 = arith.muli %add3A_101, %mul3A_128 : i32
      %mul3A_130 = arith.constant 10000 : i32
      %mul3A_131 = arith.muli %arg0, %mul3A_130 : i32
      %add3A_132 = arith.addi %mul3A_131, %mul3A_129 : i32
      "tpu.region"() ({
        %run_scoped3A = tpu.sem_alloc : memref<!tpu.dma_semaphore, #tpu.memory_space<semaphore_mem>>
        %dma_start3A_133 = arith.constant 0 : i32
        %dma_start3A_134 = tpu.memref_slice %arg5[%add3A_132, %dma_start3A_133] : memref<20000x128xf32, #tpu.memory_space<hbm>> -> memref<80x128xf32, #tpu.memory_space<hbm>>
        %dma_start3A_135 = arith.constant 0 : i32
        %dma_start3A_136 = tpu.memref_slice %arg12[%mul3A_129, %dma_start3A_135] : memref<10008x128xf32, #tpu.memory_space<vmem_shared>> -> memref<80x128xf32, #tpu.memory_space<vmem_shared>>
        tpu.enqueue_dma source(%dma_start3A_136 : memref<80x128xf32, #tpu.memory_space<vmem_shared>>) target(%dma_start3A_134 : memref<80x128xf32, #tpu.memory_space<hbm>>) target_semaphore(%run_scoped3A : memref<!tpu.dma_semaphore, #tpu.memory_space<semaphore_mem>>)
        %dma_wait3A_137 = arith.constant 0 : i32
        %dma_wait3A_138 = tpu.memref_slice %arg5[%add3A_132, %dma_wait3A_137] : memref<20000x128xf32, #tpu.memory_space<hbm>> -> memref<80x128xf32, #tpu.memory_space<hbm>>
        %dma_wait3A_139 = arith.constant 0 : i32
        %dma_wait3A_140 = tpu.memref_slice %arg12[%mul3A_129, %dma_wait3A_139] : memref<10008x128xf32, #tpu.memory_space<vmem_shared>> -> memref<80x128xf32, #tpu.memory_space<vmem_shared>>
        tpu.wait_dma2 semaphore(%run_scoped3A : memref<!tpu.dma_semaphore, #tpu.memory_space<semaphore_mem>>) src(%dma_wait3A_140 : memref<80x128xf32, #tpu.memory_space<vmem_shared>>) dst(%dma_wait3A_138 : memref<80x128xf32, #tpu.memory_space<hbm>>)
        tpu.yield
      }) : () -> ()
    } else {
    }
    %add3A_107 = arith.constant 80 : i32
    %add3A_108 = arith.addi %arg1, %add3A_107 : i32
    %lt3A_109 = arith.constant 125 : i32
    %lt3A_110 = arith.cmpi slt, %add3A_108, %lt3A_109 : i32
    %convert_element_type3A_111 = arith.extui %lt3A_110 : i1 to i32
    %cond3A_112 = arith.constant 0 : i32
    %cond3A_113 = arith.cmpi ne, %convert_element_type3A_111, %cond3A_112 : i32
    scf.if %cond3A_113 {
      %mul3A_128 = arith.constant 80 : i32
      %mul3A_129 = arith.muli %add3A_108, %mul3A_128 : i32
      %mul3A_130 = arith.constant 10000 : i32
      %mul3A_131 = arith.muli %arg0, %mul3A_130 : i32
      %add3A_132 = arith.addi %mul3A_131, %mul3A_129 : i32
      "tpu.region"() ({
        %run_scoped3A = tpu.sem_alloc : memref<!tpu.dma_semaphore, #tpu.memory_space<semaphore_mem>>
        %dma_start3A_133 = arith.constant 0 : i32
        %dma_start3A_134 = tpu.memref_slice %arg5[%add3A_132, %dma_start3A_133] : memref<20000x128xf32, #tpu.memory_space<hbm>> -> memref<80x128xf32, #tpu.memory_space<hbm>>
        %dma_start3A_135 = arith.constant 0 : i32
        %dma_start3A_136 = tpu.memref_slice %arg12[%mul3A_129, %dma_start3A_135] : memref<10008x128xf32, #tpu.memory_space<vmem_shared>> -> memref<80x128xf32, #tpu.memory_space<vmem_shared>>
        tpu.enqueue_dma source(%dma_start3A_136 : memref<80x128xf32, #tpu.memory_space<vmem_shared>>) target(%dma_start3A_134 : memref<80x128xf32, #tpu.memory_space<hbm>>) target_semaphore(%run_scoped3A : memref<!tpu.dma_semaphore, #tpu.memory_space<semaphore_mem>>)
        %dma_wait3A_137 = arith.constant 0 : i32
        %dma_wait3A_138 = tpu.memref_slice %arg5[%add3A_132, %dma_wait3A_137] : memref<20000x128xf32, #tpu.memory_space<hbm>> -> memref<80x128xf32, #tpu.memory_space<hbm>>
        %dma_wait3A_139 = arith.constant 0 : i32
        %dma_wait3A_140 = tpu.memref_slice %arg12[%mul3A_129, %dma_wait3A_139] : memref<10008x128xf32, #tpu.memory_space<vmem_shared>> -> memref<80x128xf32, #tpu.memory_space<vmem_shared>>
        tpu.wait_dma2 semaphore(%run_scoped3A : memref<!tpu.dma_semaphore, #tpu.memory_space<semaphore_mem>>) src(%dma_wait3A_140 : memref<80x128xf32, #tpu.memory_space<vmem_shared>>) dst(%dma_wait3A_138 : memref<80x128xf32, #tpu.memory_space<hbm>>)
        tpu.yield
      }) : () -> ()
    } else {
    }
    %add3A_114 = arith.constant 96 : i32
    %add3A_115 = arith.addi %arg1, %add3A_114 : i32
    %lt3A_116 = arith.constant 125 : i32
    %lt3A_117 = arith.cmpi slt, %add3A_115, %lt3A_116 : i32
    %convert_element_type3A_118 = arith.extui %lt3A_117 : i1 to i32
    %cond3A_119 = arith.constant 0 : i32
    %cond3A_120 = arith.cmpi ne, %convert_element_type3A_118, %cond3A_119 : i32
    scf.if %cond3A_120 {
      %mul3A_128 = arith.constant 80 : i32
      %mul3A_129 = arith.muli %add3A_115, %mul3A_128 : i32
      %mul3A_130 = arith.constant 10000 : i32
      %mul3A_131 = arith.muli %arg0, %mul3A_130 : i32
      %add3A_132 = arith.addi %mul3A_131, %mul3A_129 : i32
      "tpu.region"() ({
        %run_scoped3A = tpu.sem_alloc : memref<!tpu.dma_semaphore, #tpu.memory_space<semaphore_mem>>
        %dma_start3A_133 = arith.constant 0 : i32
        %dma_start3A_134 = tpu.memref_slice %arg5[%add3A_132, %dma_start3A_133] : memref<20000x128xf32, #tpu.memory_space<hbm>> -> memref<80x128xf32, #tpu.memory_space<hbm>>
        %dma_start3A_135 = arith.constant 0 : i32
        %dma_start3A_136 = tpu.memref_slice %arg12[%mul3A_129, %dma_start3A_135] : memref<10008x128xf32, #tpu.memory_space<vmem_shared>> -> memref<80x128xf32, #tpu.memory_space<vmem_shared>>
        tpu.enqueue_dma source(%dma_start3A_136 : memref<80x128xf32, #tpu.memory_space<vmem_shared>>) target(%dma_start3A_134 : memref<80x128xf32, #tpu.memory_space<hbm>>) target_semaphore(%run_scoped3A : memref<!tpu.dma_semaphore, #tpu.memory_space<semaphore_mem>>)
        %dma_wait3A_137 = arith.constant 0 : i32
        %dma_wait3A_138 = tpu.memref_slice %arg5[%add3A_132, %dma_wait3A_137] : memref<20000x128xf32, #tpu.memory_space<hbm>> -> memref<80x128xf32, #tpu.memory_space<hbm>>
        %dma_wait3A_139 = arith.constant 0 : i32
        %dma_wait3A_140 = tpu.memref_slice %arg12[%mul3A_129, %dma_wait3A_139] : memref<10008x128xf32, #tpu.memory_space<vmem_shared>> -> memref<80x128xf32, #tpu.memory_space<vmem_shared>>
        tpu.wait_dma2 semaphore(%run_scoped3A : memref<!tpu.dma_semaphore, #tpu.memory_space<semaphore_mem>>) src(%dma_wait3A_140 : memref<80x128xf32, #tpu.memory_space<vmem_shared>>) dst(%dma_wait3A_138 : memref<80x128xf32, #tpu.memory_space<hbm>>)
        tpu.yield
      }) : () -> ()
    } else {
    }
    %add3A_121 = arith.constant 112 : i32
    %add3A_122 = arith.addi %arg1, %add3A_121 : i32
    %lt3A_123 = arith.constant 125 : i32
    %lt3A_124 = arith.cmpi slt, %add3A_122, %lt3A_123 : i32
    %convert_element_type3A_125 = arith.extui %lt3A_124 : i1 to i32
    %cond3A_126 = arith.constant 0 : i32
    %cond3A_127 = arith.cmpi ne, %convert_element_type3A_125, %cond3A_126 : i32
    scf.if %cond3A_127 {
      %mul3A_128 = arith.constant 80 : i32
      %mul3A_129 = arith.muli %add3A_122, %mul3A_128 : i32
      %mul3A_130 = arith.constant 10000 : i32
      %mul3A_131 = arith.muli %arg0, %mul3A_130 : i32
      %add3A_132 = arith.addi %mul3A_131, %mul3A_129 : i32
      "tpu.region"() ({
        %run_scoped3A = tpu.sem_alloc : memref<!tpu.dma_semaphore, #tpu.memory_space<semaphore_mem>>
        %dma_start3A_133 = arith.constant 0 : i32
        %dma_start3A_134 = tpu.memref_slice %arg5[%add3A_132, %dma_start3A_133] : memref<20000x128xf32, #tpu.memory_space<hbm>> -> memref<80x128xf32, #tpu.memory_space<hbm>>
        %dma_start3A_135 = arith.constant 0 : i32
        %dma_start3A_136 = tpu.memref_slice %arg12[%mul3A_129, %dma_start3A_135] : memref<10008x128xf32, #tpu.memory_space<vmem_shared>> -> memref<80x128xf32, #tpu.memory_space<vmem_shared>>
        tpu.enqueue_dma source(%dma_start3A_136 : memref<80x128xf32, #tpu.memory_space<vmem_shared>>) target(%dma_start3A_134 : memref<80x128xf32, #tpu.memory_space<hbm>>) target_semaphore(%run_scoped3A : memref<!tpu.dma_semaphore, #tpu.memory_space<semaphore_mem>>)
        %dma_wait3A_137 = arith.constant 0 : i32
        %dma_wait3A_138 = tpu.memref_slice %arg5[%add3A_132, %dma_wait3A_137] : memref<20000x128xf32, #tpu.memory_space<hbm>> -> memref<80x128xf32, #tpu.memory_space<hbm>>
        %dma_wait3A_139 = arith.constant 0 : i32
        %dma_wait3A_140 = tpu.memref_slice %arg12[%mul3A_129, %dma_wait3A_139] : memref<10008x128xf32, #tpu.memory_space<vmem_shared>> -> memref<80x128xf32, #tpu.memory_space<vmem_shared>>
        tpu.wait_dma2 semaphore(%run_scoped3A : memref<!tpu.dma_semaphore, #tpu.memory_space<semaphore_mem>>) src(%dma_wait3A_140 : memref<80x128xf32, #tpu.memory_space<vmem_shared>>) dst(%dma_wait3A_138 : memref<80x128xf32, #tpu.memory_space<hbm>>)
        tpu.yield
      }) : () -> ()
    } else {
    }
    return
  }
}

#map = affine_map<(d0, d1) -> (0, 0)>
#map1 = affine_map<(d0, d1) -> (0)>
module attributes {stable_mosaic.version = 14 : i64} {
  func.func @_agg_body(%arg0: i32, %arg1: i32, %arg2: memref<20000x128xf32, #tpu.memory_space<hbm>>, %arg3: memref<643072xi32, #tpu.memory_space<hbm>>, %arg4: memref<321536xi32, #tpu.memory_space<hbm>>, %arg5: memref<20000x128xf32, #tpu.memory_space<hbm>>, %arg6: memref<128xi32, #tpu.memory_space<vmem>>, %arg7: memref<128xi32, #tpu.memory_space<vmem>>, %arg8: memref<128xi32, #tpu.memory_space<vmem>>, %arg9: memref<128xi32, #tpu.memory_space<vmem>>, %arg10: memref<128x128xf32, #tpu.memory_space<vmem>>, %arg11: memref<128x128xf32, #tpu.memory_space<vmem>>, %arg12: memref<10008x128xf32, #tpu.memory_space<vmem_shared>>, %arg13: memref<!tpu.dma_semaphore, #tpu.memory_space<semaphore_mem>>, %arg14: memref<!tpu.dma_semaphore, #tpu.memory_space<semaphore_mem>>) attributes {dimension_semantics = [#tpu.dimension_semantics<core_parallel>, #tpu.dimension_semantics<subcore_parallel>], iteration_bounds = array<i64: 2, 16>, scalar_prefetch = 0 : i64, scratch_operands = 9 : i64, tpu.core_type = #tpu.core_type<sc_vector_subcore>, window_params = [{transform_indices = #map}, {transform_indices = #map1}, {transform_indices = #map1}, {transform_indices = #map}]} {
    %add3A = arith.constant 0 : i32
    %add3A_0 = arith.addi %arg1, %add3A : i32
    %lt3A = arith.constant 125 : i32
    %lt3A_1 = arith.cmpi slt, %add3A_0, %lt3A : i32
    %convert_element_type3A = arith.extui %lt3A_1 : i1 to i32
    %cond3A = arith.constant 0 : i32
    %cond3A_2 = arith.cmpi ne, %convert_element_type3A, %cond3A : i32
    scf.if %cond3A_2 {
      %mul3A_128 = arith.constant 80 : i32
      %mul3A_129 = arith.muli %add3A_0, %mul3A_128 : i32
      %mul3A_130 = arith.constant 10000 : i32
      %mul3A_131 = arith.muli %arg0, %mul3A_130 : i32
      %add3A_132 = arith.addi %mul3A_131, %mul3A_129 : i32
      "tpu.region"() ({
        %run_scoped3A = tpu.sem_alloc : memref<!tpu.dma_semaphore, #tpu.memory_space<semaphore_mem>>
        %dma_start3A_133 = arith.constant 0 : i32
        %dma_start3A_134 = tpu.memref_slice %arg12[%mul3A_129, %dma_start3A_133] : memref<10008x128xf32, #tpu.memory_space<vmem_shared>> -> memref<80x128xf32, #tpu.memory_space<vmem_shared>>
        %dma_start3A_135 = arith.constant 0 : i32
        %dma_start3A_136 = tpu.memref_slice %arg2[%add3A_132, %dma_start3A_135] : memref<20000x128xf32, #tpu.memory_space<hbm>> -> memref<80x128xf32, #tpu.memory_space<hbm>>
        tpu.enqueue_dma source(%dma_start3A_136 : memref<80x128xf32, #tpu.memory_space<hbm>>) target(%dma_start3A_134 : memref<80x128xf32, #tpu.memory_space<vmem_shared>>) target_semaphore(%run_scoped3A : memref<!tpu.dma_semaphore, #tpu.memory_space<semaphore_mem>>)
        %dma_wait3A_137 = arith.constant 0 : i32
        %dma_wait3A_138 = tpu.memref_slice %arg12[%mul3A_129, %dma_wait3A_137] : memref<10008x128xf32, #tpu.memory_space<vmem_shared>> -> memref<80x128xf32, #tpu.memory_space<vmem_shared>>
        %dma_wait3A_139 = arith.constant 0 : i32
        %dma_wait3A_140 = tpu.memref_slice %arg2[%add3A_132, %dma_wait3A_139] : memref<20000x128xf32, #tpu.memory_space<hbm>> -> memref<80x128xf32, #tpu.memory_space<hbm>>
        tpu.wait_dma2 semaphore(%run_scoped3A : memref<!tpu.dma_semaphore, #tpu.memory_space<semaphore_mem>>) src(%dma_wait3A_140 : memref<80x128xf32, #tpu.memory_space<hbm>>) dst(%dma_wait3A_138 : memref<80x128xf32, #tpu.memory_space<vmem_shared>>)
        tpu.yield
      }) : () -> ()
    } else {
    }
    %add3A_3 = arith.constant 16 : i32
    %add3A_4 = arith.addi %arg1, %add3A_3 : i32
    %lt3A_5 = arith.constant 125 : i32
    %lt3A_6 = arith.cmpi slt, %add3A_4, %lt3A_5 : i32
    %convert_element_type3A_7 = arith.extui %lt3A_6 : i1 to i32
    %cond3A_8 = arith.constant 0 : i32
    %cond3A_9 = arith.cmpi ne, %convert_element_type3A_7, %cond3A_8 : i32
    scf.if %cond3A_9 {
      %mul3A_128 = arith.constant 80 : i32
      %mul3A_129 = arith.muli %add3A_4, %mul3A_128 : i32
      %mul3A_130 = arith.constant 10000 : i32
      %mul3A_131 = arith.muli %arg0, %mul3A_130 : i32
      %add3A_132 = arith.addi %mul3A_131, %mul3A_129 : i32
      "tpu.region"() ({
        %run_scoped3A = tpu.sem_alloc : memref<!tpu.dma_semaphore, #tpu.memory_space<semaphore_mem>>
        %dma_start3A_133 = arith.constant 0 : i32
        %dma_start3A_134 = tpu.memref_slice %arg12[%mul3A_129, %dma_start3A_133] : memref<10008x128xf32, #tpu.memory_space<vmem_shared>> -> memref<80x128xf32, #tpu.memory_space<vmem_shared>>
        %dma_start3A_135 = arith.constant 0 : i32
        %dma_start3A_136 = tpu.memref_slice %arg2[%add3A_132, %dma_start3A_135] : memref<20000x128xf32, #tpu.memory_space<hbm>> -> memref<80x128xf32, #tpu.memory_space<hbm>>
        tpu.enqueue_dma source(%dma_start3A_136 : memref<80x128xf32, #tpu.memory_space<hbm>>) target(%dma_start3A_134 : memref<80x128xf32, #tpu.memory_space<vmem_shared>>) target_semaphore(%run_scoped3A : memref<!tpu.dma_semaphore, #tpu.memory_space<semaphore_mem>>)
        %dma_wait3A_137 = arith.constant 0 : i32
        %dma_wait3A_138 = tpu.memref_slice %arg12[%mul3A_129, %dma_wait3A_137] : memref<10008x128xf32, #tpu.memory_space<vmem_shared>> -> memref<80x128xf32, #tpu.memory_space<vmem_shared>>
        %dma_wait3A_139 = arith.constant 0 : i32
        %dma_wait3A_140 = tpu.memref_slice %arg2[%add3A_132, %dma_wait3A_139] : memref<20000x128xf32, #tpu.memory_space<hbm>> -> memref<80x128xf32, #tpu.memory_space<hbm>>
        tpu.wait_dma2 semaphore(%run_scoped3A : memref<!tpu.dma_semaphore, #tpu.memory_space<semaphore_mem>>) src(%dma_wait3A_140 : memref<80x128xf32, #tpu.memory_space<hbm>>) dst(%dma_wait3A_138 : memref<80x128xf32, #tpu.memory_space<vmem_shared>>)
        tpu.yield
      }) : () -> ()
    } else {
    }
    %add3A_10 = arith.constant 32 : i32
    %add3A_11 = arith.addi %arg1, %add3A_10 : i32
    %lt3A_12 = arith.constant 125 : i32
    %lt3A_13 = arith.cmpi slt, %add3A_11, %lt3A_12 : i32
    %convert_element_type3A_14 = arith.extui %lt3A_13 : i1 to i32
    %cond3A_15 = arith.constant 0 : i32
    %cond3A_16 = arith.cmpi ne, %convert_element_type3A_14, %cond3A_15 : i32
    scf.if %cond3A_16 {
      %mul3A_128 = arith.constant 80 : i32
      %mul3A_129 = arith.muli %add3A_11, %mul3A_128 : i32
      %mul3A_130 = arith.constant 10000 : i32
      %mul3A_131 = arith.muli %arg0, %mul3A_130 : i32
      %add3A_132 = arith.addi %mul3A_131, %mul3A_129 : i32
      "tpu.region"() ({
        %run_scoped3A = tpu.sem_alloc : memref<!tpu.dma_semaphore, #tpu.memory_space<semaphore_mem>>
        %dma_start3A_133 = arith.constant 0 : i32
        %dma_start3A_134 = tpu.memref_slice %arg12[%mul3A_129, %dma_start3A_133] : memref<10008x128xf32, #tpu.memory_space<vmem_shared>> -> memref<80x128xf32, #tpu.memory_space<vmem_shared>>
        %dma_start3A_135 = arith.constant 0 : i32
        %dma_start3A_136 = tpu.memref_slice %arg2[%add3A_132, %dma_start3A_135] : memref<20000x128xf32, #tpu.memory_space<hbm>> -> memref<80x128xf32, #tpu.memory_space<hbm>>
        tpu.enqueue_dma source(%dma_start3A_136 : memref<80x128xf32, #tpu.memory_space<hbm>>) target(%dma_start3A_134 : memref<80x128xf32, #tpu.memory_space<vmem_shared>>) target_semaphore(%run_scoped3A : memref<!tpu.dma_semaphore, #tpu.memory_space<semaphore_mem>>)
        %dma_wait3A_137 = arith.constant 0 : i32
        %dma_wait3A_138 = tpu.memref_slice %arg12[%mul3A_129, %dma_wait3A_137] : memref<10008x128xf32, #tpu.memory_space<vmem_shared>> -> memref<80x128xf32, #tpu.memory_space<vmem_shared>>
        %dma_wait3A_139 = arith.constant 0 : i32
        %dma_wait3A_140 = tpu.memref_slice %arg2[%add3A_132, %dma_wait3A_139] : memref<20000x128xf32, #tpu.memory_space<hbm>> -> memref<80x128xf32, #tpu.memory_space<hbm>>
        tpu.wait_dma2 semaphore(%run_scoped3A : memref<!tpu.dma_semaphore, #tpu.memory_space<semaphore_mem>>) src(%dma_wait3A_140 : memref<80x128xf32, #tpu.memory_space<hbm>>) dst(%dma_wait3A_138 : memref<80x128xf32, #tpu.memory_space<vmem_shared>>)
        tpu.yield
      }) : () -> ()
    } else {
    }
    %add3A_17 = arith.constant 48 : i32
    %add3A_18 = arith.addi %arg1, %add3A_17 : i32
    %lt3A_19 = arith.constant 125 : i32
    %lt3A_20 = arith.cmpi slt, %add3A_18, %lt3A_19 : i32
    %convert_element_type3A_21 = arith.extui %lt3A_20 : i1 to i32
    %cond3A_22 = arith.constant 0 : i32
    %cond3A_23 = arith.cmpi ne, %convert_element_type3A_21, %cond3A_22 : i32
    scf.if %cond3A_23 {
      %mul3A_128 = arith.constant 80 : i32
      %mul3A_129 = arith.muli %add3A_18, %mul3A_128 : i32
      %mul3A_130 = arith.constant 10000 : i32
      %mul3A_131 = arith.muli %arg0, %mul3A_130 : i32
      %add3A_132 = arith.addi %mul3A_131, %mul3A_129 : i32
      "tpu.region"() ({
        %run_scoped3A = tpu.sem_alloc : memref<!tpu.dma_semaphore, #tpu.memory_space<semaphore_mem>>
        %dma_start3A_133 = arith.constant 0 : i32
        %dma_start3A_134 = tpu.memref_slice %arg12[%mul3A_129, %dma_start3A_133] : memref<10008x128xf32, #tpu.memory_space<vmem_shared>> -> memref<80x128xf32, #tpu.memory_space<vmem_shared>>
        %dma_start3A_135 = arith.constant 0 : i32
        %dma_start3A_136 = tpu.memref_slice %arg2[%add3A_132, %dma_start3A_135] : memref<20000x128xf32, #tpu.memory_space<hbm>> -> memref<80x128xf32, #tpu.memory_space<hbm>>
        tpu.enqueue_dma source(%dma_start3A_136 : memref<80x128xf32, #tpu.memory_space<hbm>>) target(%dma_start3A_134 : memref<80x128xf32, #tpu.memory_space<vmem_shared>>) target_semaphore(%run_scoped3A : memref<!tpu.dma_semaphore, #tpu.memory_space<semaphore_mem>>)
        %dma_wait3A_137 = arith.constant 0 : i32
        %dma_wait3A_138 = tpu.memref_slice %arg12[%mul3A_129, %dma_wait3A_137] : memref<10008x128xf32, #tpu.memory_space<vmem_shared>> -> memref<80x128xf32, #tpu.memory_space<vmem_shared>>
        %dma_wait3A_139 = arith.constant 0 : i32
        %dma_wait3A_140 = tpu.memref_slice %arg2[%add3A_132, %dma_wait3A_139] : memref<20000x128xf32, #tpu.memory_space<hbm>> -> memref<80x128xf32, #tpu.memory_space<hbm>>
        tpu.wait_dma2 semaphore(%run_scoped3A : memref<!tpu.dma_semaphore, #tpu.memory_space<semaphore_mem>>) src(%dma_wait3A_140 : memref<80x128xf32, #tpu.memory_space<hbm>>) dst(%dma_wait3A_138 : memref<80x128xf32, #tpu.memory_space<vmem_shared>>)
        tpu.yield
      }) : () -> ()
    } else {
    }
    %add3A_24 = arith.constant 64 : i32
    %add3A_25 = arith.addi %arg1, %add3A_24 : i32
    %lt3A_26 = arith.constant 125 : i32
    %lt3A_27 = arith.cmpi slt, %add3A_25, %lt3A_26 : i32
    %convert_element_type3A_28 = arith.extui %lt3A_27 : i1 to i32
    %cond3A_29 = arith.constant 0 : i32
    %cond3A_30 = arith.cmpi ne, %convert_element_type3A_28, %cond3A_29 : i32
    scf.if %cond3A_30 {
      %mul3A_128 = arith.constant 80 : i32
      %mul3A_129 = arith.muli %add3A_25, %mul3A_128 : i32
      %mul3A_130 = arith.constant 10000 : i32
      %mul3A_131 = arith.muli %arg0, %mul3A_130 : i32
      %add3A_132 = arith.addi %mul3A_131, %mul3A_129 : i32
      "tpu.region"() ({
        %run_scoped3A = tpu.sem_alloc : memref<!tpu.dma_semaphore, #tpu.memory_space<semaphore_mem>>
        %dma_start3A_133 = arith.constant 0 : i32
        %dma_start3A_134 = tpu.memref_slice %arg12[%mul3A_129, %dma_start3A_133] : memref<10008x128xf32, #tpu.memory_space<vmem_shared>> -> memref<80x128xf32, #tpu.memory_space<vmem_shared>>
        %dma_start3A_135 = arith.constant 0 : i32
        %dma_start3A_136 = tpu.memref_slice %arg2[%add3A_132, %dma_start3A_135] : memref<20000x128xf32, #tpu.memory_space<hbm>> -> memref<80x128xf32, #tpu.memory_space<hbm>>
        tpu.enqueue_dma source(%dma_start3A_136 : memref<80x128xf32, #tpu.memory_space<hbm>>) target(%dma_start3A_134 : memref<80x128xf32, #tpu.memory_space<vmem_shared>>) target_semaphore(%run_scoped3A : memref<!tpu.dma_semaphore, #tpu.memory_space<semaphore_mem>>)
        %dma_wait3A_137 = arith.constant 0 : i32
        %dma_wait3A_138 = tpu.memref_slice %arg12[%mul3A_129, %dma_wait3A_137] : memref<10008x128xf32, #tpu.memory_space<vmem_shared>> -> memref<80x128xf32, #tpu.memory_space<vmem_shared>>
        %dma_wait3A_139 = arith.constant 0 : i32
        %dma_wait3A_140 = tpu.memref_slice %arg2[%add3A_132, %dma_wait3A_139] : memref<20000x128xf32, #tpu.memory_space<hbm>> -> memref<80x128xf32, #tpu.memory_space<hbm>>
        tpu.wait_dma2 semaphore(%run_scoped3A : memref<!tpu.dma_semaphore, #tpu.memory_space<semaphore_mem>>) src(%dma_wait3A_140 : memref<80x128xf32, #tpu.memory_space<hbm>>) dst(%dma_wait3A_138 : memref<80x128xf32, #tpu.memory_space<vmem_shared>>)
        tpu.yield
      }) : () -> ()
    } else {
    }
    %add3A_31 = arith.constant 80 : i32
    %add3A_32 = arith.addi %arg1, %add3A_31 : i32
    %lt3A_33 = arith.constant 125 : i32
    %lt3A_34 = arith.cmpi slt, %add3A_32, %lt3A_33 : i32
    %convert_element_type3A_35 = arith.extui %lt3A_34 : i1 to i32
    %cond3A_36 = arith.constant 0 : i32
    %cond3A_37 = arith.cmpi ne, %convert_element_type3A_35, %cond3A_36 : i32
    scf.if %cond3A_37 {
      %mul3A_128 = arith.constant 80 : i32
      %mul3A_129 = arith.muli %add3A_32, %mul3A_128 : i32
      %mul3A_130 = arith.constant 10000 : i32
      %mul3A_131 = arith.muli %arg0, %mul3A_130 : i32
      %add3A_132 = arith.addi %mul3A_131, %mul3A_129 : i32
      "tpu.region"() ({
        %run_scoped3A = tpu.sem_alloc : memref<!tpu.dma_semaphore, #tpu.memory_space<semaphore_mem>>
        %dma_start3A_133 = arith.constant 0 : i32
        %dma_start3A_134 = tpu.memref_slice %arg12[%mul3A_129, %dma_start3A_133] : memref<10008x128xf32, #tpu.memory_space<vmem_shared>> -> memref<80x128xf32, #tpu.memory_space<vmem_shared>>
        %dma_start3A_135 = arith.constant 0 : i32
        %dma_start3A_136 = tpu.memref_slice %arg2[%add3A_132, %dma_start3A_135] : memref<20000x128xf32, #tpu.memory_space<hbm>> -> memref<80x128xf32, #tpu.memory_space<hbm>>
        tpu.enqueue_dma source(%dma_start3A_136 : memref<80x128xf32, #tpu.memory_space<hbm>>) target(%dma_start3A_134 : memref<80x128xf32, #tpu.memory_space<vmem_shared>>) target_semaphore(%run_scoped3A : memref<!tpu.dma_semaphore, #tpu.memory_space<semaphore_mem>>)
        %dma_wait3A_137 = arith.constant 0 : i32
        %dma_wait3A_138 = tpu.memref_slice %arg12[%mul3A_129, %dma_wait3A_137] : memref<10008x128xf32, #tpu.memory_space<vmem_shared>> -> memref<80x128xf32, #tpu.memory_space<vmem_shared>>
        %dma_wait3A_139 = arith.constant 0 : i32
        %dma_wait3A_140 = tpu.memref_slice %arg2[%add3A_132, %dma_wait3A_139] : memref<20000x128xf32, #tpu.memory_space<hbm>> -> memref<80x128xf32, #tpu.memory_space<hbm>>
        tpu.wait_dma2 semaphore(%run_scoped3A : memref<!tpu.dma_semaphore, #tpu.memory_space<semaphore_mem>>) src(%dma_wait3A_140 : memref<80x128xf32, #tpu.memory_space<hbm>>) dst(%dma_wait3A_138 : memref<80x128xf32, #tpu.memory_space<vmem_shared>>)
        tpu.yield
      }) : () -> ()
    } else {
    }
    %add3A_38 = arith.constant 96 : i32
    %add3A_39 = arith.addi %arg1, %add3A_38 : i32
    %lt3A_40 = arith.constant 125 : i32
    %lt3A_41 = arith.cmpi slt, %add3A_39, %lt3A_40 : i32
    %convert_element_type3A_42 = arith.extui %lt3A_41 : i1 to i32
    %cond3A_43 = arith.constant 0 : i32
    %cond3A_44 = arith.cmpi ne, %convert_element_type3A_42, %cond3A_43 : i32
    scf.if %cond3A_44 {
      %mul3A_128 = arith.constant 80 : i32
      %mul3A_129 = arith.muli %add3A_39, %mul3A_128 : i32
      %mul3A_130 = arith.constant 10000 : i32
      %mul3A_131 = arith.muli %arg0, %mul3A_130 : i32
      %add3A_132 = arith.addi %mul3A_131, %mul3A_129 : i32
      "tpu.region"() ({
        %run_scoped3A = tpu.sem_alloc : memref<!tpu.dma_semaphore, #tpu.memory_space<semaphore_mem>>
        %dma_start3A_133 = arith.constant 0 : i32
        %dma_start3A_134 = tpu.memref_slice %arg12[%mul3A_129, %dma_start3A_133] : memref<10008x128xf32, #tpu.memory_space<vmem_shared>> -> memref<80x128xf32, #tpu.memory_space<vmem_shared>>
        %dma_start3A_135 = arith.constant 0 : i32
        %dma_start3A_136 = tpu.memref_slice %arg2[%add3A_132, %dma_start3A_135] : memref<20000x128xf32, #tpu.memory_space<hbm>> -> memref<80x128xf32, #tpu.memory_space<hbm>>
        tpu.enqueue_dma source(%dma_start3A_136 : memref<80x128xf32, #tpu.memory_space<hbm>>) target(%dma_start3A_134 : memref<80x128xf32, #tpu.memory_space<vmem_shared>>) target_semaphore(%run_scoped3A : memref<!tpu.dma_semaphore, #tpu.memory_space<semaphore_mem>>)
        %dma_wait3A_137 = arith.constant 0 : i32
        %dma_wait3A_138 = tpu.memref_slice %arg12[%mul3A_129, %dma_wait3A_137] : memref<10008x128xf32, #tpu.memory_space<vmem_shared>> -> memref<80x128xf32, #tpu.memory_space<vmem_shared>>
        %dma_wait3A_139 = arith.constant 0 : i32
        %dma_wait3A_140 = tpu.memref_slice %arg2[%add3A_132, %dma_wait3A_139] : memref<20000x128xf32, #tpu.memory_space<hbm>> -> memref<80x128xf32, #tpu.memory_space<hbm>>
        tpu.wait_dma2 semaphore(%run_scoped3A : memref<!tpu.dma_semaphore, #tpu.memory_space<semaphore_mem>>) src(%dma_wait3A_140 : memref<80x128xf32, #tpu.memory_space<hbm>>) dst(%dma_wait3A_138 : memref<80x128xf32, #tpu.memory_space<vmem_shared>>)
        tpu.yield
      }) : () -> ()
    } else {
    }
    %add3A_45 = arith.constant 112 : i32
    %add3A_46 = arith.addi %arg1, %add3A_45 : i32
    %lt3A_47 = arith.constant 125 : i32
    %lt3A_48 = arith.cmpi slt, %add3A_46, %lt3A_47 : i32
    %convert_element_type3A_49 = arith.extui %lt3A_48 : i1 to i32
    %cond3A_50 = arith.constant 0 : i32
    %cond3A_51 = arith.cmpi ne, %convert_element_type3A_49, %cond3A_50 : i32
    scf.if %cond3A_51 {
      %mul3A_128 = arith.constant 80 : i32
      %mul3A_129 = arith.muli %add3A_46, %mul3A_128 : i32
      %mul3A_130 = arith.constant 10000 : i32
      %mul3A_131 = arith.muli %arg0, %mul3A_130 : i32
      %add3A_132 = arith.addi %mul3A_131, %mul3A_129 : i32
      "tpu.region"() ({
        %run_scoped3A = tpu.sem_alloc : memref<!tpu.dma_semaphore, #tpu.memory_space<semaphore_mem>>
        %dma_start3A_133 = arith.constant 0 : i32
        %dma_start3A_134 = tpu.memref_slice %arg12[%mul3A_129, %dma_start3A_133] : memref<10008x128xf32, #tpu.memory_space<vmem_shared>> -> memref<80x128xf32, #tpu.memory_space<vmem_shared>>
        %dma_start3A_135 = arith.constant 0 : i32
        %dma_start3A_136 = tpu.memref_slice %arg2[%add3A_132, %dma_start3A_135] : memref<20000x128xf32, #tpu.memory_space<hbm>> -> memref<80x128xf32, #tpu.memory_space<hbm>>
        tpu.enqueue_dma source(%dma_start3A_136 : memref<80x128xf32, #tpu.memory_space<hbm>>) target(%dma_start3A_134 : memref<80x128xf32, #tpu.memory_space<vmem_shared>>) target_semaphore(%run_scoped3A : memref<!tpu.dma_semaphore, #tpu.memory_space<semaphore_mem>>)
        %dma_wait3A_137 = arith.constant 0 : i32
        %dma_wait3A_138 = tpu.memref_slice %arg12[%mul3A_129, %dma_wait3A_137] : memref<10008x128xf32, #tpu.memory_space<vmem_shared>> -> memref<80x128xf32, #tpu.memory_space<vmem_shared>>
        %dma_wait3A_139 = arith.constant 0 : i32
        %dma_wait3A_140 = tpu.memref_slice %arg2[%add3A_132, %dma_wait3A_139] : memref<20000x128xf32, #tpu.memory_space<hbm>> -> memref<80x128xf32, #tpu.memory_space<hbm>>
        tpu.wait_dma2 semaphore(%run_scoped3A : memref<!tpu.dma_semaphore, #tpu.memory_space<semaphore_mem>>) src(%dma_wait3A_140 : memref<80x128xf32, #tpu.memory_space<hbm>>) dst(%dma_wait3A_138 : memref<80x128xf32, #tpu.memory_space<vmem_shared>>)
        tpu.yield
      }) : () -> ()
    } else {
    }
    %barrier3A = arith.constant 0 : index
    tpu.barrier barrier_id(%barrier3A)
    %mul3A = arith.constant 321536 : i32
    %mul3A_52 = arith.muli %arg0, %mul3A : i32
    %mul3A_53 = arith.constant 20096 : i32
    %mul3A_54 = arith.muli %arg1, %mul3A_53 : i32
    %add3A_55 = arith.addi %mul3A_52, %mul3A_54 : i32
    %mul3A_56 = arith.constant 20096 : i32
    %mul3A_57 = arith.muli %arg1, %mul3A_56 : i32
    %scan3A = arith.constant 0 : i32
    %scan3A_58 = arith.constant 0 : i32
    %scan3A_59 = arith.constant 78 : i32
    %scan3A_60 = arith.addi %scan3A_58, %scan3A_59 : i32
    %scan3A_61 = arith.constant 1 : i32
    scf.for %scan3A_128 = %scan3A_58 to %scan3A_60 step %scan3A_61  : i32 {
      %mul3A_129 = arith.constant 2 : i32
      %mul3A_130 = arith.muli %mul3A_129, %scan3A_128 : i32
      %mul3A_131 = arith.constant 128 : i32
      %mul3A_132 = arith.muli %mul3A_130, %mul3A_131 : i32
      %add3A_133 = arith.addi %add3A_55, %mul3A_132 : i32
      "tpu.region"() ({
        %run_scoped3A = tpu.sem_alloc : memref<!tpu.dma_semaphore, #tpu.memory_space<semaphore_mem>>
        %dma_start3A_159 = tpu.memref_slice %arg3[%add3A_133] : memref<643072xi32, #tpu.memory_space<hbm>> -> memref<128xi32, #tpu.memory_space<hbm>>
        %dma_start3A_160 = tpu.memref_slice %arg3[%add3A_133] : memref<643072xi32, #tpu.memory_space<hbm>> -> memref<128xi32, #tpu.memory_space<hbm>>
        tpu.enqueue_dma source(%dma_start3A_160 : memref<128xi32, #tpu.memory_space<hbm>>) target(%arg6 : memref<128xi32, #tpu.memory_space<vmem>>) target_semaphore(%run_scoped3A : memref<!tpu.dma_semaphore, #tpu.memory_space<semaphore_mem>>)
        %dma_wait3A_161 = tpu.memref_slice %arg3[%add3A_133] : memref<643072xi32, #tpu.memory_space<hbm>> -> memref<128xi32, #tpu.memory_space<hbm>>
        %dma_wait3A_162 = tpu.memref_slice %arg3[%add3A_133] : memref<643072xi32, #tpu.memory_space<hbm>> -> memref<128xi32, #tpu.memory_space<hbm>>
        tpu.wait_dma2 semaphore(%run_scoped3A : memref<!tpu.dma_semaphore, #tpu.memory_space<semaphore_mem>>) src(%dma_wait3A_162 : memref<128xi32, #tpu.memory_space<hbm>>) dst(%arg6 : memref<128xi32, #tpu.memory_space<vmem>>)
        tpu.yield
      }) : () -> ()
      %dma_start3A_134 = arith.constant 0 : i32
      %dma_start3A_135 = arith.constant 0 : i32
      %dma_start3A_136 = tpu.memref_slice %arg2[%dma_start3A_134, %dma_start3A_135] : memref<20000x128xf32, #tpu.memory_space<hbm>> -> memref<20000x128xf32, #tpu.memory_space<hbm>>
      tpu.enqueue_indirect_dma source(%dma_start3A_136 : memref<20000x128xf32, #tpu.memory_space<hbm>>) target(%arg10 : memref<128x128xf32, #tpu.memory_space<vmem>>) offsets(%arg6 : memref<128xi32, #tpu.memory_space<vmem>>) semaphore(%arg13 : memref<!tpu.dma_semaphore, #tpu.memory_space<semaphore_mem>>)
      %add3A_137 = arith.addi %mul3A_57, %mul3A_132 : i32
      "tpu.region"() ({
        %run_scoped3A = tpu.sem_alloc : memref<!tpu.dma_semaphore, #tpu.memory_space<semaphore_mem>>
        %dma_start3A_159 = tpu.memref_slice %arg4[%add3A_137] : memref<321536xi32, #tpu.memory_space<hbm>> -> memref<128xi32, #tpu.memory_space<hbm>>
        %dma_start3A_160 = tpu.memref_slice %arg4[%add3A_137] : memref<321536xi32, #tpu.memory_space<hbm>> -> memref<128xi32, #tpu.memory_space<hbm>>
        tpu.enqueue_dma source(%dma_start3A_160 : memref<128xi32, #tpu.memory_space<hbm>>) target(%arg7 : memref<128xi32, #tpu.memory_space<vmem>>) target_semaphore(%run_scoped3A : memref<!tpu.dma_semaphore, #tpu.memory_space<semaphore_mem>>)
        %dma_wait3A_161 = tpu.memref_slice %arg4[%add3A_137] : memref<321536xi32, #tpu.memory_space<hbm>> -> memref<128xi32, #tpu.memory_space<hbm>>
        %dma_wait3A_162 = tpu.memref_slice %arg4[%add3A_137] : memref<321536xi32, #tpu.memory_space<hbm>> -> memref<128xi32, #tpu.memory_space<hbm>>
        tpu.wait_dma2 semaphore(%run_scoped3A : memref<!tpu.dma_semaphore, #tpu.memory_space<semaphore_mem>>) src(%dma_wait3A_162 : memref<128xi32, #tpu.memory_space<hbm>>) dst(%arg7 : memref<128xi32, #tpu.memory_space<vmem>>)
        tpu.yield
      }) : () -> ()
      %dma_wait3A_138 = arith.constant 0 : i32
      %dma_wait3A_139 = arith.constant 0 : i32
      %dma_wait3A_140 = tpu.memref_slice %arg2[%dma_wait3A_138, %dma_wait3A_139] : memref<20000x128xf32, #tpu.memory_space<hbm>> -> memref<20000x128xf32, #tpu.memory_space<hbm>>
      tpu.wait_indirect_dma semaphore(%arg13 : memref<!tpu.dma_semaphore, #tpu.memory_space<semaphore_mem>>) src(%dma_wait3A_140 : memref<20000x128xf32, #tpu.memory_space<hbm>>) dst(%arg10 : memref<128x128xf32, #tpu.memory_space<vmem>>)
      %dma_start3A_141 = arith.constant 0 : i32
      %dma_start3A_142 = arith.constant 0 : i32
      %dma_start3A_143 = tpu.memref_slice %arg12[%dma_start3A_141, %dma_start3A_142] : memref<10008x128xf32, #tpu.memory_space<vmem_shared>> -> memref<10008x128xf32, #tpu.memory_space<vmem_shared>>
      tpu.enqueue_indirect_dma source(%arg10 : memref<128x128xf32, #tpu.memory_space<vmem>>) target(%dma_start3A_143 : memref<10008x128xf32, #tpu.memory_space<vmem_shared>>) offsets(%arg7 : memref<128xi32, #tpu.memory_space<vmem>>) semaphore(%arg14 : memref<!tpu.dma_semaphore, #tpu.memory_space<semaphore_mem>>) {add = true}
      %add3A_144 = arith.addi %add3A_55, %mul3A_132 : i32
      %add3A_145 = arith.constant 128 : i32
      %add3A_146 = arith.addi %add3A_144, %add3A_145 : i32
      "tpu.region"() ({
        %run_scoped3A = tpu.sem_alloc : memref<!tpu.dma_semaphore, #tpu.memory_space<semaphore_mem>>
        %dma_start3A_159 = tpu.memref_slice %arg3[%add3A_146] : memref<643072xi32, #tpu.memory_space<hbm>> -> memref<128xi32, #tpu.memory_space<hbm>>
        %dma_start3A_160 = tpu.memref_slice %arg3[%add3A_146] : memref<643072xi32, #tpu.memory_space<hbm>> -> memref<128xi32, #tpu.memory_space<hbm>>
        tpu.enqueue_dma source(%dma_start3A_160 : memref<128xi32, #tpu.memory_space<hbm>>) target(%arg8 : memref<128xi32, #tpu.memory_space<vmem>>) target_semaphore(%run_scoped3A : memref<!tpu.dma_semaphore, #tpu.memory_space<semaphore_mem>>)
        %dma_wait3A_161 = tpu.memref_slice %arg3[%add3A_146] : memref<643072xi32, #tpu.memory_space<hbm>> -> memref<128xi32, #tpu.memory_space<hbm>>
        %dma_wait3A_162 = tpu.memref_slice %arg3[%add3A_146] : memref<643072xi32, #tpu.memory_space<hbm>> -> memref<128xi32, #tpu.memory_space<hbm>>
        tpu.wait_dma2 semaphore(%run_scoped3A : memref<!tpu.dma_semaphore, #tpu.memory_space<semaphore_mem>>) src(%dma_wait3A_162 : memref<128xi32, #tpu.memory_space<hbm>>) dst(%arg8 : memref<128xi32, #tpu.memory_space<vmem>>)
        tpu.yield
      }) : () -> ()
      %dma_start3A_147 = arith.constant 0 : i32
      %dma_start3A_148 = arith.constant 0 : i32
      %dma_start3A_149 = tpu.memref_slice %arg2[%dma_start3A_147, %dma_start3A_148] : memref<20000x128xf32, #tpu.memory_space<hbm>> -> memref<20000x128xf32, #tpu.memory_space<hbm>>
      tpu.enqueue_indirect_dma source(%dma_start3A_149 : memref<20000x128xf32, #tpu.memory_space<hbm>>) target(%arg11 : memref<128x128xf32, #tpu.memory_space<vmem>>) offsets(%arg8 : memref<128xi32, #tpu.memory_space<vmem>>) semaphore(%arg13 : memref<!tpu.dma_semaphore, #tpu.memory_space<semaphore_mem>>)
      %add3A_150 = arith.addi %mul3A_57, %mul3A_132 : i32
      %add3A_151 = arith.constant 128 : i32
      %add3A_152 = arith.addi %add3A_150, %add3A_151 : i32
      "tpu.region"() ({
        %run_scoped3A = tpu.sem_alloc : memref<!tpu.dma_semaphore, #tpu.memory_space<semaphore_mem>>
        %dma_start3A_159 = tpu.memref_slice %arg4[%add3A_152] : memref<321536xi32, #tpu.memory_space<hbm>> -> memref<128xi32, #tpu.memory_space<hbm>>
        %dma_start3A_160 = tpu.memref_slice %arg4[%add3A_152] : memref<321536xi32, #tpu.memory_space<hbm>> -> memref<128xi32, #tpu.memory_space<hbm>>
        tpu.enqueue_dma source(%dma_start3A_160 : memref<128xi32, #tpu.memory_space<hbm>>) target(%arg9 : memref<128xi32, #tpu.memory_space<vmem>>) target_semaphore(%run_scoped3A : memref<!tpu.dma_semaphore, #tpu.memory_space<semaphore_mem>>)
        %dma_wait3A_161 = tpu.memref_slice %arg4[%add3A_152] : memref<321536xi32, #tpu.memory_space<hbm>> -> memref<128xi32, #tpu.memory_space<hbm>>
        %dma_wait3A_162 = tpu.memref_slice %arg4[%add3A_152] : memref<321536xi32, #tpu.memory_space<hbm>> -> memref<128xi32, #tpu.memory_space<hbm>>
        tpu.wait_dma2 semaphore(%run_scoped3A : memref<!tpu.dma_semaphore, #tpu.memory_space<semaphore_mem>>) src(%dma_wait3A_162 : memref<128xi32, #tpu.memory_space<hbm>>) dst(%arg9 : memref<128xi32, #tpu.memory_space<vmem>>)
        tpu.yield
      }) : () -> ()
      %dma_wait3A_153 = arith.constant 0 : i32
      %dma_wait3A_154 = arith.constant 0 : i32
      %dma_wait3A_155 = tpu.memref_slice %arg2[%dma_wait3A_153, %dma_wait3A_154] : memref<20000x128xf32, #tpu.memory_space<hbm>> -> memref<20000x128xf32, #tpu.memory_space<hbm>>
      tpu.wait_indirect_dma semaphore(%arg13 : memref<!tpu.dma_semaphore, #tpu.memory_space<semaphore_mem>>) src(%dma_wait3A_155 : memref<20000x128xf32, #tpu.memory_space<hbm>>) dst(%arg11 : memref<128x128xf32, #tpu.memory_space<vmem>>)
      %dma_wait3A_156 = arith.constant 0 : i32
      %dma_wait3A_157 = arith.constant 0 : i32
      %dma_wait3A_158 = tpu.memref_slice %arg12[%dma_wait3A_156, %dma_wait3A_157] : memref<10008x128xf32, #tpu.memory_space<vmem_shared>> -> memref<10008x128xf32, #tpu.memory_space<vmem_shared>>
      tpu.wait_indirect_dma semaphore(%arg14 : memref<!tpu.dma_semaphore, #tpu.memory_space<semaphore_mem>>) src(%arg10 : memref<128x128xf32, #tpu.memory_space<vmem>>) dst(%dma_wait3A_158 : memref<10008x128xf32, #tpu.memory_space<vmem_shared>>)
      "tpu.region"() ({
        %run_scoped3A = tpu.sem_alloc : memref<!tpu.dma_semaphore, #tpu.memory_space<semaphore_mem>>
        %dma_start3A_159 = arith.constant 0 : i32
        %dma_start3A_160 = arith.constant 0 : i32
        %dma_start3A_161 = tpu.memref_slice %arg12[%dma_start3A_159, %dma_start3A_160] : memref<10008x128xf32, #tpu.memory_space<vmem_shared>> -> memref<10008x128xf32, #tpu.memory_space<vmem_shared>>
        tpu.enqueue_indirect_dma source(%arg11 : memref<128x128xf32, #tpu.memory_space<vmem>>) target(%dma_start3A_161 : memref<10008x128xf32, #tpu.memory_space<vmem_shared>>) offsets(%arg9 : memref<128xi32, #tpu.memory_space<vmem>>) semaphore(%run_scoped3A : memref<!tpu.dma_semaphore, #tpu.memory_space<semaphore_mem>>) {add = true}
        %dma_wait3A_162 = arith.constant 0 : i32
        %dma_wait3A_163 = arith.constant 0 : i32
        %dma_wait3A_164 = tpu.memref_slice %arg12[%dma_wait3A_162, %dma_wait3A_163] : memref<10008x128xf32, #tpu.memory_space<vmem_shared>> -> memref<10008x128xf32, #tpu.memory_space<vmem_shared>>
        tpu.wait_indirect_dma semaphore(%run_scoped3A : memref<!tpu.dma_semaphore, #tpu.memory_space<semaphore_mem>>) src(%arg11 : memref<128x128xf32, #tpu.memory_space<vmem>>) dst(%dma_wait3A_164 : memref<10008x128xf32, #tpu.memory_space<vmem_shared>>)
        tpu.yield
      }) : () -> ()
    }
    %scan3A_62 = arith.constant 78 : i32
    %add3A_63 = arith.constant 19968 : i32
    %add3A_64 = arith.addi %add3A_55, %add3A_63 : i32
    "tpu.region"() ({
      %run_scoped3A = tpu.sem_alloc : memref<!tpu.dma_semaphore, #tpu.memory_space<semaphore_mem>>
      %dma_start3A_128 = tpu.memref_slice %arg3[%add3A_64] : memref<643072xi32, #tpu.memory_space<hbm>> -> memref<128xi32, #tpu.memory_space<hbm>>
      %dma_start3A_129 = tpu.memref_slice %arg3[%add3A_64] : memref<643072xi32, #tpu.memory_space<hbm>> -> memref<128xi32, #tpu.memory_space<hbm>>
      tpu.enqueue_dma source(%dma_start3A_129 : memref<128xi32, #tpu.memory_space<hbm>>) target(%arg6 : memref<128xi32, #tpu.memory_space<vmem>>) target_semaphore(%run_scoped3A : memref<!tpu.dma_semaphore, #tpu.memory_space<semaphore_mem>>)
      %dma_wait3A_130 = tpu.memref_slice %arg3[%add3A_64] : memref<643072xi32, #tpu.memory_space<hbm>> -> memref<128xi32, #tpu.memory_space<hbm>>
      %dma_wait3A_131 = tpu.memref_slice %arg3[%add3A_64] : memref<643072xi32, #tpu.memory_space<hbm>> -> memref<128xi32, #tpu.memory_space<hbm>>
      tpu.wait_dma2 semaphore(%run_scoped3A : memref<!tpu.dma_semaphore, #tpu.memory_space<semaphore_mem>>) src(%dma_wait3A_131 : memref<128xi32, #tpu.memory_space<hbm>>) dst(%arg6 : memref<128xi32, #tpu.memory_space<vmem>>)
      tpu.yield
    }) : () -> ()
    %dma_start3A = arith.constant 0 : i32
    %dma_start3A_65 = arith.constant 0 : i32
    %dma_start3A_66 = tpu.memref_slice %arg2[%dma_start3A, %dma_start3A_65] : memref<20000x128xf32, #tpu.memory_space<hbm>> -> memref<20000x128xf32, #tpu.memory_space<hbm>>
    tpu.enqueue_indirect_dma source(%dma_start3A_66 : memref<20000x128xf32, #tpu.memory_space<hbm>>) target(%arg10 : memref<128x128xf32, #tpu.memory_space<vmem>>) offsets(%arg6 : memref<128xi32, #tpu.memory_space<vmem>>) semaphore(%arg13 : memref<!tpu.dma_semaphore, #tpu.memory_space<semaphore_mem>>)
    %add3A_67 = arith.constant 19968 : i32
    %add3A_68 = arith.addi %mul3A_57, %add3A_67 : i32
    "tpu.region"() ({
      %run_scoped3A = tpu.sem_alloc : memref<!tpu.dma_semaphore, #tpu.memory_space<semaphore_mem>>
      %dma_start3A_128 = tpu.memref_slice %arg4[%add3A_68] : memref<321536xi32, #tpu.memory_space<hbm>> -> memref<128xi32, #tpu.memory_space<hbm>>
      %dma_start3A_129 = tpu.memref_slice %arg4[%add3A_68] : memref<321536xi32, #tpu.memory_space<hbm>> -> memref<128xi32, #tpu.memory_space<hbm>>
      tpu.enqueue_dma source(%dma_start3A_129 : memref<128xi32, #tpu.memory_space<hbm>>) target(%arg7 : memref<128xi32, #tpu.memory_space<vmem>>) target_semaphore(%run_scoped3A : memref<!tpu.dma_semaphore, #tpu.memory_space<semaphore_mem>>)
      %dma_wait3A_130 = tpu.memref_slice %arg4[%add3A_68] : memref<321536xi32, #tpu.memory_space<hbm>> -> memref<128xi32, #tpu.memory_space<hbm>>
      %dma_wait3A_131 = tpu.memref_slice %arg4[%add3A_68] : memref<321536xi32, #tpu.memory_space<hbm>> -> memref<128xi32, #tpu.memory_space<hbm>>
      tpu.wait_dma2 semaphore(%run_scoped3A : memref<!tpu.dma_semaphore, #tpu.memory_space<semaphore_mem>>) src(%dma_wait3A_131 : memref<128xi32, #tpu.memory_space<hbm>>) dst(%arg7 : memref<128xi32, #tpu.memory_space<vmem>>)
      tpu.yield
    }) : () -> ()
    %dma_wait3A = arith.constant 0 : i32
    %dma_wait3A_69 = arith.constant 0 : i32
    %dma_wait3A_70 = tpu.memref_slice %arg2[%dma_wait3A, %dma_wait3A_69] : memref<20000x128xf32, #tpu.memory_space<hbm>> -> memref<20000x128xf32, #tpu.memory_space<hbm>>
    tpu.wait_indirect_dma semaphore(%arg13 : memref<!tpu.dma_semaphore, #tpu.memory_space<semaphore_mem>>) src(%dma_wait3A_70 : memref<20000x128xf32, #tpu.memory_space<hbm>>) dst(%arg10 : memref<128x128xf32, #tpu.memory_space<vmem>>)
    "tpu.region"() ({
      %run_scoped3A = tpu.sem_alloc : memref<!tpu.dma_semaphore, #tpu.memory_space<semaphore_mem>>
      %dma_start3A_128 = arith.constant 0 : i32
      %dma_start3A_129 = arith.constant 0 : i32
      %dma_start3A_130 = tpu.memref_slice %arg12[%dma_start3A_128, %dma_start3A_129] : memref<10008x128xf32, #tpu.memory_space<vmem_shared>> -> memref<10008x128xf32, #tpu.memory_space<vmem_shared>>
      tpu.enqueue_indirect_dma source(%arg10 : memref<128x128xf32, #tpu.memory_space<vmem>>) target(%dma_start3A_130 : memref<10008x128xf32, #tpu.memory_space<vmem_shared>>) offsets(%arg7 : memref<128xi32, #tpu.memory_space<vmem>>) semaphore(%run_scoped3A : memref<!tpu.dma_semaphore, #tpu.memory_space<semaphore_mem>>) {add = true}
      %dma_wait3A_131 = arith.constant 0 : i32
      %dma_wait3A_132 = arith.constant 0 : i32
      %dma_wait3A_133 = tpu.memref_slice %arg12[%dma_wait3A_131, %dma_wait3A_132] : memref<10008x128xf32, #tpu.memory_space<vmem_shared>> -> memref<10008x128xf32, #tpu.memory_space<vmem_shared>>
      tpu.wait_indirect_dma semaphore(%run_scoped3A : memref<!tpu.dma_semaphore, #tpu.memory_space<semaphore_mem>>) src(%arg10 : memref<128x128xf32, #tpu.memory_space<vmem>>) dst(%dma_wait3A_133 : memref<10008x128xf32, #tpu.memory_space<vmem_shared>>)
      tpu.yield
    }) : () -> ()
    %barrier3A_71 = arith.constant 0 : index
    tpu.barrier barrier_id(%barrier3A_71)
    %add3A_72 = arith.constant 0 : i32
    %add3A_73 = arith.addi %arg1, %add3A_72 : i32
    %lt3A_74 = arith.constant 125 : i32
    %lt3A_75 = arith.cmpi slt, %add3A_73, %lt3A_74 : i32
    %convert_element_type3A_76 = arith.extui %lt3A_75 : i1 to i32
    %cond3A_77 = arith.constant 0 : i32
    %cond3A_78 = arith.cmpi ne, %convert_element_type3A_76, %cond3A_77 : i32
    scf.if %cond3A_78 {
      %mul3A_128 = arith.constant 80 : i32
      %mul3A_129 = arith.muli %add3A_73, %mul3A_128 : i32
      %mul3A_130 = arith.constant 10000 : i32
      %mul3A_131 = arith.muli %arg0, %mul3A_130 : i32
      %add3A_132 = arith.addi %mul3A_131, %mul3A_129 : i32
      "tpu.region"() ({
        %run_scoped3A = tpu.sem_alloc : memref<!tpu.dma_semaphore, #tpu.memory_space<semaphore_mem>>
        %dma_start3A_133 = arith.constant 0 : i32
        %dma_start3A_134 = tpu.memref_slice %arg5[%add3A_132, %dma_start3A_133] : memref<20000x128xf32, #tpu.memory_space<hbm>> -> memref<80x128xf32, #tpu.memory_space<hbm>>
        %dma_start3A_135 = arith.constant 0 : i32
        %dma_start3A_136 = tpu.memref_slice %arg12[%mul3A_129, %dma_start3A_135] : memref<10008x128xf32, #tpu.memory_space<vmem_shared>> -> memref<80x128xf32, #tpu.memory_space<vmem_shared>>
        tpu.enqueue_dma source(%dma_start3A_136 : memref<80x128xf32, #tpu.memory_space<vmem_shared>>) target(%dma_start3A_134 : memref<80x128xf32, #tpu.memory_space<hbm>>) target_semaphore(%run_scoped3A : memref<!tpu.dma_semaphore, #tpu.memory_space<semaphore_mem>>)
        %dma_wait3A_137 = arith.constant 0 : i32
        %dma_wait3A_138 = tpu.memref_slice %arg5[%add3A_132, %dma_wait3A_137] : memref<20000x128xf32, #tpu.memory_space<hbm>> -> memref<80x128xf32, #tpu.memory_space<hbm>>
        %dma_wait3A_139 = arith.constant 0 : i32
        %dma_wait3A_140 = tpu.memref_slice %arg12[%mul3A_129, %dma_wait3A_139] : memref<10008x128xf32, #tpu.memory_space<vmem_shared>> -> memref<80x128xf32, #tpu.memory_space<vmem_shared>>
        tpu.wait_dma2 semaphore(%run_scoped3A : memref<!tpu.dma_semaphore, #tpu.memory_space<semaphore_mem>>) src(%dma_wait3A_140 : memref<80x128xf32, #tpu.memory_space<vmem_shared>>) dst(%dma_wait3A_138 : memref<80x128xf32, #tpu.memory_space<hbm>>)
        tpu.yield
      }) : () -> ()
    } else {
    }
    %add3A_79 = arith.constant 16 : i32
    %add3A_80 = arith.addi %arg1, %add3A_79 : i32
    %lt3A_81 = arith.constant 125 : i32
    %lt3A_82 = arith.cmpi slt, %add3A_80, %lt3A_81 : i32
    %convert_element_type3A_83 = arith.extui %lt3A_82 : i1 to i32
    %cond3A_84 = arith.constant 0 : i32
    %cond3A_85 = arith.cmpi ne, %convert_element_type3A_83, %cond3A_84 : i32
    scf.if %cond3A_85 {
      %mul3A_128 = arith.constant 80 : i32
      %mul3A_129 = arith.muli %add3A_80, %mul3A_128 : i32
      %mul3A_130 = arith.constant 10000 : i32
      %mul3A_131 = arith.muli %arg0, %mul3A_130 : i32
      %add3A_132 = arith.addi %mul3A_131, %mul3A_129 : i32
      "tpu.region"() ({
        %run_scoped3A = tpu.sem_alloc : memref<!tpu.dma_semaphore, #tpu.memory_space<semaphore_mem>>
        %dma_start3A_133 = arith.constant 0 : i32
        %dma_start3A_134 = tpu.memref_slice %arg5[%add3A_132, %dma_start3A_133] : memref<20000x128xf32, #tpu.memory_space<hbm>> -> memref<80x128xf32, #tpu.memory_space<hbm>>
        %dma_start3A_135 = arith.constant 0 : i32
        %dma_start3A_136 = tpu.memref_slice %arg12[%mul3A_129, %dma_start3A_135] : memref<10008x128xf32, #tpu.memory_space<vmem_shared>> -> memref<80x128xf32, #tpu.memory_space<vmem_shared>>
        tpu.enqueue_dma source(%dma_start3A_136 : memref<80x128xf32, #tpu.memory_space<vmem_shared>>) target(%dma_start3A_134 : memref<80x128xf32, #tpu.memory_space<hbm>>) target_semaphore(%run_scoped3A : memref<!tpu.dma_semaphore, #tpu.memory_space<semaphore_mem>>)
        %dma_wait3A_137 = arith.constant 0 : i32
        %dma_wait3A_138 = tpu.memref_slice %arg5[%add3A_132, %dma_wait3A_137] : memref<20000x128xf32, #tpu.memory_space<hbm>> -> memref<80x128xf32, #tpu.memory_space<hbm>>
        %dma_wait3A_139 = arith.constant 0 : i32
        %dma_wait3A_140 = tpu.memref_slice %arg12[%mul3A_129, %dma_wait3A_139] : memref<10008x128xf32, #tpu.memory_space<vmem_shared>> -> memref<80x128xf32, #tpu.memory_space<vmem_shared>>
        tpu.wait_dma2 semaphore(%run_scoped3A : memref<!tpu.dma_semaphore, #tpu.memory_space<semaphore_mem>>) src(%dma_wait3A_140 : memref<80x128xf32, #tpu.memory_space<vmem_shared>>) dst(%dma_wait3A_138 : memref<80x128xf32, #tpu.memory_space<hbm>>)
        tpu.yield
      }) : () -> ()
    } else {
    }
    %add3A_86 = arith.constant 32 : i32
    %add3A_87 = arith.addi %arg1, %add3A_86 : i32
    %lt3A_88 = arith.constant 125 : i32
    %lt3A_89 = arith.cmpi slt, %add3A_87, %lt3A_88 : i32
    %convert_element_type3A_90 = arith.extui %lt3A_89 : i1 to i32
    %cond3A_91 = arith.constant 0 : i32
    %cond3A_92 = arith.cmpi ne, %convert_element_type3A_90, %cond3A_91 : i32
    scf.if %cond3A_92 {
      %mul3A_128 = arith.constant 80 : i32
      %mul3A_129 = arith.muli %add3A_87, %mul3A_128 : i32
      %mul3A_130 = arith.constant 10000 : i32
      %mul3A_131 = arith.muli %arg0, %mul3A_130 : i32
      %add3A_132 = arith.addi %mul3A_131, %mul3A_129 : i32
      "tpu.region"() ({
        %run_scoped3A = tpu.sem_alloc : memref<!tpu.dma_semaphore, #tpu.memory_space<semaphore_mem>>
        %dma_start3A_133 = arith.constant 0 : i32
        %dma_start3A_134 = tpu.memref_slice %arg5[%add3A_132, %dma_start3A_133] : memref<20000x128xf32, #tpu.memory_space<hbm>> -> memref<80x128xf32, #tpu.memory_space<hbm>>
        %dma_start3A_135 = arith.constant 0 : i32
        %dma_start3A_136 = tpu.memref_slice %arg12[%mul3A_129, %dma_start3A_135] : memref<10008x128xf32, #tpu.memory_space<vmem_shared>> -> memref<80x128xf32, #tpu.memory_space<vmem_shared>>
        tpu.enqueue_dma source(%dma_start3A_136 : memref<80x128xf32, #tpu.memory_space<vmem_shared>>) target(%dma_start3A_134 : memref<80x128xf32, #tpu.memory_space<hbm>>) target_semaphore(%run_scoped3A : memref<!tpu.dma_semaphore, #tpu.memory_space<semaphore_mem>>)
        %dma_wait3A_137 = arith.constant 0 : i32
        %dma_wait3A_138 = tpu.memref_slice %arg5[%add3A_132, %dma_wait3A_137] : memref<20000x128xf32, #tpu.memory_space<hbm>> -> memref<80x128xf32, #tpu.memory_space<hbm>>
        %dma_wait3A_139 = arith.constant 0 : i32
        %dma_wait3A_140 = tpu.memref_slice %arg12[%mul3A_129, %dma_wait3A_139] : memref<10008x128xf32, #tpu.memory_space<vmem_shared>> -> memref<80x128xf32, #tpu.memory_space<vmem_shared>>
        tpu.wait_dma2 semaphore(%run_scoped3A : memref<!tpu.dma_semaphore, #tpu.memory_space<semaphore_mem>>) src(%dma_wait3A_140 : memref<80x128xf32, #tpu.memory_space<vmem_shared>>) dst(%dma_wait3A_138 : memref<80x128xf32, #tpu.memory_space<hbm>>)
        tpu.yield
      }) : () -> ()
    } else {
    }
    %add3A_93 = arith.constant 48 : i32
    %add3A_94 = arith.addi %arg1, %add3A_93 : i32
    %lt3A_95 = arith.constant 125 : i32
    %lt3A_96 = arith.cmpi slt, %add3A_94, %lt3A_95 : i32
    %convert_element_type3A_97 = arith.extui %lt3A_96 : i1 to i32
    %cond3A_98 = arith.constant 0 : i32
    %cond3A_99 = arith.cmpi ne, %convert_element_type3A_97, %cond3A_98 : i32
    scf.if %cond3A_99 {
      %mul3A_128 = arith.constant 80 : i32
      %mul3A_129 = arith.muli %add3A_94, %mul3A_128 : i32
      %mul3A_130 = arith.constant 10000 : i32
      %mul3A_131 = arith.muli %arg0, %mul3A_130 : i32
      %add3A_132 = arith.addi %mul3A_131, %mul3A_129 : i32
      "tpu.region"() ({
        %run_scoped3A = tpu.sem_alloc : memref<!tpu.dma_semaphore, #tpu.memory_space<semaphore_mem>>
        %dma_start3A_133 = arith.constant 0 : i32
        %dma_start3A_134 = tpu.memref_slice %arg5[%add3A_132, %dma_start3A_133] : memref<20000x128xf32, #tpu.memory_space<hbm>> -> memref<80x128xf32, #tpu.memory_space<hbm>>
        %dma_start3A_135 = arith.constant 0 : i32
        %dma_start3A_136 = tpu.memref_slice %arg12[%mul3A_129, %dma_start3A_135] : memref<10008x128xf32, #tpu.memory_space<vmem_shared>> -> memref<80x128xf32, #tpu.memory_space<vmem_shared>>
        tpu.enqueue_dma source(%dma_start3A_136 : memref<80x128xf32, #tpu.memory_space<vmem_shared>>) target(%dma_start3A_134 : memref<80x128xf32, #tpu.memory_space<hbm>>) target_semaphore(%run_scoped3A : memref<!tpu.dma_semaphore, #tpu.memory_space<semaphore_mem>>)
        %dma_wait3A_137 = arith.constant 0 : i32
        %dma_wait3A_138 = tpu.memref_slice %arg5[%add3A_132, %dma_wait3A_137] : memref<20000x128xf32, #tpu.memory_space<hbm>> -> memref<80x128xf32, #tpu.memory_space<hbm>>
        %dma_wait3A_139 = arith.constant 0 : i32
        %dma_wait3A_140 = tpu.memref_slice %arg12[%mul3A_129, %dma_wait3A_139] : memref<10008x128xf32, #tpu.memory_space<vmem_shared>> -> memref<80x128xf32, #tpu.memory_space<vmem_shared>>
        tpu.wait_dma2 semaphore(%run_scoped3A : memref<!tpu.dma_semaphore, #tpu.memory_space<semaphore_mem>>) src(%dma_wait3A_140 : memref<80x128xf32, #tpu.memory_space<vmem_shared>>) dst(%dma_wait3A_138 : memref<80x128xf32, #tpu.memory_space<hbm>>)
        tpu.yield
      }) : () -> ()
    } else {
    }
    %add3A_100 = arith.constant 64 : i32
    %add3A_101 = arith.addi %arg1, %add3A_100 : i32
    %lt3A_102 = arith.constant 125 : i32
    %lt3A_103 = arith.cmpi slt, %add3A_101, %lt3A_102 : i32
    %convert_element_type3A_104 = arith.extui %lt3A_103 : i1 to i32
    %cond3A_105 = arith.constant 0 : i32
    %cond3A_106 = arith.cmpi ne, %convert_element_type3A_104, %cond3A_105 : i32
    scf.if %cond3A_106 {
      %mul3A_128 = arith.constant 80 : i32
      %mul3A_129 = arith.muli %add3A_101, %mul3A_128 : i32
      %mul3A_130 = arith.constant 10000 : i32
      %mul3A_131 = arith.muli %arg0, %mul3A_130 : i32
      %add3A_132 = arith.addi %mul3A_131, %mul3A_129 : i32
      "tpu.region"() ({
        %run_scoped3A = tpu.sem_alloc : memref<!tpu.dma_semaphore, #tpu.memory_space<semaphore_mem>>
        %dma_start3A_133 = arith.constant 0 : i32
        %dma_start3A_134 = tpu.memref_slice %arg5[%add3A_132, %dma_start3A_133] : memref<20000x128xf32, #tpu.memory_space<hbm>> -> memref<80x128xf32, #tpu.memory_space<hbm>>
        %dma_start3A_135 = arith.constant 0 : i32
        %dma_start3A_136 = tpu.memref_slice %arg12[%mul3A_129, %dma_start3A_135] : memref<10008x128xf32, #tpu.memory_space<vmem_shared>> -> memref<80x128xf32, #tpu.memory_space<vmem_shared>>
        tpu.enqueue_dma source(%dma_start3A_136 : memref<80x128xf32, #tpu.memory_space<vmem_shared>>) target(%dma_start3A_134 : memref<80x128xf32, #tpu.memory_space<hbm>>) target_semaphore(%run_scoped3A : memref<!tpu.dma_semaphore, #tpu.memory_space<semaphore_mem>>)
        %dma_wait3A_137 = arith.constant 0 : i32
        %dma_wait3A_138 = tpu.memref_slice %arg5[%add3A_132, %dma_wait3A_137] : memref<20000x128xf32, #tpu.memory_space<hbm>> -> memref<80x128xf32, #tpu.memory_space<hbm>>
        %dma_wait3A_139 = arith.constant 0 : i32
        %dma_wait3A_140 = tpu.memref_slice %arg12[%mul3A_129, %dma_wait3A_139] : memref<10008x128xf32, #tpu.memory_space<vmem_shared>> -> memref<80x128xf32, #tpu.memory_space<vmem_shared>>
        tpu.wait_dma2 semaphore(%run_scoped3A : memref<!tpu.dma_semaphore, #tpu.memory_space<semaphore_mem>>) src(%dma_wait3A_140 : memref<80x128xf32, #tpu.memory_space<vmem_shared>>) dst(%dma_wait3A_138 : memref<80x128xf32, #tpu.memory_space<hbm>>)
        tpu.yield
      }) : () -> ()
    } else {
    }
    %add3A_107 = arith.constant 80 : i32
    %add3A_108 = arith.addi %arg1, %add3A_107 : i32
    %lt3A_109 = arith.constant 125 : i32
    %lt3A_110 = arith.cmpi slt, %add3A_108, %lt3A_109 : i32
    %convert_element_type3A_111 = arith.extui %lt3A_110 : i1 to i32
    %cond3A_112 = arith.constant 0 : i32
    %cond3A_113 = arith.cmpi ne, %convert_element_type3A_111, %cond3A_112 : i32
    scf.if %cond3A_113 {
      %mul3A_128 = arith.constant 80 : i32
      %mul3A_129 = arith.muli %add3A_108, %mul3A_128 : i32
      %mul3A_130 = arith.constant 10000 : i32
      %mul3A_131 = arith.muli %arg0, %mul3A_130 : i32
      %add3A_132 = arith.addi %mul3A_131, %mul3A_129 : i32
      "tpu.region"() ({
        %run_scoped3A = tpu.sem_alloc : memref<!tpu.dma_semaphore, #tpu.memory_space<semaphore_mem>>
        %dma_start3A_133 = arith.constant 0 : i32
        %dma_start3A_134 = tpu.memref_slice %arg5[%add3A_132, %dma_start3A_133] : memref<20000x128xf32, #tpu.memory_space<hbm>> -> memref<80x128xf32, #tpu.memory_space<hbm>>
        %dma_start3A_135 = arith.constant 0 : i32
        %dma_start3A_136 = tpu.memref_slice %arg12[%mul3A_129, %dma_start3A_135] : memref<10008x128xf32, #tpu.memory_space<vmem_shared>> -> memref<80x128xf32, #tpu.memory_space<vmem_shared>>
        tpu.enqueue_dma source(%dma_start3A_136 : memref<80x128xf32, #tpu.memory_space<vmem_shared>>) target(%dma_start3A_134 : memref<80x128xf32, #tpu.memory_space<hbm>>) target_semaphore(%run_scoped3A : memref<!tpu.dma_semaphore, #tpu.memory_space<semaphore_mem>>)
        %dma_wait3A_137 = arith.constant 0 : i32
        %dma_wait3A_138 = tpu.memref_slice %arg5[%add3A_132, %dma_wait3A_137] : memref<20000x128xf32, #tpu.memory_space<hbm>> -> memref<80x128xf32, #tpu.memory_space<hbm>>
        %dma_wait3A_139 = arith.constant 0 : i32
        %dma_wait3A_140 = tpu.memref_slice %arg12[%mul3A_129, %dma_wait3A_139] : memref<10008x128xf32, #tpu.memory_space<vmem_shared>> -> memref<80x128xf32, #tpu.memory_space<vmem_shared>>
        tpu.wait_dma2 semaphore(%run_scoped3A : memref<!tpu.dma_semaphore, #tpu.memory_space<semaphore_mem>>) src(%dma_wait3A_140 : memref<80x128xf32, #tpu.memory_space<vmem_shared>>) dst(%dma_wait3A_138 : memref<80x128xf32, #tpu.memory_space<hbm>>)
        tpu.yield
      }) : () -> ()
    } else {
    }
    %add3A_114 = arith.constant 96 : i32
    %add3A_115 = arith.addi %arg1, %add3A_114 : i32
    %lt3A_116 = arith.constant 125 : i32
    %lt3A_117 = arith.cmpi slt, %add3A_115, %lt3A_116 : i32
    %convert_element_type3A_118 = arith.extui %lt3A_117 : i1 to i32
    %cond3A_119 = arith.constant 0 : i32
    %cond3A_120 = arith.cmpi ne, %convert_element_type3A_118, %cond3A_119 : i32
    scf.if %cond3A_120 {
      %mul3A_128 = arith.constant 80 : i32
      %mul3A_129 = arith.muli %add3A_115, %mul3A_128 : i32
      %mul3A_130 = arith.constant 10000 : i32
      %mul3A_131 = arith.muli %arg0, %mul3A_130 : i32
      %add3A_132 = arith.addi %mul3A_131, %mul3A_129 : i32
      "tpu.region"() ({
        %run_scoped3A = tpu.sem_alloc : memref<!tpu.dma_semaphore, #tpu.memory_space<semaphore_mem>>
        %dma_start3A_133 = arith.constant 0 : i32
        %dma_start3A_134 = tpu.memref_slice %arg5[%add3A_132, %dma_start3A_133] : memref<20000x128xf32, #tpu.memory_space<hbm>> -> memref<80x128xf32, #tpu.memory_space<hbm>>
        %dma_start3A_135 = arith.constant 0 : i32
        %dma_start3A_136 = tpu.memref_slice %arg12[%mul3A_129, %dma_start3A_135] : memref<10008x128xf32, #tpu.memory_space<vmem_shared>> -> memref<80x128xf32, #tpu.memory_space<vmem_shared>>
        tpu.enqueue_dma source(%dma_start3A_136 : memref<80x128xf32, #tpu.memory_space<vmem_shared>>) target(%dma_start3A_134 : memref<80x128xf32, #tpu.memory_space<hbm>>) target_semaphore(%run_scoped3A : memref<!tpu.dma_semaphore, #tpu.memory_space<semaphore_mem>>)
        %dma_wait3A_137 = arith.constant 0 : i32
        %dma_wait3A_138 = tpu.memref_slice %arg5[%add3A_132, %dma_wait3A_137] : memref<20000x128xf32, #tpu.memory_space<hbm>> -> memref<80x128xf32, #tpu.memory_space<hbm>>
        %dma_wait3A_139 = arith.constant 0 : i32
        %dma_wait3A_140 = tpu.memref_slice %arg12[%mul3A_129, %dma_wait3A_139] : memref<10008x128xf32, #tpu.memory_space<vmem_shared>> -> memref<80x128xf32, #tpu.memory_space<vmem_shared>>
        tpu.wait_dma2 semaphore(%run_scoped3A : memref<!tpu.dma_semaphore, #tpu.memory_space<semaphore_mem>>) src(%dma_wait3A_140 : memref<80x128xf32, #tpu.memory_space<vmem_shared>>) dst(%dma_wait3A_138 : memref<80x128xf32, #tpu.memory_space<hbm>>)
        tpu.yield
      }) : () -> ()
    } else {
    }
    %add3A_121 = arith.constant 112 : i32
    %add3A_122 = arith.addi %arg1, %add3A_121 : i32
    %lt3A_123 = arith.constant 125 : i32
    %lt3A_124 = arith.cmpi slt, %add3A_122, %lt3A_123 : i32
    %convert_element_type3A_125 = arith.extui %lt3A_124 : i1 to i32
    %cond3A_126 = arith.constant 0 : i32
    %cond3A_127 = arith.cmpi ne, %convert_element_type3A_125, %cond3A_126 : i32
    scf.if %cond3A_127 {
      %mul3A_128 = arith.constant 80 : i32
      %mul3A_129 = arith.muli %add3A_122, %mul3A_128 : i32
      %mul3A_130 = arith.constant 10000 : i32
      %mul3A_131 = arith.muli %arg0, %mul3A_130 : i32
      %add3A_132 = arith.addi %mul3A_131, %mul3A_129 : i32
      "tpu.region"() ({
        %run_scoped3A = tpu.sem_alloc : memref<!tpu.dma_semaphore, #tpu.memory_space<semaphore_mem>>
        %dma_start3A_133 = arith.constant 0 : i32
        %dma_start3A_134 = tpu.memref_slice %arg5[%add3A_132, %dma_start3A_133] : memref<20000x128xf32, #tpu.memory_space<hbm>> -> memref<80x128xf32, #tpu.memory_space<hbm>>
        %dma_start3A_135 = arith.constant 0 : i32
        %dma_start3A_136 = tpu.memref_slice %arg12[%mul3A_129, %dma_start3A_135] : memref<10008x128xf32, #tpu.memory_space<vmem_shared>> -> memref<80x128xf32, #tpu.memory_space<vmem_shared>>
        tpu.enqueue_dma source(%dma_start3A_136 : memref<80x128xf32, #tpu.memory_space<vmem_shared>>) target(%dma_start3A_134 : memref<80x128xf32, #tpu.memory_space<hbm>>) target_semaphore(%run_scoped3A : memref<!tpu.dma_semaphore, #tpu.memory_space<semaphore_mem>>)
        %dma_wait3A_137 = arith.constant 0 : i32
        %dma_wait3A_138 = tpu.memref_slice %arg5[%add3A_132, %dma_wait3A_137] : memref<20000x128xf32, #tpu.memory_space<hbm>> -> memref<80x128xf32, #tpu.memory_space<hbm>>
        %dma_wait3A_139 = arith.constant 0 : i32
        %dma_wait3A_140 = tpu.memref_slice %arg12[%mul3A_129, %dma_wait3A_139] : memref<10008x128xf32, #tpu.memory_space<vmem_shared>> -> memref<80x128xf32, #tpu.memory_space<vmem_shared>>
        tpu.wait_dma2 semaphore(%run_scoped3A : memref<!tpu.dma_semaphore, #tpu.memory_space<semaphore_mem>>) src(%dma_wait3A_140 : memref<80x128xf32, #tpu.memory_space<vmem_shared>>) dst(%dma_wait3A_138 : memref<80x128xf32, #tpu.memory_space<hbm>>)
        tpu.yield
      }) : () -> ()
    } else {
    }
    return
  }
}

module attributes {stable_mosaic.version = 14 : i64} {
  func.func @_lin1_body(%arg0: i32, %arg1: i32, %arg2: memref<2x2000x128xf32, #tpu.memory_space<vmem>>, %arg3: memref<2000x128xf32, #tpu.memory_space<vmem>>, %arg4: memref<2000x128xf32, #tpu.memory_space<vmem>>, %arg5: memref<256x128xf32, #tpu.memory_space<vmem>>, %arg6: memref<2000x128xf32, #tpu.memory_space<vmem>>) attributes {dimension_semantics = [#tpu.dimension_semantics<arbitrary>, #tpu.dimension_semantics<arbitrary>], iteration_bounds = array<i64: 2, 5>, scalar_prefetch = 0 : i64, scratch_operands = 0 : i64, tpu.core_type = #tpu.core_type<tc>, window_params = [{transform_indices = @transform_0, window_bounds = array<i64: 2, 2000, 128>}, {transform_indices = @transform_1, window_bounds = array<i64: 2000, 128>}, {transform_indices = @transform_2, window_bounds = array<i64: 2000, 128>}, {transform_indices = @transform_3, window_bounds = array<i64: 256, 128>}, {transform_indices = @transform_4, window_bounds = array<i64: 2000, 128>}]} {
    %get3A = arith.constant 0 : index
    %get3A_0 = arith.constant 0 : index
    %get3A_1 = vector.load %arg5[%get3A, %get3A_0] : memref<256x128xf32, #tpu.memory_space<vmem>>, vector<256x128xf32>
    %get3A_2 = arith.constant 0 : index
    %get3A_3 = arith.constant 0 : index
    %get3A_4 = vector.load %arg3[%get3A_2, %get3A_3] : memref<2000x128xf32, #tpu.memory_space<vmem>>, vector<2000x128xf32>
    %slice3A = vector.extract_strided_slice %get3A_1 {offsets = [0, 0], sizes = [128, 128], strides = [1, 1]} : vector<256x128xf32> to vector<128x128xf32>
    %dot_general3A = arith.constant dense<0.000000e+00> : vector<2000x128xf32>
    %dot_general3A_5 = tpu.matmul %get3A_4, %slice3A, %dot_general3A {dimension_numbers = #tpu.dot_dimension_numbers<[1], [0], [0], [1], [0, 0, 1, 1], [], []>, transpose_lhs_hint = false} : vector<2000x128xf32>, vector<128x128xf32>, vector<2000x128xf32> -> vector<2000x128xf32>
    %get3A_6 = arith.constant 0 : index
    %get3A_7 = arith.constant 0 : index
    %get3A_8 = vector.load %arg4[%get3A_6, %get3A_7] : memref<2000x128xf32, #tpu.memory_space<vmem>>, vector<2000x128xf32>
    %slice3A_9 = vector.extract_strided_slice %get3A_1 {offsets = [128, 0], sizes = [128, 128], strides = [1, 1]} : vector<256x128xf32> to vector<128x128xf32>
    %dot_general3A_10 = arith.constant dense<0.000000e+00> : vector<2000x128xf32>
    %dot_general3A_11 = tpu.matmul %get3A_8, %slice3A_9, %dot_general3A_10 {dimension_numbers = #tpu.dot_dimension_numbers<[1], [0], [0], [1], [0, 0, 1, 1], [], []>, transpose_lhs_hint = false} : vector<2000x128xf32>, vector<128x128xf32>, vector<2000x128xf32> -> vector<2000x128xf32>
    %add3A = arith.addf %dot_general3A_5, %dot_general3A_11 : vector<2000x128xf32>
    %get3A_12 = arith.constant 0 : index
    %get3A_13 = arith.constant 0 : index
    %get3A_14 = arith.constant 0 : index
    %get3A_15 = vector.load %arg2[%get3A_12, %get3A_13, %get3A_14] : memref<2x2000x128xf32, #tpu.memory_space<vmem>>, vector<1x2000x1xf32>
    %get3A_16 = vector.shape_cast %get3A_15 : vector<1x2000x1xf32> to vector<2000xf32>
    %get3A_17 = arith.constant 1 : index
    %get3A_18 = arith.constant 0 : index
    %get3A_19 = arith.constant 0 : index
    %get3A_20 = vector.load %arg2[%get3A_17, %get3A_18, %get3A_19] : memref<2x2000x128xf32, #tpu.memory_space<vmem>>, vector<1x2000x1xf32>
    %get3A_21 = vector.shape_cast %get3A_20 : vector<1x2000x1xf32> to vector<2000xf32>
    %add3A_22 = arith.addf %get3A_16, %get3A_21 : vector<2000xf32>
    %add3A_23 = arith.constant 1.000000e+00 : f32
    %add3A_24 = vector.broadcast %add3A_23 : f32 to vector<2000xf32>
    %add3A_25 = arith.addf %add3A_22, %add3A_24 : vector<2000xf32>
    %sqrt3A = math.sqrt %add3A_25 : vector<2000xf32>
    %div3A = arith.constant 1.000000e+00 : f32
    %div3A_26 = vector.broadcast %div3A : f32 to vector<2000xf32>
    %div3A_27 = arith.divf %div3A_26, %sqrt3A : vector<2000xf32>
    %broadcast_in_dim3A = vector.shape_cast %div3A_27 : vector<2000xf32> to vector<2000x1xf32>
    %mul3A = vector.broadcast %broadcast_in_dim3A : vector<2000x1xf32> to vector<2000x128xf32>
    %mul3A_28 = arith.mulf %add3A, %mul3A : vector<2000x128xf32>
    %swap3A = arith.constant 0 : index
    %swap3A_29 = arith.constant 0 : index
    %swap3A_30 = vector.load %arg6[%swap3A, %swap3A_29] : memref<2000x128xf32, #tpu.memory_space<vmem>>, vector<2000x128xf32>
    tpu.vector_store %arg6[%swap3A, %swap3A_29], %mul3A_28 {strides = array<i32>} : memref<2000x128xf32, #tpu.memory_space<vmem>>, vector<2000x128xf32>,
    return
  }
  func.func @transform_0(%arg0: i32, %arg1: i32) -> (i32, i32, i32) {
    %c0_i32 = arith.constant 0 : i32
    %c0_i32_0 = arith.constant 0 : i32
    %c0_i32_1 = arith.constant 0 : i32
    return %c0_i32, %arg1, %c0_i32_0 : i32, i32, i32
  }
  func.func @transform_1(%arg0: i32, %arg1: i32) -> (i32, i32) {
    %c0_i32 = arith.constant 0 : i32
    %c0_i32_0 = arith.constant 0 : i32
    return %arg1, %c0_i32 : i32, i32
  }
  func.func @transform_2(%arg0: i32, %arg1: i32) -> (i32, i32) {
    %c0_i32 = arith.constant 0 : i32
    %c0_i32_0 = arith.constant 0 : i32
    return %arg1, %c0_i32 : i32, i32
  }
  func.func @transform_3(%arg0: i32, %arg1: i32) -> (i32, i32) {
    %c0_i32 = arith.constant 0 : i32
    %c0_i32_0 = arith.constant 0 : i32
    return %c0_i32, %arg0 : i32, i32
  }
  func.func @transform_4(%arg0: i32, %arg1: i32) -> (i32, i32) {
    %mul3A = arith.constant 5 : i32
    %mul3A_0 = arith.muli %arg0, %mul3A : i32
    %add3A = arith.addi %mul3A_0, %arg1 : i32
    %c0_i32 = arith.constant 0 : i32
    %c0_i32_1 = arith.constant 0 : i32
    return %add3A, %c0_i32 : i32, i32
  }
}

module attributes {stable_mosaic.version = 14 : i64} {
  func.func @_mid_body(%arg0: i32, %arg1: i32, %arg2: memref<2x2000x128xf32, #tpu.memory_space<vmem>>, %arg3: memref<2x2000x128xf32, #tpu.memory_space<vmem>>, %arg4: memref<1x256xf32, #tpu.memory_space<vmem>>, %arg5: memref<256x128xf32, #tpu.memory_space<vmem>>, %arg6: memref<2000x128xf32, #tpu.memory_space<vmem>>) attributes {dimension_semantics = [#tpu.dimension_semantics<arbitrary>, #tpu.dimension_semantics<arbitrary>], iteration_bounds = array<i64: 2, 5>, scalar_prefetch = 0 : i64, scratch_operands = 0 : i64, tpu.core_type = #tpu.core_type<tc>, window_params = [{transform_indices = @transform_0, window_bounds = array<i64: 2, 2000, 128>}, {transform_indices = @transform_1, window_bounds = array<i64: 2, 2000, 128>}, {pipeline_mode = #tpu.pipeline_mode<synchronous>, transform_indices = @transform_2, window_bounds = array<i64: 1, 256>}, {transform_indices = @transform_3, window_bounds = array<i64: 256, 128>}, {transform_indices = @transform_4, window_bounds = array<i64: 2000, 128>}]} {
    %get3A = arith.constant 0 : index
    %get3A_0 = arith.constant 0 : index
    %get3A_1 = arith.constant 0 : index
    %get3A_2 = vector.load %arg2[%get3A, %get3A_0, %get3A_1] : memref<2x2000x128xf32, #tpu.memory_space<vmem>>, vector<1x2000x1xf32>
    %get3A_3 = vector.shape_cast %get3A_2 : vector<1x2000x1xf32> to vector<2000xf32>
    %get3A_4 = arith.constant 1 : index
    %get3A_5 = arith.constant 0 : index
    %get3A_6 = arith.constant 0 : index
    %get3A_7 = vector.load %arg2[%get3A_4, %get3A_5, %get3A_6] : memref<2x2000x128xf32, #tpu.memory_space<vmem>>, vector<1x2000x1xf32>
    %get3A_8 = vector.shape_cast %get3A_7 : vector<1x2000x1xf32> to vector<2000xf32>
    %add3A = arith.addf %get3A_3, %get3A_8 : vector<2000xf32>
    %add3A_9 = arith.constant 1.000000e+00 : f32
    %add3A_10 = vector.broadcast %add3A_9 : f32 to vector<2000xf32>
    %add3A_11 = arith.addf %add3A, %add3A_10 : vector<2000xf32>
    %sqrt3A = math.sqrt %add3A_11 : vector<2000xf32>
    %div3A = arith.constant 1.000000e+00 : f32
    %div3A_12 = vector.broadcast %div3A : f32 to vector<2000xf32>
    %div3A_13 = arith.divf %div3A_12, %sqrt3A : vector<2000xf32>
    %broadcast_in_dim3A = vector.shape_cast %div3A_13 : vector<2000xf32> to vector<2000x1xf32>
    %get3A_14 = arith.constant 0 : index
    %get3A_15 = arith.constant 0 : index
    %get3A_16 = arith.constant 0 : index
    %get3A_17 = vector.load %arg3[%get3A_14, %get3A_15, %get3A_16] : memref<2x2000x128xf32, #tpu.memory_space<vmem>>, vector<1x2000x128xf32>
    %get3A_18 = vector.shape_cast %get3A_17 : vector<1x2000x128xf32> to vector<2000x128xf32>
    %get3A_19 = arith.constant 1 : index
    %get3A_20 = arith.constant 0 : index
    %get3A_21 = arith.constant 0 : index
    %get3A_22 = vector.load %arg3[%get3A_19, %get3A_20, %get3A_21] : memref<2x2000x128xf32, #tpu.memory_space<vmem>>, vector<1x2000x128xf32>
    %get3A_23 = vector.shape_cast %get3A_22 : vector<1x2000x128xf32> to vector<2000x128xf32>
    %concatenate3A = tpu.concatenate %get3A_18, %get3A_23 in 1 : vector<2000x128xf32>, vector<2000x128xf32> -> vector<2000x256xf32>
    %mul3A = vector.broadcast %broadcast_in_dim3A : vector<2000x1xf32> to vector<2000x256xf32>
    %mul3A_24 = arith.mulf %concatenate3A, %mul3A : vector<2000x256xf32>
    %get3A_25 = arith.constant 0 : index
    %get3A_26 = arith.constant 0 : index
    %get3A_27 = vector.load %arg4[%get3A_25, %get3A_26] : memref<1x256xf32, #tpu.memory_space<vmem>>, vector<1x256xf32>
    %add3A_28 = vector.broadcast %get3A_27 : vector<1x256xf32> to vector<2000x256xf32>
    %add3A_29 = arith.addf %mul3A_24, %add3A_28 : vector<2000x256xf32>
    %max3A = arith.constant 0.000000e+00 : f32
    %max3A_30 = vector.broadcast %max3A : f32 to vector<2000x256xf32>
    %max3A_31 = arith.maximumf %add3A_29, %max3A_30 : vector<2000x256xf32>
    %get3A_32 = arith.constant 0 : index
    %get3A_33 = arith.constant 0 : index
    %get3A_34 = vector.load %arg5[%get3A_32, %get3A_33] : memref<256x128xf32, #tpu.memory_space<vmem>>, vector<256x128xf32>
    %dot_general3A = arith.constant dense<0.000000e+00> : vector<2000x128xf32>
    %dot_general3A_35 = tpu.matmul %max3A_31, %get3A_34, %dot_general3A {dimension_numbers = #tpu.dot_dimension_numbers<[1], [0], [0], [1], [0, 0, 1, 1], [], []>, transpose_lhs_hint = false} : vector<2000x256xf32>, vector<256x128xf32>, vector<2000x128xf32> -> vector<2000x128xf32>
    %mul3A_36 = vector.broadcast %broadcast_in_dim3A : vector<2000x1xf32> to vector<2000x128xf32>
    %mul3A_37 = arith.mulf %dot_general3A_35, %mul3A_36 : vector<2000x128xf32>
    %swap3A = arith.constant 0 : index
    %swap3A_38 = arith.constant 0 : index
    %swap3A_39 = vector.load %arg6[%swap3A, %swap3A_38] : memref<2000x128xf32, #tpu.memory_space<vmem>>, vector<2000x128xf32>
    tpu.vector_store %arg6[%swap3A, %swap3A_38], %mul3A_37 {strides = array<i32>} : memref<2000x128xf32, #tpu.memory_space<vmem>>, vector<2000x128xf32>,
    return
  }
  func.func @transform_0(%arg0: i32, %arg1: i32) -> (i32, i32, i32) {
    %c0_i32 = arith.constant 0 : i32
    %c0_i32_0 = arith.constant 0 : i32
    %c0_i32_1 = arith.constant 0 : i32
    return %c0_i32, %arg1, %c0_i32_0 : i32, i32, i32
  }
  func.func @transform_1(%arg0: i32, %arg1: i32) -> (i32, i32, i32) {
    %c0_i32 = arith.constant 0 : i32
    %c0_i32_0 = arith.constant 0 : i32
    %c0_i32_1 = arith.constant 0 : i32
    return %c0_i32, %arg1, %c0_i32_0 : i32, i32, i32
  }
  func.func @transform_2(%arg0: i32, %arg1: i32) -> (i32, i32) {
    %c0_i32 = arith.constant 0 : i32
    %c0_i32_0 = arith.constant 0 : i32
    %c0_i32_1 = arith.constant 0 : i32
    return %c0_i32, %c0_i32_0 : i32, i32
  }
  func.func @transform_3(%arg0: i32, %arg1: i32) -> (i32, i32) {
    %c0_i32 = arith.constant 0 : i32
    %c0_i32_0 = arith.constant 0 : i32
    return %c0_i32, %arg0 : i32, i32
  }
  func.func @transform_4(%arg0: i32, %arg1: i32) -> (i32, i32) {
    %mul3A = arith.constant 5 : i32
    %mul3A_0 = arith.muli %arg0, %mul3A : i32
    %add3A = arith.addi %mul3A_0, %arg1 : i32
    %c0_i32 = arith.constant 0 : i32
    %c0_i32_1 = arith.constant 0 : i32
    return %add3A, %c0_i32 : i32, i32
  }
}

module attributes {stable_mosaic.version = 14 : i64} {
  func.func @_out_body(%arg0: i32, %arg1: memref<2x2000x128xf32, #tpu.memory_space<vmem>>, %arg2: memref<2x2000x128xf32, #tpu.memory_space<vmem>>, %arg3: memref<1x256xf32, #tpu.memory_space<vmem>>, %arg4: memref<256x128xf32, #tpu.memory_space<vmem>>, %arg5: memref<1x128xf32, #tpu.memory_space<vmem>>, %arg6: memref<2000x128xf32, #tpu.memory_space<vmem>>) attributes {dimension_semantics = [#tpu.dimension_semantics<arbitrary>], iteration_bounds = array<i64: 5>, scalar_prefetch = 0 : i64, scratch_operands = 0 : i64, tpu.core_type = #tpu.core_type<tc>, window_params = [{transform_indices = @transform_0, window_bounds = array<i64: 2, 2000, 128>}, {transform_indices = @transform_1, window_bounds = array<i64: 2, 2000, 128>}, {pipeline_mode = #tpu.pipeline_mode<synchronous>, transform_indices = @transform_2, window_bounds = array<i64: 1, 256>}, {pipeline_mode = #tpu.pipeline_mode<synchronous>, transform_indices = @transform_3, window_bounds = array<i64: 256, 128>}, {pipeline_mode = #tpu.pipeline_mode<synchronous>, transform_indices = @transform_4, window_bounds = array<i64: 1, 128>}, {transform_indices = @transform_5, window_bounds = array<i64: 2000, 128>}]} {
    %get3A = arith.constant 0 : index
    %get3A_0 = arith.constant 0 : index
    %get3A_1 = arith.constant 0 : index
    %get3A_2 = vector.load %arg1[%get3A, %get3A_0, %get3A_1] : memref<2x2000x128xf32, #tpu.memory_space<vmem>>, vector<1x2000x1xf32>
    %get3A_3 = vector.shape_cast %get3A_2 : vector<1x2000x1xf32> to vector<2000xf32>
    %get3A_4 = arith.constant 1 : index
    %get3A_5 = arith.constant 0 : index
    %get3A_6 = arith.constant 0 : index
    %get3A_7 = vector.load %arg1[%get3A_4, %get3A_5, %get3A_6] : memref<2x2000x128xf32, #tpu.memory_space<vmem>>, vector<1x2000x1xf32>
    %get3A_8 = vector.shape_cast %get3A_7 : vector<1x2000x1xf32> to vector<2000xf32>
    %add3A = arith.addf %get3A_3, %get3A_8 : vector<2000xf32>
    %add3A_9 = arith.constant 1.000000e+00 : f32
    %add3A_10 = vector.broadcast %add3A_9 : f32 to vector<2000xf32>
    %add3A_11 = arith.addf %add3A, %add3A_10 : vector<2000xf32>
    %sqrt3A = math.sqrt %add3A_11 : vector<2000xf32>
    %div3A = arith.constant 1.000000e+00 : f32
    %div3A_12 = vector.broadcast %div3A : f32 to vector<2000xf32>
    %div3A_13 = arith.divf %div3A_12, %sqrt3A : vector<2000xf32>
    %broadcast_in_dim3A = vector.shape_cast %div3A_13 : vector<2000xf32> to vector<2000x1xf32>
    %get3A_14 = arith.constant 0 : index
    %get3A_15 = arith.constant 0 : index
    %get3A_16 = arith.constant 0 : index
    %get3A_17 = vector.load %arg2[%get3A_14, %get3A_15, %get3A_16] : memref<2x2000x128xf32, #tpu.memory_space<vmem>>, vector<1x2000x128xf32>
    %get3A_18 = vector.shape_cast %get3A_17 : vector<1x2000x128xf32> to vector<2000x128xf32>
    %get3A_19 = arith.constant 1 : index
    %get3A_20 = arith.constant 0 : index
    %get3A_21 = arith.constant 0 : index
    %get3A_22 = vector.load %arg2[%get3A_19, %get3A_20, %get3A_21] : memref<2x2000x128xf32, #tpu.memory_space<vmem>>, vector<1x2000x128xf32>
    %get3A_23 = vector.shape_cast %get3A_22 : vector<1x2000x128xf32> to vector<2000x128xf32>
    %concatenate3A = tpu.concatenate %get3A_18, %get3A_23 in 1 : vector<2000x128xf32>, vector<2000x128xf32> -> vector<2000x256xf32>
    %mul3A = vector.broadcast %broadcast_in_dim3A : vector<2000x1xf32> to vector<2000x256xf32>
    %mul3A_24 = arith.mulf %concatenate3A, %mul3A : vector<2000x256xf32>
    %get3A_25 = arith.constant 0 : index
    %get3A_26 = arith.constant 0 : index
    %get3A_27 = vector.load %arg3[%get3A_25, %get3A_26] : memref<1x256xf32, #tpu.memory_space<vmem>>, vector<1x256xf32>
    %add3A_28 = vector.broadcast %get3A_27 : vector<1x256xf32> to vector<2000x256xf32>
    %add3A_29 = arith.addf %mul3A_24, %add3A_28 : vector<2000x256xf32>
    %max3A = arith.constant 0.000000e+00 : f32
    %max3A_30 = vector.broadcast %max3A : f32 to vector<2000x256xf32>
    %max3A_31 = arith.maximumf %add3A_29, %max3A_30 : vector<2000x256xf32>
    %get3A_32 = arith.constant 0 : index
    %get3A_33 = arith.constant 0 : index
    %get3A_34 = vector.load %arg4[%get3A_32, %get3A_33] : memref<256x128xf32, #tpu.memory_space<vmem>>, vector<256x128xf32>
    %dot_general3A = arith.constant dense<0.000000e+00> : vector<2000x128xf32>
    %dot_general3A_35 = tpu.matmul %max3A_31, %get3A_34, %dot_general3A {dimension_numbers = #tpu.dot_dimension_numbers<[1], [0], [0], [1], [0, 0, 1, 1], [], []>, transpose_lhs_hint = false} : vector<2000x256xf32>, vector<256x128xf32>, vector<2000x128xf32> -> vector<2000x128xf32>
    %get3A_36 = arith.constant 0 : index
    %get3A_37 = arith.constant 0 : index
    %get3A_38 = vector.load %arg5[%get3A_36, %get3A_37] : memref<1x128xf32, #tpu.memory_space<vmem>>, vector<1x128xf32>
    %add3A_39 = vector.broadcast %get3A_38 : vector<1x128xf32> to vector<2000x128xf32>
    %add3A_40 = arith.addf %dot_general3A_35, %add3A_39 : vector<2000x128xf32>
    %swap3A = arith.constant 0 : index
    %swap3A_41 = arith.constant 0 : index
    %swap3A_42 = vector.load %arg6[%swap3A, %swap3A_41] : memref<2000x128xf32, #tpu.memory_space<vmem>>, vector<2000x128xf32>
    tpu.vector_store %arg6[%swap3A, %swap3A_41], %add3A_40 {strides = array<i32>} : memref<2000x128xf32, #tpu.memory_space<vmem>>, vector<2000x128xf32>,
    return
  }
  func.func @transform_0(%arg0: i32) -> (i32, i32, i32) {
    %c0_i32 = arith.constant 0 : i32
    %c0_i32_0 = arith.constant 0 : i32
    %c0_i32_1 = arith.constant 0 : i32
    return %c0_i32, %arg0, %c0_i32_0 : i32, i32, i32
  }
  func.func @transform_1(%arg0: i32) -> (i32, i32, i32) {
    %c0_i32 = arith.constant 0 : i32
    %c0_i32_0 = arith.constant 0 : i32
    %c0_i32_1 = arith.constant 0 : i32
    return %c0_i32, %arg0, %c0_i32_0 : i32, i32, i32
  }
  func.func @transform_2(%arg0: i32) -> (i32, i32) {
    %c0_i32 = arith.constant 0 : i32
    %c0_i32_0 = arith.constant 0 : i32
    %c0_i32_1 = arith.constant 0 : i32
    return %c0_i32, %c0_i32_0 : i32, i32
  }
  func.func @transform_3(%arg0: i32) -> (i32, i32) {
    %c0_i32 = arith.constant 0 : i32
    %c0_i32_0 = arith.constant 0 : i32
    %c0_i32_1 = arith.constant 0 : i32
    return %c0_i32, %c0_i32_0 : i32, i32
  }
  func.func @transform_4(%arg0: i32) -> (i32, i32) {
    %c0_i32 = arith.constant 0 : i32
    %c0_i32_0 = arith.constant 0 : i32
    %c0_i32_1 = arith.constant 0 : i32
    return %c0_i32, %c0_i32_0 : i32, i32
  }
  func.func @transform_5(%arg0: i32) -> (i32, i32) {
    %c0_i32 = arith.constant 0 : i32
    %c0_i32_0 = arith.constant 0 : i32
    return %arg0, %c0_i32 : i32, i32
  }
}

</mosaic_0001>

<sc_bundles>
// kernel: kernel.11.cloned.1.call-start
scs
__scs_entry_jumppad:
0x0: {  	(pc) =	sbr.rel $0x88, $3  }
0x1: {  	(tag) =	ssettag $0x0;
	lr =	simm.s32 $0x1  }
0x2: {  	[smem:$0x3F98] =	sst lr;
	_ =	strace $0xD0000000  }
0x3: {  	_ = 	snop  }
0x4: {  	_ = 	snop  }
0x5: {  	_ = 	snop  }
0x6: {  	_ = 	snop  }
0x7: {  	_ = 	snop  }
__scs_overlays_trampoline_lowered:
0x8: {  	[smem:$0x3FA7] =	sst s0  }
0x9: {  	[smem:$0x3FA8] =	sst s1  }
0xa: {  	[smem:$0x3FA9] =	sst s2  }
0xb: {  	[smem:$0x3FAA] =	sst s3  }
0xc: {  	[smem:$0x3FAB] =	sst s4  }
0xd: {  	[smem:$0x3FAC] =	sst s5  }
0xe: {  	[smem:$0x3FAD] =	sst s6  }
0xf: {  	[smem:$0x3FAE] =	sst s7  }
0x10: {  	[smem:$0x3FAF] =	sst s8  }
0x11: {  	[smem:$0x3FB0] =	sst s9;
	s0 =	simm.s32 @!p0 $0x0  }
0x12: {  	s1 =	sld [smem:$0x3F96];
	s0 =	simm.s32 @p0 $0x1  }
0x13: {  	[smem:$0x3FB1] =	sst s0;
	s0 =	simm.s32 @!p1 $0x0  }
0x14: {  	s2 =	sld [smem:$0x3F95];
	s0 =	simm.s32 @p1 $0x1  }
0x15: {  	[smem:$0x3FB2] =	sst s0;
	s0 =	simm.s32 @!p2 $0x0  }
0x16: {  	s3 =	sld [smem:$0x3FDB];
	s0 =	simm.s32 @p2 $0x1  }
0x17: {  	s4 =	simm.s32 $0x1BF5;
	[smem:$0x3FB4] =	sst s0  }
0x18: {  	s0 =	sld [smem:$0x3F97];
	_ =	swait.ge [sflag:s4], $0x0  }
0x19: {  	s7 =	sld [smem:$0x3F98]  }
0x1a: {  	s8 =	sadd.s32 $0xFFFFE003, lr  }
0x1b: {  	s9 =	sadd.s32 $0xFFFFFEF7, lr;
	s5 =	simm.s32 $0xFFFFFFFF;
	p2 =	slt.u32 s8, $0xFFFFF086  }
0x1c: {  	p1 =	slt.u32 s9, $0xF7A;
	s5 =	simm.s32 @!p2 $0x0  }
0x1d: {  	s5 =	simm.s32 @p1 $0x1;
	p0 =	seq.s32 s7, s2  }
0x1e: {  	s7 =	smul.u32 @!p0 $0xF7A, s2;
	p2 =	seq.s32 @!p0 s5, $0x0  }
0x1f: {  	s9 =	smul.u32 $0xF7A, s1;
	s8 =	simm.s32 @!p0 $0x1BF5;
	p2 =	por !p2, p0  }
0x20: {  	[sflag:s8] =	ssyncset.s32 @!p0 $0xFFFFF086;
	s6 =	sadd.s32 @!p0 s3, s7;
	s7 =	simm.s32 @!p0 $0x108  }
0x21: {  	s3 =	sadd.s32 s3, s9;
	s6 =	sadd.s32 @!p0 $0x88, s6;
	s7 =	simm.s32 @p2 $0x1082  }
0x22: {  	[simem:s7], [sflag:s8] =	dma.local @!p0 [hbm:s6], $0xF7A  }
0x23: {  	s9 =	sor.u32 $0xD0000000, s2;
	s6 =	simm.s32 $0x108;
	_ =	swait.ge @!p0 [sflag:s8], $0x0  }
0x24: {  	s3 =	sadd.s32 $0x88, s3;
	s6 =	simm.s32 @!p1 $0x1082;
	[sflag:s4] =	ssyncset.s32 $0xFFFFF086  }
0x25: {  	[simem:s6], [sflag:s4] =	dma.local [hbm:s3], $0xF7A  }
0x26: {  	[smem:$0x3F98] =	sst s1;
	(tag) =	ssettag s2;
	_ =	strace s9  }
0x27: {  	s1 =	sld [smem:$0x3FA8]  }
0x28: {  	s2 =	sld [smem:$0x3FA9]  }
0x29: {  	s4 =	sld [smem:$0x3FAB]  }
0x2a: {  	p0 =	seq.s32 s5, $0x0;
	s5 =	sld [smem:$0x3FAC]  }
0x2b: {  	s6 =	sld [smem:$0x3FAD]  }
0x2c: {  	s7 =	sld [smem:$0x3FAE]  }
0x2d: {  	s3 =	simm.s32 $0x108;
	s8 =	sld [smem:$0x3FAF]  }
0x2e: {  	s3 =	simm.s32 @!p0 $0x1082;
	s9 =	sld [smem:$0x3FB0]  }
0x2f: {  	lr =	sadd.s32 s0, s3;
	s0 =	sld [smem:$0x3FA7]  }
0x30: {  	s3 =	sld [smem:$0x3FAA]  }
0x31: {  	[smem:$0x3FB3] =	sst s10  }
0x32: {  	s10 =	sld [smem:$0x3FB1];
	_ =	sdelay $0x3  }
0x33: {  	p0 =	seq.s32 s10, $0x1;
	s10 =	sld [smem:$0x3FB3];
	_ =	sdelay $0x3  }
0x34: {  	[smem:$0x3FB3] =	sst s10  }
0x35: {  	s10 =	sld [smem:$0x3FB2];
	_ =	sdelay $0x3  }
0x36: {  	p1 =	seq.s32 s10, $0x1;
	s10 =	sld [smem:$0x3FB3];
	_ =	sdelay $0x3  }
0x37: {  	[smem:$0x3FB3] =	sst s10  }
0x38: {  	s10 =	sld [smem:$0x3FB4]  }
0x39: {  	_ = 	snop;
	(pc) =	sbr.ind lr, $3  }
0x3a: {  	_ = 	snop  }
0x3b: {  	_ = 	snop  }
0x3c: {  	p2 =	seq.s32 s10, $0x1;
	s10 =	sld [smem:$0x3FB3]  }
0x3d: {  	_ =	shalt  }
0x3e: {  	_ =	shalt  }
0x3f: {  	_ =	shalt  }
0x40: {  	_ =	shalt  }
0x41: {  	_ =	shalt  }
0x42: {  	_ =	shalt  }
0x43: {  	_ =	shalt  }
0x44: {  	_ =	shalt  }
0x45: {  	_ =	shalt  }
0x46: {  	_ =	shalt  }
0x47: {  	_ =	shalt  }
0x48: {  	_ =	shalt  }
0x49: {  	_ =	shalt  }
0x4a: {  	_ =	shalt  }
0x4b: {  	_ =	shalt  }
0x4c: {  	_ =	shalt  }
0x4d: {  	_ =	shalt  }
0x4e: {  	_ =	shalt  }
0x4f: {  	_ =	shalt  }
0x50: {  	_ =	shalt  }
0x51: {  	_ =	shalt  }
0x52: {  	_ =	shalt  }
0x53: {  	_ =	shalt  }
0x54: {  	_ =	shalt  }
0x55: {  	_ =	shalt  }
0x56: {  	_ =	shalt  }
0x57: {  	_ =	shalt  }
0x58: {  	_ =	shalt  }
0x59: {  	_ =	shalt  }
0x5a: {  	_ =	shalt  }
0x5b: {  	_ =	shalt  }
0x5c: {  	_ =	shalt  }
0x5d: {  	_ =	shalt  }
0x5e: {  	_ =	shalt  }
0x5f: {  	_ =	shalt  }
0x60: {  	_ =	shalt  }
0x61: {  	_ =	shalt  }
0x62: {  	_ =	shalt  }
0x63: {  	_ =	shalt  }
0x64: {  	_ =	shalt  }
0x65: {  	_ =	shalt  }
0x66: {  	_ =	shalt  }
0x67: {  	_ =	shalt  }
0x68: {  	_ =	shalt  }
0x69: {  	_ =	shalt  }
0x6a: {  	_ =	shalt  }
0x6b: {  	_ =	shalt  }
0x6c: {  	_ =	shalt  }
0x6d: {  	_ =	shalt  }
0x6e: {  	_ =	shalt  }
0x6f: {  	_ =	shalt  }
0x70: {  	_ =	shalt  }
0x71: {  	_ =	shalt  }
0x72: {  	_ =	shalt  }
0x73: {  	_ =	shalt  }
0x74: {  	_ =	shalt  }
0x75: {  	_ =	shalt  }
0x76: {  	_ =	shalt  }
0x77: {  	_ =	shalt  }
0x78: {  	_ =	shalt  }
0x79: {  	_ =	shalt  }
0x7a: {  	_ =	shalt  }
0x7b: {  	_ =	shalt  }
0x7c: {  	_ =	shalt  }
0x7d: {  	_ =	shalt  }
0x7e: {  	_ =	shalt  }
0x7f: {  	_ =	shalt  }
0x80: {  	_ =	shalt  }
0x81: {  	_ =	shalt  }
0x82: {  	_ =	shalt  }
0x83: {  	_ =	shalt  }
0x84: {  	_ =	shalt  }
0x85: {  	_ =	shalt  }
0x86: {  	_ =	shalt  }
0x87: {  	_ =	shalt  }
.Lfunc_end0:
.L_simem_size_0:
called_computation.1_lowered:
.L_overlay_start_0:
0x88: {  	s2 =	sld [smem:$0x3FD9]  }
0x89: {  	s3 =	sld [smem:$0x3FFE];
	_ =	sdelay $0x1  }
0x8a: {  	s1 =	srdreg.scid  }
0x8b: {  	s0 =	sand.u32 $0x1, s1  }
0x8c: {  	s16 =	sshll.u32 s0, $0xA;
	s2 =	sadd.s32 s3, s2  }
0x8d: {  	s2 =	sadd.s32 s2, s16  }
0x8e: {  	[smem:$0x3FBF] =	sst s2  }
0x8f: {  	_ = 	snop  }
0x90: {  	(tm) =	ssettm $0x1  }
0x91: {  	s17 =	sld [smem:$0x3FFB];
	_ =	sdelay $0x3  }
0x92: {  	_ =	strace s17  }
0x93: {  	s2 =	sld [smem:$0x3FFC];
	_ =	sdelay $0x3  }
0x94: {  	_ =	strace s2  }
0x95: {  	s2 =	sld [smem:$0x3FFD];
	_ =	sdelay $0x3  }
0x96: {  	_ =	strace s2  }
0x97: {  	_ =	strace $0x8FFFFFFF  }
0x98: {  	s18 =	sld [smem:$0x3FDB];
	_ =	sdelay $0x1  }
0x99: {  	s19 =	simm.s32 $_scs_section_size  }
0x9a: {  	s4 =	simm.s32 $_size__tile_overlayer_lowered;
	s5 =	simm.s32 $_tile_overlayer_lowered  }
0x9b: {  	s22 =	simm.s32 $0x1BFF;
	s21 =	sshll.u32 s5, $0x1;
	s2 =	sadd.s32 s19, s18  }
0x9c: {  	s6 =	simm.s32 $0x0;
	s20 =	sshll.u32 s4, $0x1;
	s4 =	sadd.s32 s21, s2  }
0x9d: {  	[timem:s6], [sflag:s22] =	dma.local [hbm:s4], s20  }
0x9e: {  	_ =	swait.ge [sflag:s22], s20  }
0x9f: {  	s3 =	ssub.s32 $0x0, s20;
	[sflag:s22] =	ssyncset.done $0x0  }
0xa0: {  	[sflag:s22] =	ssyncadd.s32 s3;
	_ =	sdelay $0x1  }
0xa1: {  	s23 =	simm.s32 $0x1B8B  }
0xa2: {  	_ =	swait.ge [sflag:s23], $0x1  }
0xa3: {  	[sflag:s23] =	ssyncset.done $0x0  }
0xa4: {  	s25 =	simm.s32 $0x1B8E;
	s24 =	sld [smem:$0x3FFE];
	[sflag:s23] =	ssyncadd.s32 $0xFFFFFFFF  }
0xa5: {  	s26 =	simm.s32 $execute0_lowered;
	[smem:$0x3FD2] =	sst s25  }
0xa6: {  	s4 =	sshll.u32 s26, $0x1;
	_ =	strace $0x80000049;
	[dreg:$0x1] =	wrdreg $0xFFFFFFFF  }
0xa7: {  	s28 =	simm.s32 $_size_execute0_lowered;
	s2 =	sadd.s32 s2, s4;
	[dreg:$0x0] =	wrdreg $0x0  }
0xa8: {  	s4 =	sshll.u32 s28, $0x1;
	[dreg:$0x2] =	wrdreg s2  }
0xa9: {  	[dreg:$0x3] =	wrdreg s4  }
0xaa: {  	[dreg:$0x4] =	wrdreg $0xC0  }
0xab: {  	_ =	task [dreg:s6], $0x5FFFF  }
0xac: {  	[dreg:$0x1] =	wrdreg $0xFFFFFFFF  }
0xad: {  	[dreg:$0x0] =	wrdreg $0x60  }
0xae: {  	[dreg:$0x2] =	wrdreg s24  }
0xaf: {  	[dreg:$0x3] =	wrdreg $0x82000  }
0xb0: {  	[dreg:$0x4] =	wrdreg $0x9  }
0xb1: {  	_ =	task.clear_ibuf [dreg:s6], $0x5FFFF;
	_ =	strace $0x90000049  }
0xb2: {  	s29 =	simm.s32 $0x9;
	_ =	strace $0x8000004B  }
0xb3: {  	_ =	swait.ge [sflag:s29], $0x1  }
0xb4: {  	[sflag:s29] =	ssyncadd.s32 $0xFFFFFFFF  }
0xb5: {  	_ =	strace $0x9000004B  }
0xb6: {  	_ =	sfence  }
0xb7: {  	s30 =	sld [smem:$0x0];
	_ =	sdelay $0x2  }
0xb8: {  	s31 =	sshll.u32 s1, $0xD;
	s1 =	sshrl.u32 s1, $0x2  }
0xb9: {  	s3 =	sand.u32 $0x4000, s31;
	s1 =	sadd.s32 s1, s30  }
0xba: {  	s0 =	sor.u32 s3, s0;
	s1 =	sshll.u32 s1, $0x11  }
0xbb: {  	s0 =	sor.u32 s1, s0  }
0xbc: {  	s0 =	sadd.s32 $0x8F2B, s0  }
0xbd: {  	[sflag:s0] =	ssyncadd.remote.s32 $0x1  }
0xbe: {  	_ =	sfence.sel $0xFFFF  }
0xbf: {  	[dreg:$0x0] =	wrdreg $0xFFFFFFFF;
	(pc) =	sbr.abs _section_cstart, $3  }
0xc0: {  	[dreg:$0x1] =	wrdreg $0xFFFFFFFF  }
0xc1: {  	_ =	task.clear_ibuf [dreg:s6], $0x2FFFF;
	_ =	strace $0x9FFFFFFF  }
0xc2: {  	(tm) =	ssettm $0x7FFFFFFF  }
0xc3: {  	_ =	shalt  }
tec
execute0_lowered:
.L_overlay_start_1:
0x0: {  	(tag) =	ssettag $0x1  }
0x1: {  	s0 =	srdreg.scid;
	s26 =	stileid.u32  }
0x2: {  	s0 =	sand.u32 $0x1, s0;
	s4 =	smul.u32 $0x50, s26  }
0x3: {  	s9 =	sor.u32 $0x10, s26;
	s1 =	smul.u32 $0x2710, s0  }
0x4: {  	s11 =	sor.u32 $0x20, s26;
	s5 =	smul.u32 $0x50, s9  }
0x5: {  	s12 =	sor.u32 $0x30, s26;
	s6 =	smul.u32 $0x50, s11  }
0x6: {  	s13 =	sor.u32 $0x40, s26;
	s7 =	smul.u32 $0x50, s12  }
0x7: {  	s15 =	sor.u32 $0x50, s26;
	s14 =	smul.u32 $0x50, s13  }
0x8: {  	s18 =	sor.u32 $0x60, s26;
	s17 =	smul.u32 $0x50, s15  }
0x9: {  	s31 =	smul.u32 $0x50, s18  }
0xa: {  	s23 =	sor.u32 $0x70, s26;
	s10 =	ssub.s32 $0x2, s0;
	s0 =	smul.u32 $0x4E800, s0  }
0xb: {  	s8 =	rddreg [dreg:$0x0];
	s25 =	smul.u32 $0x50, s23  }
0xc: {  	s2 =	rddreg [dreg:$0x1];
	s12 =	smul.u32 $0xA000, s12  }
0xd: {  	s3 =	simm.s32 $0x0;
	s19 =	sadd.s32 $0x65800, s8;
	s15 =	smul.u32 $0xA000, s15  }
0xe: {  	s29 =	sadd.s32 $0x5BA00, s8;
	[smem:$0x7FF] =	sst s3;
	s18 =	smul.u32 $0xA000, s18  }
0xf: {  	_ =	strace $0x8000004A;
	s23 =	smul.u32 $0xA000, s23;
	s16 =	sshrl.u32 s10, $0x1  }
0x10: {  	s10 =	ssub.s32 s10, s16;
	s20 =	sadd.s32 s4, s1;
	s21 =	sadd.s32 s1, s5  }
0x11: {  	s22 =	sadd.s32 s1, s6;
	s6 =	smul.u32 $0x4E80, s26;
	s24 =	sadd.s32 s1, s7  }
0x12: {  	s14 =	sadd.s32 s1, s14;
	s16 =	sadd.s32 s1, s31;
	s31 =	smul.u32 $0x9D0, s26  }
0x13: {  	s17 =	sadd.s32 s1, s17;
	s1 =	sadd.s32 s1, s25;
	s25 =	smul.u32 $0xA000, s26  }
0x14: {  	s7 =	sadd.s32 $0x79200, s8;
	s12 =	sshrl.u32 s12, $0x2;
	s15 =	sshrl.u32 s15, $0x2  }
0x15: {  	s12 =	sadd.s32 s12, s2;
	s0 =	sadd.s32 s6, s0;
	s30 =	sshrl.u32 s6, $0x3  }
0x16: {  	s6 =	sadd.s32 s31, s29;
	s28 =	sshrl.u32 s0, $0x3;
	s0 =	sadd.s32 $0x80, s0  }
0x17: {  	s25 =	sshrl.u32 s25, $0x2;
	[dreg:$0x6] =	wrdreg s12;
	s0 =	sshrl.u32 s0, $0x3  }
0x18: {  	s4 =	sadd.s32 s28, s19;
	s28 =	smul.u32 $0xA000, s9;
	s5 =	sadd.s32 s0, s19  }
0x19: {  	s19 =	sadd.s32 s29, s30;
	s0 =	sadd.s32 $0xC7400, s8;
	s8 =	sadd.s32 s25, s2  }
0x1a: {  	s29 =	smul.u32 $0xA000, s11;
	s30 =	sshll.u32 s26, $0x6;
	s11 =	sshll.u32 s20, $0x4  }
0x1b: {  	s25 =	sshrl.u32 s18, $0x2;
	[dreg:$0x3] =	wrdreg s8;
	s31 =	sshrl.u32 s28, $0x2  }
0x1c: {  	s9 =	sor.u32 $0x1C03, s30;
	s28 =	sshrl.u32 s23, $0x2;
	s20 =	sadd.s32 s31, s2  }
0x1d: {  	s8 =	sshrl.u32 s29, $0x2;
	s30 =	sadd.s32 s28, s2;
	[dreg:$0x4] =	wrdreg s20  }
0x1e: {  	s31 =	sadd.s32 s7, s11;
	s11 =	sadd.s32 s0, s11;
	[dreg:$0xa] =	wrdreg s30  }
0x1f: {  	s20 =	sshll.u32 s21, $0x4;
	s8 =	sadd.s32 s8, s2;
	[dreg:$0xb] =	wrdreg s31  }
0x20: {  	s21 =	smul.u32 $0xA000, s13;
	s13 =	sshll.u32 s22, $0x4;
	[dreg:$0xc] =	wrdreg s11  }
0x21: {  	s22 =	sshll.u32 s24, $0x4;
	s24 =	sadd.s32 s15, s2;
	[dreg:$0x5] =	wrdreg s8  }
0x22: {  	s29 =	sshll.u32 s16, $0x4;
	s15 =	sadd.s32 s25, s2;
	[dreg:$0x8] =	wrdreg s24  }
0x23: {  	s28 =	sadd.s32 s7, s29;
	[dreg:$0x9] =	wrdreg s15  }
0x24: {  	s1 =	sshll.u32 s1, $0x4;
	s29 =	sadd.s32 s0, s29;
	[dreg:$0x17] =	wrdreg s28  }
0x25: {  	s30 =	sadd.s32 s7, s1;
	[dreg:$0x18] =	wrdreg s29  }
0x26: {  	s31 =	sadd.s32 $0x9C0, s19;
	[dreg:$0x1a] =	wrdreg s30  }
0x27: {  	s16 =	sadd.s32 s7, s20;
	[dreg:$0x1b] =	wrdreg s31  }
0x28: {  	s18 =	sadd.s32 s7, s13;
	[dreg:$0xd] =	wrdreg s16  }
0x29: {  	s8 =	sshrl.u32 s21, $0x2;
	[dreg:$0xf] =	wrdreg s18;
	s21 =	sadd.s32 s7, s22  }
0x2a: {  	p0 =	sgt.u32 s26, $0xC;
	s22 =	sadd.s32 s0, s22;
	[dreg:$0x11] =	wrdreg s21  }
0x2b: {  	s10 =	smax.u32 s10, $0x1;
	s8 =	sadd.s32 s8, s2;
	[dreg:$0x12] =	wrdreg s22  }
0x2c: {  	s12 =	simm.s32 $0x3;
	s11 =	sadd.s32 $0x9C0, s4;
	[dreg:$0x7] =	wrdreg s8  }
0x2d: {  	s8 =	sshll.u32 s14, $0x4;
	s14 =	sshll.u32 s17, $0x4;
	s17 =	sadd.s32 s0, s20  }
0x2e: {  	s19 =	simm.s32 $0x2;
	s20 =	sadd.s32 s0, s13;
	[dreg:$0xe] =	wrdreg s17  }
0x2f: {  	s15 =	simm.s32 $0x1;
	[dreg:$0x10] =	wrdreg s20;
	s23 =	sadd.s32 s7, s8  }
0x30: {  	s16 =	simm.s32 $0x100;
	s8 =	sadd.s32 s0, s8;
	[dreg:$0x13] =	wrdreg s23  }
0x31: {  	s18 =	simm.s32 $0x180;
	s24 =	sadd.s32 s7, s14;
	[dreg:$0x14] =	wrdreg s8  }
0x32: {  	s13 =	simm.s32 $0x80;
	s25 =	sadd.s32 s0, s14;
	[dreg:$0x15] =	wrdreg s24  }
0x33: {  	s0 =	sadd.s32 s0, s1;
	s14 =	simm.s32 $0x200;
	[dreg:$0x16] =	wrdreg s25  }
0x34: {  	s17 =	simm.s32 $0x4200;
	s20 =	simm.s32 $0x0;
	[dreg:$0x19] =	wrdreg s0  }
.LBB2_1:
0x35: {  	s0 =	rddreg [dreg:$0x3]  }
0x36: {  	s22 =	rddreg [dreg:$0xb];
	s21 =	sshrl.u32 s0, $0x3  }
0x37: {  	[spmem:s21], [sflag:s9] =	dma.local [hbm:s22], $0x500  }
0x38: {  	_ =	swait.ge [sflag:s12], $0x500  }
0x39: {  	[sflag:s12] =	ssyncset.done $0x0;
	s23 =	rddreg [dreg:$0x4]  }
0x3a: {  	s24 =	rddreg [dreg:$0xd];
	[sflag:s12] =	ssyncadd.s32 $0xFFFFFB00;
	s22 =	sshrl.u32 s23, $0x3  }
0x3b: {  	[spmem:s22], [sflag:s9] =	dma.local [hbm:s24], $0x500  }
0x3c: {  	_ =	swait.ge [sflag:s12], $0x500  }
0x3d: {  	[sflag:s12] =	ssyncset.done $0x0;
	s25 =	rddreg [dreg:$0x5]  }
0x3e: {  	s26 =	rddreg [dreg:$0xf];
	[sflag:s12] =	ssyncadd.s32 $0xFFFFFB00;
	s23 =	sshrl.u32 s25, $0x3  }
0x3f: {  	[spmem:s23], [sflag:s9] =	dma.local [hbm:s26], $0x500  }
0x40: {  	_ =	swait.ge [sflag:s12], $0x500  }
0x41: {  	[sflag:s12] =	ssyncset.done $0x0;
	s1 =	rddreg [dreg:$0x6]  }
0x42: {  	s8 =	rddreg [dreg:$0x11];
	[sflag:s12] =	ssyncadd.s32 $0xFFFFFB00;
	s24 =	sshrl.u32 s1, $0x3  }
0x43: {  	[spmem:s24], [sflag:s9] =	dma.local [hbm:s8], $0x500  }
0x44: {  	_ =	swait.ge [sflag:s12], $0x500  }
0x45: {  	[sflag:s12] =	ssyncset.done $0x0;
	s25 =	rddreg [dreg:$0x7]  }
0x46: {  	s26 =	rddreg [dreg:$0x13];
	[sflag:s12] =	ssyncadd.s32 $0xFFFFFB00;
	s25 =	sshrl.u32 s25, $0x3  }
0x47: {  	[spmem:s25], [sflag:s9] =	dma.local [hbm:s26], $0x500  }
0x48: {  	_ =	swait.ge [sflag:s12], $0x500  }
0x49: {  	[sflag:s12] =	ssyncset.done $0x0;
	s1 =	rddreg [dreg:$0x8]  }
0x4a: {  	s8 =	rddreg [dreg:$0x15];
	[sflag:s12] =	ssyncadd.s32 $0xFFFFFB00;
	s26 =	sshrl.u32 s1, $0x3  }
0x4b: {  	[spmem:s26], [sflag:s9] =	dma.local [hbm:s8], $0x500  }
0x4c: {  	_ =	swait.ge [sflag:s12], $0x500  }
0x4d: {  	[sflag:s12] =	ssyncset.done $0x0;
	s1 =	rddreg [dreg:$0x9]  }
0x4e: {  	s8 =	rddreg [dreg:$0x17];
	[sflag:s12] =	ssyncadd.s32 $0xFFFFFB00;
	s28 =	sshrl.u32 s1, $0x3  }
0x4f: {  	[spmem:s28], [sflag:s9] =	dma.local [hbm:s8], $0x500  }
0x50: {  	_ =	swait.ge [sflag:s12], $0x500  }
0x51: {  	s1 =	simm.s32 @!p0 $0x3;
	[sflag:s12] =	ssyncset.done $0x0;
	s0 =	rddreg [dreg:$0xa]  }
0x52: {  	[sflag:s12] =	ssyncadd.s32 $0xFFFFFB00;
	s29 =	sshrl.u32 @!p0 s0, $0x3;
	s0 =	rddreg [dreg:$0x1a]  }
0x53: {  	[spmem:s29], [sflag:s9] =	dma.local @!p0 [hbm:s0], $0x500  }
0x54: {  	_ =	swait.ge @!p0 [sflag:s1], $0x500  }
0x55: {  	[sflag:s1] =	ssyncset.done @!p0 $0x0  }
0x56: {  	[sflag:s1] =	ssyncadd.s32 @!p0 $0xFFFFFB00  }
0x57: {  	s0 =	sadd.s32 $0x0, s4;
	[bflag:$0x0] =	sbarrier.arrive $0xFFFF  }
0x58: {  	[tilespmem:s3], [sflag:$0x3] =	stream.linear.gather [hbm4b:s0+s3], $0x80, $0x38;
	[tilespmem:$0x1BAC0] =	vst v63  }
0x59: {  	_ =	swait.ge [sflag:s12], $0x80  }
0x5a: {  	[sflag:s12] =	ssyncset.done $0x0  }
0x5b: {  	[sflag:s12] =	ssyncadd.s32 $0xFFFFFF80  }
0x5c: {  	[tilespmem:s14], [sflag:$0x1] =	stream.indirect.gather [hbm4b:s7+s13], $0x80, s3, s13, $0xb8;
	[tilespmem:$0x1BAC0] =	vst v63  }
0x5d: {  	s8 =	sadd.s32 $0x0, s6  }
0x5e: {  	[tilespmem:s13], [sflag:$0x3] =	stream.linear.gather [hbm4b:s8+s3], $0x80, $0x38;
	[tilespmem:$0x1BAC0] =	vst v63  }
0x5f: {  	_ =	swait.ge [sflag:s12], $0x80  }
0x60: {  	[sflag:s12] =	ssyncset.done $0x0  }
0x61: {  	[sflag:s12] =	ssyncadd.s32 $0xFFFFFF80  }
0x62: {  	_ =	swait.ge [sflag:s15], $0x4000  }
0x63: {  	[sflag:s15] =	ssyncset.done $0x0  }
0x64: {  	[sflag:s15] =	ssyncadd.s32 $0xFFFFC000  }
0x65: {  	[spmem:s2] =	stream.indirect.scatter.add.f32 [tilespmem:s14], [sflag:$0x2], $0x80, s13, s13, $0xb8;
	[tilespmem:$0x1BAC0] =	vst v63  }
0x66: {  	s30 =	sadd.s32 $0x0, s5  }
0x67: {  	[tilespmem:s16], [sflag:$0x3] =	stream.linear.gather [hbm4b:s30+s3], $0x80, $0x38;
	[tilespmem:$0x1BAC0] =	vst v63  }
0x68: {  	_ =	swait.ge [sflag:s12], $0x80  }
0x69: {  	[sflag:s12] =	ssyncset.done $0x0  }
0x6a: {  	[sflag:s12] =	ssyncadd.s32 $0xFFFFFF80  }
0x6b: {  	[tilespmem:s17], [sflag:$0x1] =	stream.indirect.gather [hbm4b:s7+s13], $0x80, s16, s13, $0xb8;
	[tilespmem:$0x1BAC0] =	vst v63  }
0x6c: {  	s1 =	sadd.s32 $0x10, s8  }
0x6d: {  	[tilespmem:s18], [sflag:$0x3] =	stream.linear.gather [hbm4b:s1+s3], $0x80, $0x38;
	[tilespmem:$0x1BAC0] =	vst v63  }
0x6e: {  	_ =	swait.ge [sflag:s12], $0x80  }
0x6f: {  	[sflag:s12] =	ssyncset.done $0x0  }
0x70: {  	[sflag:s12] =	ssyncadd.s32 $0xFFFFFF80  }
0x71: {  	_ =	swait.ge [sflag:s15], $0x4000  }
0x72: {  	[sflag:s15] =	ssyncset.done $0x0  }
0x73: {  	[sflag:s15] =	ssyncadd.s32 $0xFFFFC000  }
0x74: {  	_ =	swait.ge [sflag:s19], $0x4000  }
0x75: {  	[sflag:s19] =	ssyncset.done $0x0  }
0x76: {  	[sflag:s19] =	ssyncadd.s32 $0xFFFFC000  }
0x77: {  	[spmem:s2] =	stream.indirect.scatter.add.f32 [tilespmem:s17], [sflag:$0x3], $0x80, s18, s13, $0xb8;
	[tilespmem:$0x1BAC0] =	vst v63  }
0x78: {  	_ =	swait.ge [sflag:s12], $0x4000  }
0x79: {  	s31 =	simm.s32 $0x40;
	s30 =	simm.s32 $0x20;
	[sflag:s12] =	ssyncset.done $0x0  }
.LBB2_2:
0x7a: {  	s0 =	sadd.s32 s30, s4  }
0x7b: {  	[sflag:s12] =	ssyncadd.s32 $0xFFFFC000;
	s8 =	smov.u32 s31;
	s1 =	sadd.s32 $0x20, s31  }
0x7c: {  	[tilespmem:s3], [sflag:$0x3] =	stream.linear.gather [hbm4b:s0+s3], $0x80, $0x38;
	[tilespmem:$0x1BAC0] =	vst v63  }
0x7d: {  	p1 =	sne.s32 s31, $0x9A0;
	_ =	swait.ge [sflag:s12], $0x80  }
0x7e: {  	[sflag:s12] =	ssyncset.done $0x0  }
0x7f: {  	[sflag:s12] =	ssyncadd.s32 $0xFFFFFF80  }
0x80: {  	[tilespmem:s14], [sflag:$0x1] =	stream.indirect.gather [hbm4b:s7+s13], $0x80, s3, s13, $0xb8;
	[tilespmem:$0x1BAC0] =	vst v63  }
0x81: {  	s0 =	sadd.s32 s30, s6  }
0x82: {  	[tilespmem:s13], [sflag:$0x3] =	stream.linear.gather [hbm4b:s0+s3], $0x80, $0x38;
	[tilespmem:$0x1BAC0] =	vst v63  }
0x83: {  	_ =	swait.ge [sflag:s12], $0x80  }
0x84: {  	[sflag:s12] =	ssyncset.done $0x0  }
0x85: {  	[sflag:s12] =	ssyncadd.s32 $0xFFFFFF80  }
0x86: {  	_ =	swait.ge [sflag:s15], $0x4000  }
0x87: {  	[sflag:s15] =	ssyncset.done $0x0  }
0x88: {  	[sflag:s15] =	ssyncadd.s32 $0xFFFFC000  }
0x89: {  	[spmem:s2] =	stream.indirect.scatter.add.f32 [tilespmem:s14], [sflag:$0x2], $0x80, s13, s13, $0xb8;
	[tilespmem:$0x1BAC0] =	vst v63  }
0x8a: {  	s31 =	sadd.s32 s30, s5;
	s30 =	smov.u32 s8  }
0x8b: {  	[tilespmem:s16], [sflag:$0x3] =	stream.linear.gather [hbm4b:s31+s3], $0x80, $0x38;
	[tilespmem:$0x1BAC0] =	vst v63  }
0x8c: {  	_ =	swait.ge [sflag:s12], $0x80  }
0x8d: {  	[sflag:s12] =	ssyncset.done $0x0  }
0x8e: {  	[sflag:s12] =	ssyncadd.s32 $0xFFFFFF80  }
0x8f: {  	[tilespmem:s17], [sflag:$0x1] =	stream.indirect.gather [hbm4b:s7+s13], $0x80, s16, s13, $0xb8;
	[tilespmem:$0x1BAC0] =	vst v63  }
0x90: {  	s0 =	sadd.s32 $0x10, s0  }
0x91: {  	[tilespmem:s18], [sflag:$0x3] =	stream.linear.gather [hbm4b:s0+s3], $0x80, $0x38;
	[tilespmem:$0x1BAC0] =	vst v63  }
0x92: {  	_ =	swait.ge [sflag:s12], $0x80  }
0x93: {  	[sflag:s12] =	ssyncset.done $0x0  }
0x94: {  	[sflag:s12] =	ssyncadd.s32 $0xFFFFFF80  }
0x95: {  	_ =	swait.ge [sflag:s15], $0x4000  }
0x96: {  	[sflag:s15] =	ssyncset.done $0x0  }
0x97: {  	[sflag:s15] =	ssyncadd.s32 $0xFFFFC000  }
0x98: {  	_ =	swait.ge [sflag:s19], $0x4000  }
.Ltmp0:
0x99: {  	[sflag:s19] =	ssyncset.done $0x0;
	(pc) =	sbr.rel @p1 .LBB2_2-.Ltmp0, $4  }
0x9a: {  	[sflag:s19] =	ssyncadd.s32 $0xFFFFC000  }
0x9b: {  	[spmem:s2] =	stream.indirect.scatter.add.f32 [tilespmem:s17], [sflag:$0x3], $0x80, s18, s13, $0xb8;
	[tilespmem:$0x1BAC0] =	vst v63  }
0x9c: {  	_ =	swait.ge [sflag:s12], $0x4000  }
0x9d: {  	s31 =	smov.u32 s1;
	[sflag:s12] =	ssyncset.done $0x0  }
0x9e: {  	s0 =	sadd.s32 s30, s4;
	[sflag:s12] =	ssyncadd.s32 $0xFFFFC000  }
0x9f: {  	[tilespmem:s3], [sflag:$0x3] =	stream.linear.gather [hbm4b:s0+s3], $0x80, $0x38;
	[tilespmem:$0x1BAC0] =	vst v63  }
0xa0: {  	_ =	swait.ge [sflag:s12], $0x80  }
0xa1: {  	[sflag:s12] =	ssyncset.done $0x0  }
0xa2: {  	[sflag:s12] =	ssyncadd.s32 $0xFFFFFF80  }
0xa3: {  	[tilespmem:s14], [sflag:$0x1] =	stream.indirect.gather [hbm4b:s7+s13], $0x80, s3, s13, $0xb8;
	[tilespmem:$0x1BAC0] =	vst v63  }
0xa4: {  	s31 =	sadd.s32 s30, s6  }
0xa5: {  	[tilespmem:s13], [sflag:$0x3] =	stream.linear.gather [hbm4b:s31+s3], $0x80, $0x38;
	[tilespmem:$0x1BAC0] =	vst v63  }
0xa6: {  	_ =	swait.ge [sflag:s12], $0x80  }
0xa7: {  	[sflag:s12] =	ssyncset.done $0x0  }
0xa8: {  	[sflag:s12] =	ssyncadd.s32 $0xFFFFFF80  }
0xa9: {  	_ =	swait.ge [sflag:s15], $0x4000  }
0xaa: {  	[sflag:s15] =	ssyncset.done $0x0  }
0xab: {  	[sflag:s15] =	ssyncadd.s32 $0xFFFFC000  }
0xac: {  	[spmem:s2] =	stream.indirect.scatter.add.f32 [tilespmem:s14], [sflag:$0x2], $0x80, s13, s13, $0xb8;
	[tilespmem:$0x1BAC0] =	vst v63  }
0xad: {  	s1 =	sadd.s32 s30, s5  }
0xae: {  	[tilespmem:s16], [sflag:$0x3] =	stream.linear.gather [hbm4b:s1+s3], $0x80, $0x38;
	[tilespmem:$0x1BAC0] =	vst v63  }
0xaf: {  	_ =	swait.ge [sflag:s12], $0x80  }
0xb0: {  	[sflag:s12] =	ssyncset.done $0x0  }
0xb1: {  	[sflag:s12] =	ssyncadd.s32 $0xFFFFFF80  }
0xb2: {  	[tilespmem:s17], [sflag:$0x1] =	stream.indirect.gather [hbm4b:s7+s13], $0x80, s16, s13, $0xb8;
	[tilespmem:$0x1BAC0] =	vst v63  }
0xb3: {  	s0 =	sadd.s32 $0x10, s31  }
0xb4: {  	[tilespmem:s18], [sflag:$0x3] =	stream.linear.gather [hbm4b:s0+s3], $0x80, $0x38;
	[tilespmem:$0x1BAC0] =	vst v63  }
0xb5: {  	_ =	swait.ge [sflag:s12], $0x80  }
0xb6: {  	[sflag:s12] =	ssyncset.done $0x0  }
0xb7: {  	[sflag:s12] =	ssyncadd.s32 $0xFFFFFF80  }
0xb8: {  	_ =	swait.ge [sflag:s15], $0x4000  }
0xb9: {  	[sflag:s15] =	ssyncset.done $0x0  }
0xba: {  	[sflag:s15] =	ssyncadd.s32 $0xFFFFC000  }
0xbb: {  	_ =	swait.ge [sflag:s19], $0x4000  }
0xbc: {  	[sflag:s19] =	ssyncset.done $0x0  }
0xbd: {  	[sflag:s19] =	ssyncadd.s32 $0xFFFFC000  }
0xbe: {  	[spmem:s2] =	stream.indirect.scatter.add.f32 [tilespmem:s17], [sflag:$0x3], $0x80, s18, s13, $0xb8;
	[tilespmem:$0x1BAC0] =	vst v63  }
0xbf: {  	_ =	swait.ge [sflag:s12], $0x4000  }
0xc0: {  	[sflag:s12] =	ssyncset.done $0x0  }
0xc1: {  	[sflag:s12] =	ssyncadd.s32 $0xFFFFC000  }
0xc2: {  	[tilespmem:s3], [sflag:$0x3] =	stream.linear.gather [hbm4b:s11+s3], $0x80, $0x38;
	[tilespmem:$0x1BAC0] =	vst v63  }
0xc3: {  	_ =	swait.ge [sflag:s12], $0x80  }
0xc4: {  	[sflag:s12] =	ssyncset.done $0x0  }
0xc5: {  	[sflag:s12] =	ssyncadd.s32 $0xFFFFFF80  }
0xc6: {  	[tilespmem:s14], [sflag:$0x1] =	stream.indirect.gather [hbm4b:s7+s13], $0x80, s3, s13, $0xb8;
	[tilespmem:$0x1BAC0] =	vst v63  }
0xc7: {  	s1 =	rddreg [dreg:$0x1b]  }
0xc8: {  	[tilespmem:s13], [sflag:$0x3] =	stream.linear.gather [hbm4b:s1+s3], $0x80, $0x38;
	[tilespmem:$0x1BAC0] =	vst v63  }
0xc9: {  	_ =	swait.ge [sflag:s12], $0x80  }
0xca: {  	[sflag:s12] =	ssyncset.done $0x0  }
0xcb: {  	[sflag:s12] =	ssyncadd.s32 $0xFFFFFF80  }
0xcc: {  	_ =	swait.ge [sflag:s15], $0x4000  }
0xcd: {  	[sflag:s15] =	ssyncset.done $0x0  }
0xce: {  	[sflag:s15] =	ssyncadd.s32 $0xFFFFC000  }
0xcf: {  	[spmem:s2] =	stream.indirect.scatter.add.f32 [tilespmem:s14], [sflag:$0x3], $0x80, s13, s13, $0xb8;
	[tilespmem:$0x1BAC0] =	vst v63  }
0xd0: {  	_ =	swait.ge [sflag:s12], $0x4000  }
0xd1: {  	[sflag:s12] =	ssyncset.done $0x0  }
0xd2: {  	[sflag:s12] =	ssyncadd.s32 $0xFFFFC000  }
0xd3: {  	[bflag:$0x0] =	sbarrier.arrive $0xFFFF  }
0xd4: {  	s8 =	rddreg [dreg:$0xc]  }
0xd5: {  	[hbm:s8], [sflag:s9] =	dma.local [spmem:s21], $0x500  }
0xd6: {  	_ =	swait.ge [sflag:s12], $0x500  }
0xd7: {  	[sflag:s12] =	ssyncset.done $0x0  }
0xd8: {  	s21 =	rddreg [dreg:$0xe];
	[sflag:s12] =	ssyncadd.s32 $0xFFFFFB00  }
0xd9: {  	[hbm:s21], [sflag:s9] =	dma.local [spmem:s22], $0x500  }
0xda: {  	_ =	swait.ge [sflag:s12], $0x500  }
0xdb: {  	[sflag:s12] =	ssyncset.done $0x0  }
0xdc: {  	s22 =	rddreg [dreg:$0x10];
	[sflag:s12] =	ssyncadd.s32 $0xFFFFFB00  }
0xdd: {  	[hbm:s22], [sflag:s9] =	dma.local [spmem:s23], $0x500  }
0xde: {  	_ =	swait.ge [sflag:s12], $0x500  }
0xdf: {  	[sflag:s12] =	ssyncset.done $0x0  }
0xe0: {  	s23 =	rddreg [dreg:$0x12];
	[sflag:s12] =	ssyncadd.s32 $0xFFFFFB00  }
0xe1: {  	[hbm:s23], [sflag:s9] =	dma.local [spmem:s24], $0x500  }
0xe2: {  	_ =	swait.ge [sflag:s12], $0x500  }
0xe3: {  	[sflag:s12] =	ssyncset.done $0x0  }
0xe4: {  	s24 =	rddreg [dreg:$0x14];
	[sflag:s12] =	ssyncadd.s32 $0xFFFFFB00  }
0xe5: {  	[hbm:s24], [sflag:s9] =	dma.local [spmem:s25], $0x500  }
0xe6: {  	_ =	swait.ge [sflag:s12], $0x500  }
0xe7: {  	[sflag:s12] =	ssyncset.done $0x0  }
0xe8: {  	s30 =	rddreg [dreg:$0x16];
	[sflag:s12] =	ssyncadd.s32 $0xFFFFFB00  }
0xe9: {  	[hbm:s30], [sflag:s9] =	dma.local [spmem:s26], $0x500  }
0xea: {  	_ =	swait.ge [sflag:s12], $0x500  }
0xeb: {  	[sflag:s12] =	ssyncset.done $0x0  }
0xec: {  	s31 =	rddreg [dreg:$0x18];
	[sflag:s12] =	ssyncadd.s32 $0xFFFFFB00  }
0xed: {  	[hbm:s31], [sflag:s9] =	dma.local [spmem:s28], $0x500  }
0xee: {  	_ =	swait.ge [sflag:s12], $0x500  }
0xef: {  	s20 =	sadd.s32 $0x1, s20;
	[sflag:s12] =	ssyncset.done $0x0  }
0xf0: {  	p1 =	sne.s32 s20, s10;
	s0 =	rddreg [dreg:$0x19];
	[sflag:s12] =	ssyncadd.s32 $0xFFFFFB00  }
0xf1: {  	[hbm:s0], [sflag:s9] =	dma.local @!p0 [spmem:s29], $0x500  }
.Ltmp1:
0xf2: {  	_ = 	snop;
	(pc) =	sbr.rel @p1 .LBB2_1-.Ltmp1, $4  }
0xf3: {  	s0 =	simm.s32 @!p0 $0x3  }
0xf4: {  	_ =	swait.ge @!p0 [sflag:s0], $0x500  }
0xf5: {  	[sflag:s0] =	ssyncset.done @!p0 $0x0  }
0xf6: {  	[sflag:s0] =	ssyncadd.s32 @!p0 $0xFFFFFB00  }
0xf7: {  	_ =	sfence.sel $0x180000  }
0xf8: {  	[bflag:$0x0] =	sbarrier.arrive $0xFFFF  }
0xf9: {  	_ =	strace $0x9000004A  }
0xfa: {  	s0 =	stileid.u32;
	[bflag:$0x2] =	sbarrier.arrive $0xFFFF  }
0xfb: {  	p0 =	sne.s32 s0, $0x0;
	s0 =	rddreg [dreg:$0x2]  }
0xfc: {  	s0 =	sadd.s32 @!p0 $0x100000, s0  }
0xfd: {  	[sflag:s0] =	ssyncadd.tile.s32 @!p0 $0x1;
	_ =	shalt  }
.Lfunc_end2:
_tile_overlayer_lowered:
.L_overlay_start_2:
0xfe: {  	(tag) =	ssettag $0x2  }
0xff: {  	s0 =	rddreg [dreg:$0x0];
	s2 =	stileid.u32  }
0x100: {  	s1 =	rddreg [dreg:$0x1];
	p0 =	sne.s32 s2, $0x0  }
0x101: {  	s3 =	rddreg [dreg:$0x2];
	[bflag:$0x3] =	sbarrier.arrive $0xFFFF;
	s2 =	simm.s32 @!p0 $0x1C03  }
0x102: {  	[timem:s3], [sflag:s2] =	dma.local @!p0 [hbm:s0], s1  }
0x103: {  	s0 =	simm.s32 @!p0 $0x3  }
0x104: {  	_ =	swait.ge @!p0 [sflag:s0], s1  }
0x105: {  	s1 =	ssub.s32 @!p0 $0x0, s1;
	[sflag:s0] =	ssyncset.done @!p0 $0x0  }
0x106: {  	[sflag:s0] =	ssyncadd.s32 @!p0 s1  }
0x107: {  	[bflag:$0x3] =	sbarrier.arrive $0xFFFF  }
0x108: {  	_ =	shalt  }

// kernel: kernel.14.cloned.1.call-start
scs
__scs_entry_jumppad:
0x0: {  	(pc) =	sbr.rel $0x88, $3  }
0x1: {  	(tag) =	ssettag $0x0;
	lr =	simm.s32 $0x1  }
0x2: {  	[smem:$0x3F98] =	sst lr;
	_ =	strace $0xD0000000  }
0x3: {  	_ = 	snop  }
0x4: {  	_ = 	snop  }
0x5: {  	_ = 	snop  }
0x6: {  	_ = 	snop  }
0x7: {  	_ = 	snop  }
__scs_overlays_trampoline_lowered:
0x8: {  	[smem:$0x3FA7] =	sst s0  }
0x9: {  	[smem:$0x3FA8] =	sst s1  }
0xa: {  	[smem:$0x3FA9] =	sst s2  }
0xb: {  	[smem:$0x3FAA] =	sst s3  }
0xc: {  	[smem:$0x3FAB] =	sst s4  }
0xd: {  	[smem:$0x3FAC] =	sst s5  }
0xe: {  	[smem:$0x3FAD] =	sst s6  }
0xf: {  	[smem:$0x3FAE] =	sst s7  }
0x10: {  	[smem:$0x3FAF] =	sst s8  }
0x11: {  	[smem:$0x3FB0] =	sst s9;
	s0 =	simm.s32 @!p0 $0x0  }
0x12: {  	s1 =	sld [smem:$0x3F96];
	s0 =	simm.s32 @p0 $0x1  }
0x13: {  	[smem:$0x3FB1] =	sst s0;
	s0 =	simm.s32 @!p1 $0x0  }
0x14: {  	s2 =	sld [smem:$0x3F95];
	s0 =	simm.s32 @p1 $0x1  }
0x15: {  	[smem:$0x3FB2] =	sst s0;
	s0 =	simm.s32 @!p2 $0x0  }
0x16: {  	s3 =	sld [smem:$0x3FDB];
	s0 =	simm.s32 @p2 $0x1  }
0x17: {  	s4 =	simm.s32 $0x1BF5;
	[smem:$0x3FB4] =	sst s0  }
0x18: {  	s0 =	sld [smem:$0x3F97];
	_ =	swait.ge [sflag:s4], $0x0  }
0x19: {  	s7 =	sld [smem:$0x3F98]  }
0x1a: {  	s8 =	sadd.s32 $0xFFFFE003, lr  }
0x1b: {  	s9 =	sadd.s32 $0xFFFFFEF7, lr;
	s5 =	simm.s32 $0xFFFFFFFF;
	p2 =	slt.u32 s8, $0xFFFFF086  }
0x1c: {  	p1 =	slt.u32 s9, $0xF7A;
	s5 =	simm.s32 @!p2 $0x0  }
0x1d: {  	s5 =	simm.s32 @p1 $0x1;
	p0 =	seq.s32 s7, s2  }
0x1e: {  	s7 =	smul.u32 @!p0 $0xF7A, s2;
	p2 =	seq.s32 @!p0 s5, $0x0  }
0x1f: {  	s9 =	smul.u32 $0xF7A, s1;
	s8 =	simm.s32 @!p0 $0x1BF5;
	p2 =	por !p2, p0  }
0x20: {  	[sflag:s8] =	ssyncset.s32 @!p0 $0xFFFFF086;
	s6 =	sadd.s32 @!p0 s3, s7;
	s7 =	simm.s32 @!p0 $0x108  }
0x21: {  	s3 =	sadd.s32 s3, s9;
	s6 =	sadd.s32 @!p0 $0x88, s6;
	s7 =	simm.s32 @p2 $0x1082  }
0x22: {  	[simem:s7], [sflag:s8] =	dma.local @!p0 [hbm:s6], $0xF7A  }
0x23: {  	s9 =	sor.u32 $0xD0000000, s2;
	s6 =	simm.s32 $0x108;
	_ =	swait.ge @!p0 [sflag:s8], $0x0  }
0x24: {  	s3 =	sadd.s32 $0x88, s3;
	s6 =	simm.s32 @!p1 $0x1082;
	[sflag:s4] =	ssyncset.s32 $0xFFFFF086  }
0x25: {  	[simem:s6], [sflag:s4] =	dma.local [hbm:s3], $0xF7A  }
0x26: {  	[smem:$0x3F98] =	sst s1;
	(tag) =	ssettag s2;
	_ =	strace s9  }
0x27: {  	s1 =	sld [smem:$0x3FA8]  }
0x28: {  	s2 =	sld [smem:$0x3FA9]  }
0x29: {  	s4 =	sld [smem:$0x3FAB]  }
0x2a: {  	p0 =	seq.s32 s5, $0x0;
	s5 =	sld [smem:$0x3FAC]  }
0x2b: {  	s6 =	sld [smem:$0x3FAD]  }
0x2c: {  	s7 =	sld [smem:$0x3FAE]  }
0x2d: {  	s3 =	simm.s32 $0x108;
	s8 =	sld [smem:$0x3FAF]  }
0x2e: {  	s3 =	simm.s32 @!p0 $0x1082;
	s9 =	sld [smem:$0x3FB0]  }
0x2f: {  	lr =	sadd.s32 s0, s3;
	s0 =	sld [smem:$0x3FA7]  }
0x30: {  	s3 =	sld [smem:$0x3FAA]  }
0x31: {  	[smem:$0x3FB3] =	sst s10  }
0x32: {  	s10 =	sld [smem:$0x3FB1];
	_ =	sdelay $0x3  }
0x33: {  	p0 =	seq.s32 s10, $0x1;
	s10 =	sld [smem:$0x3FB3];
	_ =	sdelay $0x3  }
0x34: {  	[smem:$0x3FB3] =	sst s10  }
0x35: {  	s10 =	sld [smem:$0x3FB2];
	_ =	sdelay $0x3  }
0x36: {  	p1 =	seq.s32 s10, $0x1;
	s10 =	sld [smem:$0x3FB3];
	_ =	sdelay $0x3  }
0x37: {  	[smem:$0x3FB3] =	sst s10  }
0x38: {  	s10 =	sld [smem:$0x3FB4]  }
0x39: {  	_ = 	snop;
	(pc) =	sbr.ind lr, $3  }
0x3a: {  	_ = 	snop  }
0x3b: {  	_ = 	snop  }
0x3c: {  	p2 =	seq.s32 s10, $0x1;
	s10 =	sld [smem:$0x3FB3]  }
0x3d: {  	_ =	shalt  }
0x3e: {  	_ =	shalt  }
0x3f: {  	_ =	shalt  }
0x40: {  	_ =	shalt  }
0x41: {  	_ =	shalt  }
0x42: {  	_ =	shalt  }
0x43: {  	_ =	shalt  }
0x44: {  	_ =	shalt  }
0x45: {  	_ =	shalt  }
0x46: {  	_ =	shalt  }
0x47: {  	_ =	shalt  }
0x48: {  	_ =	shalt  }
0x49: {  	_ =	shalt  }
0x4a: {  	_ =	shalt  }
0x4b: {  	_ =	shalt  }
0x4c: {  	_ =	shalt  }
0x4d: {  	_ =	shalt  }
0x4e: {  	_ =	shalt  }
0x4f: {  	_ =	shalt  }
0x50: {  	_ =	shalt  }
0x51: {  	_ =	shalt  }
0x52: {  	_ =	shalt  }
0x53: {  	_ =	shalt  }
0x54: {  	_ =	shalt  }
0x55: {  	_ =	shalt  }
0x56: {  	_ =	shalt  }
0x57: {  	_ =	shalt  }
0x58: {  	_ =	shalt  }
0x59: {  	_ =	shalt  }
0x5a: {  	_ =	shalt  }
0x5b: {  	_ =	shalt  }
0x5c: {  	_ =	shalt  }
0x5d: {  	_ =	shalt  }
0x5e: {  	_ =	shalt  }
0x5f: {  	_ =	shalt  }
0x60: {  	_ =	shalt  }
0x61: {  	_ =	shalt  }
0x62: {  	_ =	shalt  }
0x63: {  	_ =	shalt  }
0x64: {  	_ =	shalt  }
0x65: {  	_ =	shalt  }
0x66: {  	_ =	shalt  }
0x67: {  	_ =	shalt  }
0x68: {  	_ =	shalt  }
0x69: {  	_ =	shalt  }
0x6a: {  	_ =	shalt  }
0x6b: {  	_ =	shalt  }
0x6c: {  	_ =	shalt  }
0x6d: {  	_ =	shalt  }
0x6e: {  	_ =	shalt  }
0x6f: {  	_ =	shalt  }
0x70: {  	_ =	shalt  }
0x71: {  	_ =	shalt  }
0x72: {  	_ =	shalt  }
0x73: {  	_ =	shalt  }
0x74: {  	_ =	shalt  }
0x75: {  	_ =	shalt  }
0x76: {  	_ =	shalt  }
0x77: {  	_ =	shalt  }
0x78: {  	_ =	shalt  }
0x79: {  	_ =	shalt  }
0x7a: {  	_ =	shalt  }
0x7b: {  	_ =	shalt  }
0x7c: {  	_ =	shalt  }
0x7d: {  	_ =	shalt  }
0x7e: {  	_ =	shalt  }
0x7f: {  	_ =	shalt  }
0x80: {  	_ =	shalt  }
0x81: {  	_ =	shalt  }
0x82: {  	_ =	shalt  }
0x83: {  	_ =	shalt  }
0x84: {  	_ =	shalt  }
0x85: {  	_ =	shalt  }
0x86: {  	_ =	shalt  }
0x87: {  	_ =	shalt  }
.Lfunc_end0:
.L_simem_size_0:
called_computation.2_lowered:
.L_overlay_start_0:
0x88: {  	s2 =	sld [smem:$0x3FD9]  }
0x89: {  	s3 =	sld [smem:$0x3FFE];
	_ =	sdelay $0x1  }
0x8a: {  	s1 =	srdreg.scid  }
0x8b: {  	s0 =	sand.u32 $0x1, s1  }
0x8c: {  	s16 =	sshll.u32 s0, $0xA;
	s2 =	sadd.s32 s3, s2  }
0x8d: {  	s2 =	sadd.s32 s2, s16  }
0x8e: {  	[smem:$0x3FBF] =	sst s2  }
0x8f: {  	_ = 	snop  }
0x90: {  	(tm) =	ssettm $0x1  }
0x91: {  	s17 =	sld [smem:$0x3FFB];
	_ =	sdelay $0x3  }
0x92: {  	_ =	strace s17  }
0x93: {  	s2 =	sld [smem:$0x3FFC];
	_ =	sdelay $0x3  }
0x94: {  	_ =	strace s2  }
0x95: {  	s2 =	sld [smem:$0x3FFD];
	_ =	sdelay $0x3  }
0x96: {  	_ =	strace s2  }
0x97: {  	_ =	strace $0x8FFFFFFF  }
0x98: {  	s18 =	sld [smem:$0x3FDB];
	_ =	sdelay $0x1  }
0x99: {  	s19 =	simm.s32 $_scs_section_size  }
0x9a: {  	s4 =	simm.s32 $_size__tile_overlayer_lowered;
	s5 =	simm.s32 $_tile_overlayer_lowered  }
0x9b: {  	s22 =	simm.s32 $0x1BFF;
	s21 =	sshll.u32 s5, $0x1;
	s2 =	sadd.s32 s19, s18  }
0x9c: {  	s6 =	simm.s32 $0x0;
	s20 =	sshll.u32 s4, $0x1;
	s4 =	sadd.s32 s21, s2  }
0x9d: {  	[timem:s6], [sflag:s22] =	dma.local [hbm:s4], s20  }
0x9e: {  	_ =	swait.ge [sflag:s22], s20  }
0x9f: {  	s3 =	ssub.s32 $0x0, s20;
	[sflag:s22] =	ssyncset.done $0x0  }
0xa0: {  	[sflag:s22] =	ssyncadd.s32 s3;
	_ =	sdelay $0x1  }
0xa1: {  	s23 =	simm.s32 $0x1B8B  }
0xa2: {  	_ =	swait.ge [sflag:s23], $0x1  }
0xa3: {  	[sflag:s23] =	ssyncset.done $0x0  }
0xa4: {  	s25 =	simm.s32 $0x1B8E;
	s24 =	sld [smem:$0x3FFE];
	[sflag:s23] =	ssyncadd.s32 $0xFFFFFFFF  }
0xa5: {  	s26 =	simm.s32 $execute0_lowered;
	[smem:$0x3FD2] =	sst s25  }
0xa6: {  	s4 =	sshll.u32 s26, $0x1;
	_ =	strace $0x8000004C;
	[dreg:$0x1] =	wrdreg $0xFFFFFFFF  }
0xa7: {  	s28 =	simm.s32 $_size_execute0_lowered;
	s2 =	sadd.s32 s2, s4;
	[dreg:$0x0] =	wrdreg $0x0  }
0xa8: {  	s4 =	sshll.u32 s28, $0x1;
	[dreg:$0x2] =	wrdreg s2  }
0xa9: {  	[dreg:$0x3] =	wrdreg s4  }
0xaa: {  	[dreg:$0x4] =	wrdreg $0xC0  }
0xab: {  	_ =	task [dreg:s6], $0x5FFFF  }
0xac: {  	[dreg:$0x1] =	wrdreg $0xFFFFFFFF  }
0xad: {  	[dreg:$0x0] =	wrdreg $0x60  }
0xae: {  	[dreg:$0x2] =	wrdreg s24  }
0xaf: {  	[dreg:$0x3] =	wrdreg $0x82000  }
0xb0: {  	[dreg:$0x4] =	wrdreg $0x9  }
0xb1: {  	_ =	task.clear_ibuf [dreg:s6], $0x5FFFF;
	_ =	strace $0x9000004C  }
0xb2: {  	s29 =	simm.s32 $0x9;
	_ =	strace $0x8000004E  }
0xb3: {  	_ =	swait.ge [sflag:s29], $0x1  }
0xb4: {  	[sflag:s29] =	ssyncadd.s32 $0xFFFFFFFF  }
0xb5: {  	_ =	strace $0x9000004E  }
0xb6: {  	_ =	sfence  }
0xb7: {  	s30 =	sld [smem:$0x0];
	_ =	sdelay $0x2  }
0xb8: {  	s31 =	sshll.u32 s1, $0xD;
	s1 =	sshrl.u32 s1, $0x2  }
0xb9: {  	s3 =	sand.u32 $0x4000, s31;
	s1 =	sadd.s32 s1, s30  }
0xba: {  	s0 =	sor.u32 s3, s0;
	s1 =	sshll.u32 s1, $0x11  }
0xbb: {  	s0 =	sor.u32 s1, s0  }
0xbc: {  	s0 =	sadd.s32 $0x8F2B, s0  }
0xbd: {  	[sflag:s0] =	ssyncadd.remote.s32 $0x1  }
0xbe: {  	_ =	sfence.sel $0xFFFF  }
0xbf: {  	[dreg:$0x0] =	wrdreg $0xFFFFFFFF;
	(pc) =	sbr.abs _section_cstart, $3  }
0xc0: {  	[dreg:$0x1] =	wrdreg $0xFFFFFFFF  }
0xc1: {  	_ =	task.clear_ibuf [dreg:s6], $0x2FFFF;
	_ =	strace $0x9FFFFFFF  }
0xc2: {  	(tm) =	ssettm $0x7FFFFFFF  }
0xc3: {  	_ =	shalt  }
tec
execute0_lowered:
.L_overlay_start_1:
0x0: {  	(tag) =	ssettag $0x1  }
0x1: {  	s0 =	srdreg.scid;
	s26 =	stileid.u32  }
0x2: {  	s0 =	sand.u32 $0x1, s0;
	s4 =	smul.u32 $0x50, s26  }
0x3: {  	s9 =	sor.u32 $0x10, s26;
	s1 =	smul.u32 $0x2710, s0  }
0x4: {  	s11 =	sor.u32 $0x20, s26;
	s5 =	smul.u32 $0x50, s9  }
0x5: {  	s12 =	sor.u32 $0x30, s26;
	s6 =	smul.u32 $0x50, s11  }
0x6: {  	s13 =	sor.u32 $0x40, s26;
	s7 =	smul.u32 $0x50, s12  }
0x7: {  	s15 =	sor.u32 $0x50, s26;
	s14 =	smul.u32 $0x50, s13  }
0x8: {  	s18 =	sor.u32 $0x60, s26;
	s17 =	smul.u32 $0x50, s15  }
0x9: {  	s31 =	smul.u32 $0x50, s18  }
0xa: {  	s23 =	sor.u32 $0x70, s26;
	s10 =	ssub.s32 $0x2, s0;
	s0 =	smul.u32 $0x4E800, s0  }
0xb: {  	s8 =	rddreg [dreg:$0x0];
	s25 =	smul.u32 $0x50, s23  }
0xc: {  	s2 =	rddreg [dreg:$0x1];
	s12 =	smul.u32 $0xA000, s12  }
0xd: {  	s3 =	simm.s32 $0x0;
	s19 =	sadd.s32 $0x65800, s8;
	s15 =	smul.u32 $0xA000, s15  }
0xe: {  	s29 =	sadd.s32 $0x5BA00, s8;
	[smem:$0x7FF] =	sst s3;
	s18 =	smul.u32 $0xA000, s18  }
0xf: {  	_ =	strace $0x8000004D;
	s23 =	smul.u32 $0xA000, s23;
	s16 =	sshrl.u32 s10, $0x1  }
0x10: {  	s10 =	ssub.s32 s10, s16;
	s20 =	sadd.s32 s4, s1;
	s21 =	sadd.s32 s1, s5  }
0x11: {  	s22 =	sadd.s32 s1, s6;
	s6 =	smul.u32 $0x4E80, s26;
	s24 =	sadd.s32 s1, s7  }
0x12: {  	s14 =	sadd.s32 s1, s14;
	s16 =	sadd.s32 s1, s31;
	s31 =	smul.u32 $0x9D0, s26  }
0x13: {  	s17 =	sadd.s32 s1, s17;
	s1 =	sadd.s32 s1, s25;
	s25 =	smul.u32 $0xA000, s26  }
0x14: {  	s7 =	sadd.s32 $0x3200, s8;
	s12 =	sshrl.u32 s12, $0x2;
	s15 =	sshrl.u32 s15, $0x2  }
0x15: {  	s12 =	sadd.s32 s12, s2;
	s0 =	sadd.s32 s6, s0;
	s30 =	sshrl.u32 s6, $0x3  }
0x16: {  	s6 =	sadd.s32 s31, s29;
	s28 =	sshrl.u32 s0, $0x3;
	s0 =	sadd.s32 $0x80, s0  }
0x17: {  	s25 =	sshrl.u32 s25, $0x2;
	[dreg:$0x6] =	wrdreg s12;
	s0 =	sshrl.u32 s0, $0x3  }
0x18: {  	s4 =	sadd.s32 s28, s19;
	s28 =	smul.u32 $0xA000, s9;
	s5 =	sadd.s32 s0, s19  }
0x19: {  	s19 =	sadd.s32 s29, s30;
	s0 =	sadd.s32 $0x79200, s8;
	s8 =	sadd.s32 s25, s2  }
0x1a: {  	s29 =	smul.u32 $0xA000, s11;
	s30 =	sshll.u32 s26, $0x6;
	s11 =	sshll.u32 s20, $0x4  }
0x1b: {  	s25 =	sshrl.u32 s18, $0x2;
	[dreg:$0x3] =	wrdreg s8;
	s31 =	sshrl.u32 s28, $0x2  }
0x1c: {  	s9 =	sor.u32 $0x1C03, s30;
	s28 =	sshrl.u32 s23, $0x2;
	s20 =	sadd.s32 s31, s2  }
0x1d: {  	s8 =	sshrl.u32 s29, $0x2;
	s30 =	sadd.s32 s28, s2;
	[dreg:$0x4] =	wrdreg s20  }
0x1e: {  	s31 =	sadd.s32 s7, s11;
	s11 =	sadd.s32 s0, s11;
	[dreg:$0xa] =	wrdreg s30  }
0x1f: {  	s20 =	sshll.u32 s21, $0x4;
	s8 =	sadd.s32 s8, s2;
	[dreg:$0xb] =	wrdreg s31  }
0x20: {  	s21 =	smul.u32 $0xA000, s13;
	s13 =	sshll.u32 s22, $0x4;
	[dreg:$0xc] =	wrdreg s11  }
0x21: {  	s22 =	sshll.u32 s24, $0x4;
	s24 =	sadd.s32 s15, s2;
	[dreg:$0x5] =	wrdreg s8  }
0x22: {  	s29 =	sshll.u32 s16, $0x4;
	s15 =	sadd.s32 s25, s2;
	[dreg:$0x8] =	wrdreg s24  }
0x23: {  	s28 =	sadd.s32 s7, s29;
	[dreg:$0x9] =	wrdreg s15  }
0x24: {  	s1 =	sshll.u32 s1, $0x4;
	s29 =	sadd.s32 s0, s29;
	[dreg:$0x17] =	wrdreg s28  }
0x25: {  	s30 =	sadd.s32 s7, s1;
	[dreg:$0x18] =	wrdreg s29  }
0x26: {  	s31 =	sadd.s32 $0x9C0, s19;
	[dreg:$0x1a] =	wrdreg s30  }
0x27: {  	s16 =	sadd.s32 s7, s20;
	[dreg:$0x1b] =	wrdreg s31  }
0x28: {  	s18 =	sadd.s32 s7, s13;
	[dreg:$0xd] =	wrdreg s16  }
0x29: {  	s8 =	sshrl.u32 s21, $0x2;
	[dreg:$0xf] =	wrdreg s18;
	s21 =	sadd.s32 s7, s22  }
0x2a: {  	p0 =	sgt.u32 s26, $0xC;
	s22 =	sadd.s32 s0, s22;
	[dreg:$0x11] =	wrdreg s21  }
0x2b: {  	s10 =	smax.u32 s10, $0x1;
	s8 =	sadd.s32 s8, s2;
	[dreg:$0x12] =	wrdreg s22  }
0x2c: {  	s12 =	simm.s32 $0x3;
	s11 =	sadd.s32 $0x9C0, s4;
	[dreg:$0x7] =	wrdreg s8  }
0x2d: {  	s8 =	sshll.u32 s14, $0x4;
	s14 =	sshll.u32 s17, $0x4;
	s17 =	sadd.s32 s0, s20  }
0x2e: {  	s19 =	simm.s32 $0x2;
	s20 =	sadd.s32 s0, s13;
	[dreg:$0xe] =	wrdreg s17  }
0x2f: {  	s15 =	simm.s32 $0x1;
	[dreg:$0x10] =	wrdreg s20;
	s23 =	sadd.s32 s7, s8  }
0x30: {  	s16 =	simm.s32 $0x100;
	s8 =	sadd.s32 s0, s8;
	[dreg:$0x13] =	wrdreg s23  }
0x31: {  	s18 =	simm.s32 $0x180;
	s24 =	sadd.s32 s7, s14;
	[dreg:$0x14] =	wrdreg s8  }
0x32: {  	s13 =	simm.s32 $0x80;
	s25 =	sadd.s32 s0, s14;
	[dreg:$0x15] =	wrdreg s24  }
0x33: {  	s0 =	sadd.s32 s0, s1;
	s14 =	simm.s32 $0x200;
	[dreg:$0x16] =	wrdreg s25  }
0x34: {  	s17 =	simm.s32 $0x4200;
	s20 =	simm.s32 $0x0;
	[dreg:$0x19] =	wrdreg s0  }
.LBB2_1:
0x35: {  	s0 =	rddreg [dreg:$0x3]  }
0x36: {  	s22 =	rddreg [dreg:$0xb];
	s21 =	sshrl.u32 s0, $0x3  }
0x37: {  	[spmem:s21], [sflag:s9] =	dma.local [hbm:s22], $0x500  }
0x38: {  	_ =	swait.ge [sflag:s12], $0x500  }
0x39: {  	[sflag:s12] =	ssyncset.done $0x0;
	s23 =	rddreg [dreg:$0x4]  }
0x3a: {  	s24 =	rddreg [dreg:$0xd];
	[sflag:s12] =	ssyncadd.s32 $0xFFFFFB00;
	s22 =	sshrl.u32 s23, $0x3  }
0x3b: {  	[spmem:s22], [sflag:s9] =	dma.local [hbm:s24], $0x500  }
0x3c: {  	_ =	swait.ge [sflag:s12], $0x500  }
0x3d: {  	[sflag:s12] =	ssyncset.done $0x0;
	s25 =	rddreg [dreg:$0x5]  }
0x3e: {  	s26 =	rddreg [dreg:$0xf];
	[sflag:s12] =	ssyncadd.s32 $0xFFFFFB00;
	s23 =	sshrl.u32 s25, $0x3  }
0x3f: {  	[spmem:s23], [sflag:s9] =	dma.local [hbm:s26], $0x500  }
0x40: {  	_ =	swait.ge [sflag:s12], $0x500  }
0x41: {  	[sflag:s12] =	ssyncset.done $0x0;
	s1 =	rddreg [dreg:$0x6]  }
0x42: {  	s8 =	rddreg [dreg:$0x11];
	[sflag:s12] =	ssyncadd.s32 $0xFFFFFB00;
	s24 =	sshrl.u32 s1, $0x3  }
0x43: {  	[spmem:s24], [sflag:s9] =	dma.local [hbm:s8], $0x500  }
0x44: {  	_ =	swait.ge [sflag:s12], $0x500  }
0x45: {  	[sflag:s12] =	ssyncset.done $0x0;
	s25 =	rddreg [dreg:$0x7]  }
0x46: {  	s26 =	rddreg [dreg:$0x13];
	[sflag:s12] =	ssyncadd.s32 $0xFFFFFB00;
	s25 =	sshrl.u32 s25, $0x3  }
0x47: {  	[spmem:s25], [sflag:s9] =	dma.local [hbm:s26], $0x500  }
0x48: {  	_ =	swait.ge [sflag:s12], $0x500  }
0x49: {  	[sflag:s12] =	ssyncset.done $0x0;
	s1 =	rddreg [dreg:$0x8]  }
0x4a: {  	s8 =	rddreg [dreg:$0x15];
	[sflag:s12] =	ssyncadd.s32 $0xFFFFFB00;
	s26 =	sshrl.u32 s1, $0x3  }
0x4b: {  	[spmem:s26], [sflag:s9] =	dma.local [hbm:s8], $0x500  }
0x4c: {  	_ =	swait.ge [sflag:s12], $0x500  }
0x4d: {  	[sflag:s12] =	ssyncset.done $0x0;
	s1 =	rddreg [dreg:$0x9]  }
0x4e: {  	s8 =	rddreg [dreg:$0x17];
	[sflag:s12] =	ssyncadd.s32 $0xFFFFFB00;
	s28 =	sshrl.u32 s1, $0x3  }
0x4f: {  	[spmem:s28], [sflag:s9] =	dma.local [hbm:s8], $0x500  }
0x50: {  	_ =	swait.ge [sflag:s12], $0x500  }
0x51: {  	s1 =	simm.s32 @!p0 $0x3;
	[sflag:s12] =	ssyncset.done $0x0;
	s0 =	rddreg [dreg:$0xa]  }
0x52: {  	[sflag:s12] =	ssyncadd.s32 $0xFFFFFB00;
	s29 =	sshrl.u32 @!p0 s0, $0x3;
	s0 =	rddreg [dreg:$0x1a]  }
0x53: {  	[spmem:s29], [sflag:s9] =	dma.local @!p0 [hbm:s0], $0x500  }
0x54: {  	_ =	swait.ge @!p0 [sflag:s1], $0x500  }
0x55: {  	[sflag:s1] =	ssyncset.done @!p0 $0x0  }
0x56: {  	[sflag:s1] =	ssyncadd.s32 @!p0 $0xFFFFFB00  }
0x57: {  	s0 =	sadd.s32 $0x0, s4;
	[bflag:$0x0] =	sbarrier.arrive $0xFFFF  }
0x58: {  	[tilespmem:s3], [sflag:$0x3] =	stream.linear.gather [hbm4b:s0+s3], $0x80, $0x38;
	[tilespmem:$0x1BAC0] =	vst v63  }
0x59: {  	_ =	swait.ge [sflag:s12], $0x80  }
0x5a: {  	[sflag:s12] =	ssyncset.done $0x0  }
0x5b: {  	[sflag:s12] =	ssyncadd.s32 $0xFFFFFF80  }
0x5c: {  	[tilespmem:s14], [sflag:$0x1] =	stream.indirect.gather [hbm4b:s7+s13], $0x80, s3, s13, $0xb8;
	[tilespmem:$0x1BAC0] =	vst v63  }
0x5d: {  	s8 =	sadd.s32 $0x0, s6  }
0x5e: {  	[tilespmem:s13], [sflag:$0x3] =	stream.linear.gather [hbm4b:s8+s3], $0x80, $0x38;
	[tilespmem:$0x1BAC0] =	vst v63  }
0x5f: {  	_ =	swait.ge [sflag:s12], $0x80  }
0x60: {  	[sflag:s12] =	ssyncset.done $0x0  }
0x61: {  	[sflag:s12] =	ssyncadd.s32 $0xFFFFFF80  }
0x62: {  	_ =	swait.ge [sflag:s15], $0x4000  }
0x63: {  	[sflag:s15] =	ssyncset.done $0x0  }
0x64: {  	[sflag:s15] =	ssyncadd.s32 $0xFFFFC000  }
0x65: {  	[spmem:s2] =	stream.indirect.scatter.add.f32 [tilespmem:s14], [sflag:$0x2], $0x80, s13, s13, $0xb8;
	[tilespmem:$0x1BAC0] =	vst v63  }
0x66: {  	s30 =	sadd.s32 $0x0, s5  }
0x67: {  	[tilespmem:s16], [sflag:$0x3] =	stream.linear.gather [hbm4b:s30+s3], $0x80, $0x38;
	[tilespmem:$0x1BAC0] =	vst v63  }
0x68: {  	_ =	swait.ge [sflag:s12], $0x80  }
0x69: {  	[sflag:s12] =	ssyncset.done $0x0  }
0x6a: {  	[sflag:s12] =	ssyncadd.s32 $0xFFFFFF80  }
0x6b: {  	[tilespmem:s17], [sflag:$0x1] =	stream.indirect.gather [hbm4b:s7+s13], $0x80, s16, s13, $0xb8;
	[tilespmem:$0x1BAC0] =	vst v63  }
0x6c: {  	s1 =	sadd.s32 $0x10, s8  }
0x6d: {  	[tilespmem:s18], [sflag:$0x3] =	stream.linear.gather [hbm4b:s1+s3], $0x80, $0x38;
	[tilespmem:$0x1BAC0] =	vst v63  }
0x6e: {  	_ =	swait.ge [sflag:s12], $0x80  }
0x6f: {  	[sflag:s12] =	ssyncset.done $0x0  }
0x70: {  	[sflag:s12] =	ssyncadd.s32 $0xFFFFFF80  }
0x71: {  	_ =	swait.ge [sflag:s15], $0x4000  }
0x72: {  	[sflag:s15] =	ssyncset.done $0x0  }
0x73: {  	[sflag:s15] =	ssyncadd.s32 $0xFFFFC000  }
0x74: {  	_ =	swait.ge [sflag:s19], $0x4000  }
0x75: {  	[sflag:s19] =	ssyncset.done $0x0  }
0x76: {  	[sflag:s19] =	ssyncadd.s32 $0xFFFFC000  }
0x77: {  	[spmem:s2] =	stream.indirect.scatter.add.f32 [tilespmem:s17], [sflag:$0x3], $0x80, s18, s13, $0xb8;
	[tilespmem:$0x1BAC0] =	vst v63  }
0x78: {  	_ =	swait.ge [sflag:s12], $0x4000  }
0x79: {  	s31 =	simm.s32 $0x40;
	s30 =	simm.s32 $0x20;
	[sflag:s12] =	ssyncset.done $0x0  }
.LBB2_2:
0x7a: {  	s0 =	sadd.s32 s30, s4  }
0x7b: {  	[sflag:s12] =	ssyncadd.s32 $0xFFFFC000;
	s8 =	smov.u32 s31;
	s1 =	sadd.s32 $0x20, s31  }
0x7c: {  	[tilespmem:s3], [sflag:$0x3] =	stream.linear.gather [hbm4b:s0+s3], $0x80, $0x38;
	[tilespmem:$0x1BAC0] =	vst v63  }
0x7d: {  	p1 =	sne.s32 s31, $0x9A0;
	_ =	swait.ge [sflag:s12], $0x80  }
0x7e: {  	[sflag:s12] =	ssyncset.done $0x0  }
0x7f: {  	[sflag:s12] =	ssyncadd.s32 $0xFFFFFF80  }
0x80: {  	[tilespmem:s14], [sflag:$0x1] =	stream.indirect.gather [hbm4b:s7+s13], $0x80, s3, s13, $0xb8;
	[tilespmem:$0x1BAC0] =	vst v63  }
0x81: {  	s0 =	sadd.s32 s30, s6  }
0x82: {  	[tilespmem:s13], [sflag:$0x3] =	stream.linear.gather [hbm4b:s0+s3], $0x80, $0x38;
	[tilespmem:$0x1BAC0] =	vst v63  }
0x83: {  	_ =	swait.ge [sflag:s12], $0x80  }
0x84: {  	[sflag:s12] =	ssyncset.done $0x0  }
0x85: {  	[sflag:s12] =	ssyncadd.s32 $0xFFFFFF80  }
0x86: {  	_ =	swait.ge [sflag:s15], $0x4000  }
0x87: {  	[sflag:s15] =	ssyncset.done $0x0  }
0x88: {  	[sflag:s15] =	ssyncadd.s32 $0xFFFFC000  }
0x89: {  	[spmem:s2] =	stream.indirect.scatter.add.f32 [tilespmem:s14], [sflag:$0x2], $0x80, s13, s13, $0xb8;
	[tilespmem:$0x1BAC0] =	vst v63  }
0x8a: {  	s31 =	sadd.s32 s30, s5;
	s30 =	smov.u32 s8  }
0x8b: {  	[tilespmem:s16], [sflag:$0x3] =	stream.linear.gather [hbm4b:s31+s3], $0x80, $0x38;
	[tilespmem:$0x1BAC0] =	vst v63  }
0x8c: {  	_ =	swait.ge [sflag:s12], $0x80  }
0x8d: {  	[sflag:s12] =	ssyncset.done $0x0  }
0x8e: {  	[sflag:s12] =	ssyncadd.s32 $0xFFFFFF80  }
0x8f: {  	[tilespmem:s17], [sflag:$0x1] =	stream.indirect.gather [hbm4b:s7+s13], $0x80, s16, s13, $0xb8;
	[tilespmem:$0x1BAC0] =	vst v63  }
0x90: {  	s0 =	sadd.s32 $0x10, s0  }
0x91: {  	[tilespmem:s18], [sflag:$0x3] =	stream.linear.gather [hbm4b:s0+s3], $0x80, $0x38;
	[tilespmem:$0x1BAC0] =	vst v63  }
0x92: {  	_ =	swait.ge [sflag:s12], $0x80  }
0x93: {  	[sflag:s12] =	ssyncset.done $0x0  }
0x94: {  	[sflag:s12] =	ssyncadd.s32 $0xFFFFFF80  }
0x95: {  	_ =	swait.ge [sflag:s15], $0x4000  }
0x96: {  	[sflag:s15] =	ssyncset.done $0x0  }
0x97: {  	[sflag:s15] =	ssyncadd.s32 $0xFFFFC000  }
0x98: {  	_ =	swait.ge [sflag:s19], $0x4000  }
.Ltmp0:
0x99: {  	[sflag:s19] =	ssyncset.done $0x0;
	(pc) =	sbr.rel @p1 .LBB2_2-.Ltmp0, $4  }
0x9a: {  	[sflag:s19] =	ssyncadd.s32 $0xFFFFC000  }
0x9b: {  	[spmem:s2] =	stream.indirect.scatter.add.f32 [tilespmem:s17], [sflag:$0x3], $0x80, s18, s13, $0xb8;
	[tilespmem:$0x1BAC0] =	vst v63  }
0x9c: {  	_ =	swait.ge [sflag:s12], $0x4000  }
0x9d: {  	s31 =	smov.u32 s1;
	[sflag:s12] =	ssyncset.done $0x0  }
0x9e: {  	s0 =	sadd.s32 s30, s4;
	[sflag:s12] =	ssyncadd.s32 $0xFFFFC000  }
0x9f: {  	[tilespmem:s3], [sflag:$0x3] =	stream.linear.gather [hbm4b:s0+s3], $0x80, $0x38;
	[tilespmem:$0x1BAC0] =	vst v63  }
0xa0: {  	_ =	swait.ge [sflag:s12], $0x80  }
0xa1: {  	[sflag:s12] =	ssyncset.done $0x0  }
0xa2: {  	[sflag:s12] =	ssyncadd.s32 $0xFFFFFF80  }
0xa3: {  	[tilespmem:s14], [sflag:$0x1] =	stream.indirect.gather [hbm4b:s7+s13], $0x80, s3, s13, $0xb8;
	[tilespmem:$0x1BAC0] =	vst v63  }
0xa4: {  	s31 =	sadd.s32 s30, s6  }
0xa5: {  	[tilespmem:s13], [sflag:$0x3] =	stream.linear.gather [hbm4b:s31+s3], $0x80, $0x38;
	[tilespmem:$0x1BAC0] =	vst v63  }
0xa6: {  	_ =	swait.ge [sflag:s12], $0x80  }
0xa7: {  	[sflag:s12] =	ssyncset.done $0x0  }
0xa8: {  	[sflag:s12] =	ssyncadd.s32 $0xFFFFFF80  }
0xa9: {  	_ =	swait.ge [sflag:s15], $0x4000  }
0xaa: {  	[sflag:s15] =	ssyncset.done $0x0  }
0xab: {  	[sflag:s15] =	ssyncadd.s32 $0xFFFFC000  }
0xac: {  	[spmem:s2] =	stream.indirect.scatter.add.f32 [tilespmem:s14], [sflag:$0x2], $0x80, s13, s13, $0xb8;
	[tilespmem:$0x1BAC0] =	vst v63  }
0xad: {  	s1 =	sadd.s32 s30, s5  }
0xae: {  	[tilespmem:s16], [sflag:$0x3] =	stream.linear.gather [hbm4b:s1+s3], $0x80, $0x38;
	[tilespmem:$0x1BAC0] =	vst v63  }
0xaf: {  	_ =	swait.ge [sflag:s12], $0x80  }
0xb0: {  	[sflag:s12] =	ssyncset.done $0x0  }
0xb1: {  	[sflag:s12] =	ssyncadd.s32 $0xFFFFFF80  }
0xb2: {  	[tilespmem:s17], [sflag:$0x1] =	stream.indirect.gather [hbm4b:s7+s13], $0x80, s16, s13, $0xb8;
	[tilespmem:$0x1BAC0] =	vst v63  }
0xb3: {  	s0 =	sadd.s32 $0x10, s31  }
0xb4: {  	[tilespmem:s18], [sflag:$0x3] =	stream.linear.gather [hbm4b:s0+s3], $0x80, $0x38;
	[tilespmem:$0x1BAC0] =	vst v63  }
0xb5: {  	_ =	swait.ge [sflag:s12], $0x80  }
0xb6: {  	[sflag:s12] =	ssyncset.done $0x0  }
0xb7: {  	[sflag:s12] =	ssyncadd.s32 $0xFFFFFF80  }
0xb8: {  	_ =	swait.ge [sflag:s15], $0x4000  }
0xb9: {  	[sflag:s15] =	ssyncset.done $0x0  }
0xba: {  	[sflag:s15] =	ssyncadd.s32 $0xFFFFC000  }
0xbb: {  	_ =	swait.ge [sflag:s19], $0x4000  }
0xbc: {  	[sflag:s19] =	ssyncset.done $0x0  }
0xbd: {  	[sflag:s19] =	ssyncadd.s32 $0xFFFFC000  }
0xbe: {  	[spmem:s2] =	stream.indirect.scatter.add.f32 [tilespmem:s17], [sflag:$0x3], $0x80, s18, s13, $0xb8;
	[tilespmem:$0x1BAC0] =	vst v63  }
0xbf: {  	_ =	swait.ge [sflag:s12], $0x4000  }
0xc0: {  	[sflag:s12] =	ssyncset.done $0x0  }
0xc1: {  	[sflag:s12] =	ssyncadd.s32 $0xFFFFC000  }
0xc2: {  	[tilespmem:s3], [sflag:$0x3] =	stream.linear.gather [hbm4b:s11+s3], $0x80, $0x38;
	[tilespmem:$0x1BAC0] =	vst v63  }
0xc3: {  	_ =	swait.ge [sflag:s12], $0x80  }
0xc4: {  	[sflag:s12] =	ssyncset.done $0x0  }
0xc5: {  	[sflag:s12] =	ssyncadd.s32 $0xFFFFFF80  }
0xc6: {  	[tilespmem:s14], [sflag:$0x1] =	stream.indirect.gather [hbm4b:s7+s13], $0x80, s3, s13, $0xb8;
	[tilespmem:$0x1BAC0] =	vst v63  }
0xc7: {  	s1 =	rddreg [dreg:$0x1b]  }
0xc8: {  	[tilespmem:s13], [sflag:$0x3] =	stream.linear.gather [hbm4b:s1+s3], $0x80, $0x38;
	[tilespmem:$0x1BAC0] =	vst v63  }
0xc9: {  	_ =	swait.ge [sflag:s12], $0x80  }
0xca: {  	[sflag:s12] =	ssyncset.done $0x0  }
0xcb: {  	[sflag:s12] =	ssyncadd.s32 $0xFFFFFF80  }
0xcc: {  	_ =	swait.ge [sflag:s15], $0x4000  }
0xcd: {  	[sflag:s15] =	ssyncset.done $0x0  }
0xce: {  	[sflag:s15] =	ssyncadd.s32 $0xFFFFC000  }
0xcf: {  	[spmem:s2] =	stream.indirect.scatter.add.f32 [tilespmem:s14], [sflag:$0x3], $0x80, s13, s13, $0xb8;
	[tilespmem:$0x1BAC0] =	vst v63  }
0xd0: {  	_ =	swait.ge [sflag:s12], $0x4000  }
0xd1: {  	[sflag:s12] =	ssyncset.done $0x0  }
0xd2: {  	[sflag:s12] =	ssyncadd.s32 $0xFFFFC000  }
0xd3: {  	[bflag:$0x0] =	sbarrier.arrive $0xFFFF  }
0xd4: {  	s8 =	rddreg [dreg:$0xc]  }
0xd5: {  	[hbm:s8], [sflag:s9] =	dma.local [spmem:s21], $0x500  }
0xd6: {  	_ =	swait.ge [sflag:s12], $0x500  }
0xd7: {  	[sflag:s12] =	ssyncset.done $0x0  }
0xd8: {  	s21 =	rddreg [dreg:$0xe];
	[sflag:s12] =	ssyncadd.s32 $0xFFFFFB00  }
0xd9: {  	[hbm:s21], [sflag:s9] =	dma.local [spmem:s22], $0x500  }
0xda: {  	_ =	swait.ge [sflag:s12], $0x500  }
0xdb: {  	[sflag:s12] =	ssyncset.done $0x0  }
0xdc: {  	s22 =	rddreg [dreg:$0x10];
	[sflag:s12] =	ssyncadd.s32 $0xFFFFFB00  }
0xdd: {  	[hbm:s22], [sflag:s9] =	dma.local [spmem:s23], $0x500  }
0xde: {  	_ =	swait.ge [sflag:s12], $0x500  }
0xdf: {  	[sflag:s12] =	ssyncset.done $0x0  }
0xe0: {  	s23 =	rddreg [dreg:$0x12];
	[sflag:s12] =	ssyncadd.s32 $0xFFFFFB00  }
0xe1: {  	[hbm:s23], [sflag:s9] =	dma.local [spmem:s24], $0x500  }
0xe2: {  	_ =	swait.ge [sflag:s12], $0x500  }
0xe3: {  	[sflag:s12] =	ssyncset.done $0x0  }
0xe4: {  	s24 =	rddreg [dreg:$0x14];
	[sflag:s12] =	ssyncadd.s32 $0xFFFFFB00  }
0xe5: {  	[hbm:s24], [sflag:s9] =	dma.local [spmem:s25], $0x500  }
0xe6: {  	_ =	swait.ge [sflag:s12], $0x500  }
0xe7: {  	[sflag:s12] =	ssyncset.done $0x0  }
0xe8: {  	s30 =	rddreg [dreg:$0x16];
	[sflag:s12] =	ssyncadd.s32 $0xFFFFFB00  }
0xe9: {  	[hbm:s30], [sflag:s9] =	dma.local [spmem:s26], $0x500  }
0xea: {  	_ =	swait.ge [sflag:s12], $0x500  }
0xeb: {  	[sflag:s12] =	ssyncset.done $0x0  }
0xec: {  	s31 =	rddreg [dreg:$0x18];
	[sflag:s12] =	ssyncadd.s32 $0xFFFFFB00  }
0xed: {  	[hbm:s31], [sflag:s9] =	dma.local [spmem:s28], $0x500  }
0xee: {  	_ =	swait.ge [sflag:s12], $0x500  }
0xef: {  	s20 =	sadd.s32 $0x1, s20;
	[sflag:s12] =	ssyncset.done $0x0  }
0xf0: {  	p1 =	sne.s32 s20, s10;
	s0 =	rddreg [dreg:$0x19];
	[sflag:s12] =	ssyncadd.s32 $0xFFFFFB00  }
0xf1: {  	[hbm:s0], [sflag:s9] =	dma.local @!p0 [spmem:s29], $0x500  }
.Ltmp1:
0xf2: {  	_ = 	snop;
	(pc) =	sbr.rel @p1 .LBB2_1-.Ltmp1, $4  }
0xf3: {  	s0 =	simm.s32 @!p0 $0x3  }
0xf4: {  	_ =	swait.ge @!p0 [sflag:s0], $0x500  }
0xf5: {  	[sflag:s0] =	ssyncset.done @!p0 $0x0  }
0xf6: {  	[sflag:s0] =	ssyncadd.s32 @!p0 $0xFFFFFB00  }
0xf7: {  	_ =	sfence.sel $0x180000  }
0xf8: {  	[bflag:$0x0] =	sbarrier.arrive $0xFFFF  }
0xf9: {  	_ =	strace $0x9000004D  }
0xfa: {  	s0 =	stileid.u32;
	[bflag:$0x2] =	sbarrier.arrive $0xFFFF  }
0xfb: {  	p0 =	sne.s32 s0, $0x0;
	s0 =	rddreg [dreg:$0x2]  }
0xfc: {  	s0 =	sadd.s32 @!p0 $0x100000, s0  }
0xfd: {  	[sflag:s0] =	ssyncadd.tile.s32 @!p0 $0x1;
	_ =	shalt  }
.Lfunc_end2:
_tile_overlayer_lowered:
.L_overlay_start_2:
0xfe: {  	(tag) =	ssettag $0x2  }
0xff: {  	s0 =	rddreg [dreg:$0x0];
	s2 =	stileid.u32  }
0x100: {  	s1 =	rddreg [dreg:$0x1];
	p0 =	sne.s32 s2, $0x0  }
0x101: {  	s3 =	rddreg [dreg:$0x2];
	[bflag:$0x3] =	sbarrier.arrive $0xFFFF;
	s2 =	simm.s32 @!p0 $0x1C03  }
0x102: {  	[timem:s3], [sflag:s2] =	dma.local @!p0 [hbm:s0], s1  }
0x103: {  	s0 =	simm.s32 @!p0 $0x3  }
0x104: {  	_ =	swait.ge @!p0 [sflag:s0], s1  }
0x105: {  	s1 =	ssub.s32 @!p0 $0x0, s1;
	[sflag:s0] =	ssyncset.done @!p0 $0x0  }
0x106: {  	[sflag:s0] =	ssyncadd.s32 @!p0 s1  }
0x107: {  	[bflag:$0x3] =	sbarrier.arrive $0xFFFF  }
0x108: {  	_ =	shalt  }

// kernel: kernel.8.cloned.1.call-start
scs
__scs_entry_jumppad:
0x0: {  	(pc) =	sbr.rel $0x88, $3  }
0x1: {  	(tag) =	ssettag $0x0;
	lr =	simm.s32 $0x1  }
0x2: {  	[smem:$0x3F98] =	sst lr;
	_ =	strace $0xD0000000  }
0x3: {  	_ = 	snop  }
0x4: {  	_ = 	snop  }
0x5: {  	_ = 	snop  }
0x6: {  	_ = 	snop  }
0x7: {  	_ = 	snop  }
__scs_overlays_trampoline_lowered:
0x8: {  	[smem:$0x3FA7] =	sst s0  }
0x9: {  	[smem:$0x3FA8] =	sst s1  }
0xa: {  	[smem:$0x3FA9] =	sst s2  }
0xb: {  	[smem:$0x3FAA] =	sst s3  }
0xc: {  	[smem:$0x3FAB] =	sst s4  }
0xd: {  	[smem:$0x3FAC] =	sst s5  }
0xe: {  	[smem:$0x3FAD] =	sst s6  }
0xf: {  	[smem:$0x3FAE] =	sst s7  }
0x10: {  	[smem:$0x3FAF] =	sst s8  }
0x11: {  	[smem:$0x3FB0] =	sst s9;
	s0 =	simm.s32 @!p0 $0x0  }
0x12: {  	s1 =	sld [smem:$0x3F96];
	s0 =	simm.s32 @p0 $0x1  }
0x13: {  	[smem:$0x3FB1] =	sst s0;
	s0 =	simm.s32 @!p1 $0x0  }
0x14: {  	s2 =	sld [smem:$0x3F95];
	s0 =	simm.s32 @p1 $0x1  }
0x15: {  	[smem:$0x3FB2] =	sst s0;
	s0 =	simm.s32 @!p2 $0x0  }
0x16: {  	s3 =	sld [smem:$0x3FDB];
	s0 =	simm.s32 @p2 $0x1  }
0x17: {  	s4 =	simm.s32 $0x1BF5;
	[smem:$0x3FB4] =	sst s0  }
0x18: {  	s0 =	sld [smem:$0x3F97];
	_ =	swait.ge [sflag:s4], $0x0  }
0x19: {  	s7 =	sld [smem:$0x3F98]  }
0x1a: {  	s8 =	sadd.s32 $0xFFFFE003, lr  }
0x1b: {  	s9 =	sadd.s32 $0xFFFFFEF7, lr;
	s5 =	simm.s32 $0xFFFFFFFF;
	p2 =	slt.u32 s8, $0xFFFFF086  }
0x1c: {  	p1 =	slt.u32 s9, $0xF7A;
	s5 =	simm.s32 @!p2 $0x0  }
0x1d: {  	s5 =	simm.s32 @p1 $0x1;
	p0 =	seq.s32 s7, s2  }
0x1e: {  	s7 =	smul.u32 @!p0 $0xF7A, s2;
	p2 =	seq.s32 @!p0 s5, $0x0  }
0x1f: {  	s9 =	smul.u32 $0xF7A, s1;
	s8 =	simm.s32 @!p0 $0x1BF5;
	p2 =	por !p2, p0  }
0x20: {  	[sflag:s8] =	ssyncset.s32 @!p0 $0xFFFFF086;
	s6 =	sadd.s32 @!p0 s3, s7;
	s7 =	simm.s32 @!p0 $0x108  }
0x21: {  	s3 =	sadd.s32 s3, s9;
	s6 =	sadd.s32 @!p0 $0x88, s6;
	s7 =	simm.s32 @p2 $0x1082  }
0x22: {  	[simem:s7], [sflag:s8] =	dma.local @!p0 [hbm:s6], $0xF7A  }
0x23: {  	s9 =	sor.u32 $0xD0000000, s2;
	s6 =	simm.s32 $0x108;
	_ =	swait.ge @!p0 [sflag:s8], $0x0  }
0x24: {  	s3 =	sadd.s32 $0x88, s3;
	s6 =	simm.s32 @!p1 $0x1082;
	[sflag:s4] =	ssyncset.s32 $0xFFFFF086  }
0x25: {  	[simem:s6], [sflag:s4] =	dma.local [hbm:s3], $0xF7A  }
0x26: {  	[smem:$0x3F98] =	sst s1;
	(tag) =	ssettag s2;
	_ =	strace s9  }
0x27: {  	s1 =	sld [smem:$0x3FA8]  }
0x28: {  	s2 =	sld [smem:$0x3FA9]  }
0x29: {  	s4 =	sld [smem:$0x3FAB]  }
0x2a: {  	p0 =	seq.s32 s5, $0x0;
	s5 =	sld [smem:$0x3FAC]  }
0x2b: {  	s6 =	sld [smem:$0x3FAD]  }
0x2c: {  	s7 =	sld [smem:$0x3FAE]  }
0x2d: {  	s3 =	simm.s32 $0x108;
	s8 =	sld [smem:$0x3FAF]  }
0x2e: {  	s3 =	simm.s32 @!p0 $0x1082;
	s9 =	sld [smem:$0x3FB0]  }
0x2f: {  	lr =	sadd.s32 s0, s3;
	s0 =	sld [smem:$0x3FA7]  }
0x30: {  	s3 =	sld [smem:$0x3FAA]  }
0x31: {  	[smem:$0x3FB3] =	sst s10  }
0x32: {  	s10 =	sld [smem:$0x3FB1];
	_ =	sdelay $0x3  }
0x33: {  	p0 =	seq.s32 s10, $0x1;
	s10 =	sld [smem:$0x3FB3];
	_ =	sdelay $0x3  }
0x34: {  	[smem:$0x3FB3] =	sst s10  }
0x35: {  	s10 =	sld [smem:$0x3FB2];
	_ =	sdelay $0x3  }
0x36: {  	p1 =	seq.s32 s10, $0x1;
	s10 =	sld [smem:$0x3FB3];
	_ =	sdelay $0x3  }
0x37: {  	[smem:$0x3FB3] =	sst s10  }
0x38: {  	s10 =	sld [smem:$0x3FB4]  }
0x39: {  	_ = 	snop;
	(pc) =	sbr.ind lr, $3  }
0x3a: {  	_ = 	snop  }
0x3b: {  	_ = 	snop  }
0x3c: {  	p2 =	seq.s32 s10, $0x1;
	s10 =	sld [smem:$0x3FB3]  }
0x3d: {  	_ =	shalt  }
0x3e: {  	_ =	shalt  }
0x3f: {  	_ =	shalt  }
0x40: {  	_ =	shalt  }
0x41: {  	_ =	shalt  }
0x42: {  	_ =	shalt  }
0x43: {  	_ =	shalt  }
0x44: {  	_ =	shalt  }
0x45: {  	_ =	shalt  }
0x46: {  	_ =	shalt  }
0x47: {  	_ =	shalt  }
0x48: {  	_ =	shalt  }
0x49: {  	_ =	shalt  }
0x4a: {  	_ =	shalt  }
0x4b: {  	_ =	shalt  }
0x4c: {  	_ =	shalt  }
0x4d: {  	_ =	shalt  }
0x4e: {  	_ =	shalt  }
0x4f: {  	_ =	shalt  }
0x50: {  	_ =	shalt  }
0x51: {  	_ =	shalt  }
0x52: {  	_ =	shalt  }
0x53: {  	_ =	shalt  }
0x54: {  	_ =	shalt  }
0x55: {  	_ =	shalt  }
0x56: {  	_ =	shalt  }
0x57: {  	_ =	shalt  }
0x58: {  	_ =	shalt  }
0x59: {  	_ =	shalt  }
0x5a: {  	_ =	shalt  }
0x5b: {  	_ =	shalt  }
0x5c: {  	_ =	shalt  }
0x5d: {  	_ =	shalt  }
0x5e: {  	_ =	shalt  }
0x5f: {  	_ =	shalt  }
0x60: {  	_ =	shalt  }
0x61: {  	_ =	shalt  }
0x62: {  	_ =	shalt  }
0x63: {  	_ =	shalt  }
0x64: {  	_ =	shalt  }
0x65: {  	_ =	shalt  }
0x66: {  	_ =	shalt  }
0x67: {  	_ =	shalt  }
0x68: {  	_ =	shalt  }
0x69: {  	_ =	shalt  }
0x6a: {  	_ =	shalt  }
0x6b: {  	_ =	shalt  }
0x6c: {  	_ =	shalt  }
0x6d: {  	_ =	shalt  }
0x6e: {  	_ =	shalt  }
0x6f: {  	_ =	shalt  }
0x70: {  	_ =	shalt  }
0x71: {  	_ =	shalt  }
0x72: {  	_ =	shalt  }
0x73: {  	_ =	shalt  }
0x74: {  	_ =	shalt  }
0x75: {  	_ =	shalt  }
0x76: {  	_ =	shalt  }
0x77: {  	_ =	shalt  }
0x78: {  	_ =	shalt  }
0x79: {  	_ =	shalt  }
0x7a: {  	_ =	shalt  }
0x7b: {  	_ =	shalt  }
0x7c: {  	_ =	shalt  }
0x7d: {  	_ =	shalt  }
0x7e: {  	_ =	shalt  }
0x7f: {  	_ =	shalt  }
0x80: {  	_ =	shalt  }
0x81: {  	_ =	shalt  }
0x82: {  	_ =	shalt  }
0x83: {  	_ =	shalt  }
0x84: {  	_ =	shalt  }
0x85: {  	_ =	shalt  }
0x86: {  	_ =	shalt  }
0x87: {  	_ =	shalt  }
.Lfunc_end0:
.L_simem_size_0:
called_computation_lowered:
.L_overlay_start_0:
0x88: {  	s2 =	sld [smem:$0x3FD9]  }
0x89: {  	s3 =	sld [smem:$0x3FFE];
	_ =	sdelay $0x1  }
0x8a: {  	s1 =	srdreg.scid  }
0x8b: {  	s0 =	sand.u32 $0x1, s1  }
0x8c: {  	s17 =	sshll.u32 s0, $0xA;
	s2 =	sadd.s32 s3, s2  }
0x8d: {  	s2 =	sadd.s32 s2, s17  }
0x8e: {  	[smem:$0x3FBF] =	sst s2  }
0x8f: {  	_ = 	snop  }
0x90: {  	s2 =	sld [smem:$0x3FD0];
	(tm) =	ssettm $0x1  }
0x91: {  	s18 =	sld [smem:$0x3FFB];
	_ =	sdelay $0x3  }
0x92: {  	_ =	strace s18  }
0x93: {  	s3 =	sld [smem:$0x3FFC];
	_ =	sdelay $0x3  }
0x94: {  	_ =	strace s3  }
0x95: {  	s3 =	sld [smem:$0x3FFD];
	_ =	sdelay $0x3  }
0x96: {  	_ =	strace s3  }
0x97: {  	_ =	strace $0x8FFFFFFF  }
0x98: {  	s19 =	sld [smem:$0x3FDB];
	_ =	sdelay $0x1  }
0x99: {  	s4 =	simm.s32 $_scs_section_size  }
0x9a: {  	s5 =	simm.s32 $_size__tile_overlayer_lowered;
	s6 =	simm.s32 $_tile_overlayer_lowered  }
0x9b: {  	s22 =	simm.s32 $0x1BFF;
	s21 =	sshll.u32 s6, $0x1;
	s3 =	sadd.s32 s4, s19  }
0x9c: {  	s7 =	simm.s32 $0x0;
	s20 =	sshll.u32 s5, $0x1;
	s5 =	sadd.s32 s21, s3  }
0x9d: {  	[timem:s7], [sflag:s22] =	dma.local [hbm:s5], s20  }
0x9e: {  	_ =	swait.ge [sflag:s22], s20  }
0x9f: {  	s4 =	ssub.s32 $0x0, s20;
	[sflag:s22] =	ssyncset.done $0x0  }
0xa0: {  	[sflag:s22] =	ssyncadd.s32 s4;
	_ =	sdelay $0x1  }
0xa1: {  	s23 =	simm.s32 $0x1B8B  }
0xa2: {  	_ =	swait.ge [sflag:s23], $0x1  }
0xa3: {  	[sflag:s23] =	ssyncset.done $0x0  }
0xa4: {  	s25 =	simm.s32 $0x1B8E;
	s24 =	sld [smem:$0x3FFE];
	[sflag:s23] =	ssyncadd.s32 $0xFFFFFFFF  }
0xa5: {  	s26 =	simm.s32 $execute0_lowered;
	[smem:$0x3FD2] =	sst s25  }
0xa6: {  	s5 =	sshll.u32 s26, $0x1;
	_ =	strace $0x80000046;
	[dreg:$0x1] =	wrdreg $0xFFFFFFFF  }
0xa7: {  	s28 =	simm.s32 $_size_execute0_lowered;
	s3 =	sadd.s32 s3, s5;
	[dreg:$0x0] =	wrdreg $0x0  }
0xa8: {  	s5 =	sshll.u32 s28, $0x1;
	[dreg:$0x2] =	wrdreg s3  }
0xa9: {  	[dreg:$0x3] =	wrdreg s5  }
0xaa: {  	[dreg:$0x4] =	wrdreg $0xC0  }
0xab: {  	_ =	task [dreg:s7], $0x5FFFF  }
0xac: {  	[dreg:$0x1] =	wrdreg $0xFFFFFFFF  }
0xad: {  	[dreg:$0x0] =	wrdreg $0x60  }
0xae: {  	[dreg:$0x2] =	wrdreg s24  }
0xaf: {  	[dreg:$0x3] =	wrdreg s2  }
0xb0: {  	[dreg:$0x4] =	wrdreg $0x40800  }
0xb1: {  	[dreg:$0x5] =	wrdreg $0x9  }
0xb2: {  	_ =	task.clear_ibuf [dreg:s7], $0x6FFFF;
	_ =	strace $0x90000046  }
0xb3: {  	s29 =	simm.s32 $0x9;
	_ =	strace $0x80000048  }
0xb4: {  	_ =	swait.ge [sflag:s29], $0x1  }
0xb5: {  	[sflag:s29] =	ssyncadd.s32 $0xFFFFFFFF  }
0xb6: {  	_ =	strace $0x90000048  }
0xb7: {  	_ =	sfence  }
0xb8: {  	s30 =	sld [smem:$0x0];
	_ =	sdelay $0x2  }
0xb9: {  	s31 =	sshll.u32 s1, $0xD;
	s1 =	sshrl.u32 s1, $0x2  }
0xba: {  	s3 =	sand.u32 $0x4000, s31;
	s1 =	sadd.s32 s1, s30  }
0xbb: {  	s0 =	sor.u32 s3, s0;
	s1 =	sshll.u32 s1, $0x11  }
0xbc: {  	s0 =	sor.u32 s1, s0  }
0xbd: {  	s0 =	sadd.s32 $0x8F2B, s0  }
0xbe: {  	[sflag:s0] =	ssyncadd.remote.s32 $0x1  }
0xbf: {  	_ =	sfence.sel $0xFFFF  }
0xc0: {  	[dreg:$0x0] =	wrdreg $0xFFFFFFFF;
	(pc) =	sbr.abs _section_cstart, $3  }
0xc1: {  	[dreg:$0x1] =	wrdreg $0xFFFFFFFF  }
0xc2: {  	_ =	task.clear_ibuf [dreg:s7], $0x2FFFF;
	_ =	strace $0x9FFFFFFF  }
0xc3: {  	(tm) =	ssettm $0x7FFFFFFF  }
tec
execute0_lowered:
.L_overlay_start_1:
0x0: {  	(tag) =	ssettag $0x1  }
0x1: {  	s15 =	stileid.u32  }
0x2: {  	s8 =	smul.u32 $0x500, s15  }
0x3: {  	s9 =	sor.u32 $0x10, s15;
	s21 =	smul.u32 $0x50, s15  }
0x4: {  	s7 =	sor.u32 $0x20, s15;
	s10 =	smul.u32 $0x500, s9  }
0x5: {  	s5 =	sor.u32 $0x30, s15;
	s11 =	smul.u32 $0x500, s7  }
0x6: {  	s6 =	sor.u32 $0x40, s15;
	s12 =	smul.u32 $0x500, s5  }
0x7: {  	s4 =	sor.u32 $0x50, s15;
	s13 =	smul.u32 $0x500, s6  }
0x8: {  	s2 =	sor.u32 $0x60, s15;
	s14 =	smul.u32 $0x500, s4  }
0x9: {  	s0 =	srdreg.scid;
	s3 =	sor.u32 $0x70, s15;
	s22 =	smul.u32 $0x500, s2  }
0xa: {  	s16 =	sand.u32 $0x1, s0;
	s17 =	smul.u32 $0x500, s3  }
0xb: {  	s0 =	ssub.s32 $0x2, s16;
	s18 =	smul.u32 $0x2710, s16  }
0xc: {  	s19 =	rddreg [dreg:$0x1];
	s16 =	smul.u32 $0x4F00, s16;
	s20 =	sshrl.u32 s0, $0x1  }
0xd: {  	s8 =	sadd.s32 s19, s8;
	s0 =	ssub.s32 s0, s20;
	s20 =	smul.u32 $0x50, s9  }
0xe: {  	[dreg:$0x4] =	wrdreg s8;
	s25 =	sadd.s32 s19, s10;
	s8 =	smul.u32 $0x50, s7  }
0xf: {  	s26 =	sadd.s32 s19, s11;
	s11 =	sadd.s32 s19, s12;
	s10 =	smul.u32 $0x50, s5  }
0x10: {  	s12 =	sadd.s32 s19, s13;
	s13 =	sadd.s32 s19, s14;
	s14 =	smul.u32 $0x50, s6  }
0x11: {  	s23 =	sadd.s32 s19, s22;
	s24 =	sadd.s32 s19, s17;
	s19 =	smul.u32 $0x50, s2  }
0x12: {  	s9 =	smul.u32 $0xA000, s9  }
0x13: {  	s1 =	simm.s32 $0x0;
	s22 =	smul.u32 $0x4F0, s15  }
0x14: {  	[smem:$0x7FF] =	sst s1;
	s7 =	smul.u32 $0xA000, s7  }
0x15: {  	s5 =	smul.u32 $0xA000, s5;
	[dreg:$0x5] =	wrdreg s25  }
0x16: {  	s6 =	smul.u32 $0xA000, s6;
	[dreg:$0x6] =	wrdreg s26  }
0x17: {  	s2 =	smul.u32 $0xA000, s2;
	[dreg:$0x7] =	wrdreg s11  }
0x18: {  	[dreg:$0x8] =	wrdreg s12;
	s25 =	smul.u32 $0x50, s4  }
0x19: {  	[dreg:$0xa] =	wrdreg s23;
	s23 =	smul.u32 $0x50, s3  }
0x1a: {  	p0 =	sgt.u32 s15, $0xC;
	[dreg:$0x9] =	wrdreg s13;
	s4 =	smul.u32 $0xA000, s4  }
0x1b: {  	[dreg:$0xb] =	wrdreg s24;
	s26 =	sadd.s32 s21, s18;
	s3 =	smul.u32 $0xA000, s3  }
0x1c: {  	s31 =	smax.u32 s0, $0x1;
	s0 =	simm.s32 $0x1;
	s21 =	sadd.s32 s18, s20  }
0x1d: {  	s8 =	sadd.s32 s18, s8;
	s10 =	sadd.s32 s18, s10;
	s11 =	sadd.s32 s18, s14  }
0x1e: {  	s24 =	sadd.s32 s18, s19;
	s20 =	rddreg [dreg:$0x0];
	s13 =	sshll.u32 s26, $0x4  }
0x1f: {  	s9 =	sshrl.u32 s9, $0x2;
	s7 =	sshrl.u32 s7, $0x2;
	s5 =	sshrl.u32 s5, $0x2  }
0x20: {  	s6 =	sshrl.u32 s6, $0x2;
	s2 =	sshrl.u32 s2, $0x2;
	s12 =	sadd.s32 s18, s25  }
0x21: {  	s18 =	sadd.s32 s18, s23;
	s25 =	sadd.s32 $0xD800, s20;
	s26 =	sshll.u32 s21, $0x4  }
0x22: {  	s8 =	sshll.u32 s8, $0x4;
	s10 =	sshll.u32 s10, $0x4;
	s17 =	sshll.u32 s24, $0x4  }
0x23: {  	s23 =	sadd.s32 s16, s20;
	s24 =	smul.u32 $0xA000, s15;
	s20 =	sadd.s32 $0xD000, s20  }
0x24: {  	s4 =	sshrl.u32 s4, $0x2;
	s3 =	sshrl.u32 s3, $0x2;
	s13 =	sadd.s32 s25, s13  }
0x25: {  	s8 =	sadd.s32 s25, s8;
	s10 =	sadd.s32 s25, s10;
	[dreg:$0xc] =	wrdreg s13  }
0x26: {  	s14 =	sshll.u32 s12, $0x4;
	s17 =	sadd.s32 s25, s17;
	[dreg:$0xe] =	wrdreg s8  }
0x27: {  	s19 =	sshll.u32 s18, $0x4;
	s13 =	sadd.s32 s25, s26;
	[dreg:$0xf] =	wrdreg s10  }
0x28: {  	s18 =	sadd.s32 s25, s19;
	s19 =	rddreg [dreg:$0x2];
	s26 =	sshll.u32 s15, $0x6  }
0x29: {  	[dreg:$0xd] =	wrdreg s13;
	s13 =	sshll.u32 s11, $0x4;
	s28 =	sadd.s32 s4, s19  }
0x2a: {  	s29 =	sadd.s32 s2, s19;
	s30 =	sadd.s32 s3, s19;
	s8 =	sadd.s32 s25, s13  }
0x2b: {  	s2 =	simm.s32 $0x80;
	s3 =	simm.s32 $0x0;
	[dreg:$0x10] =	wrdreg s8  }
0x2c: {  	s8 =	sadd.s32 s25, s14;
	s25 =	sshrl.u32 s24, $0x2;
	s24 =	sadd.s32 s7, s19  }
0x2d: {  	[dreg:$0x11] =	wrdreg s8;
	s8 =	sadd.s32 s22, s23;
	s21 =	sadd.s32 s25, s19  }
0x2e: {  	s22 =	sor.u32 $0x1C01, s26;
	s23 =	sadd.s32 s9, s19;
	s25 =	sadd.s32 s5, s19  }
0x2f: {  	s26 =	sadd.s32 s6, s19;
	_ =	strace $0x80000047;
	s16 =	sadd.s32 $0x3200, s8  }
.LBB2_1:
0x30: {  	s4 =	sshrl.u32 s21, $0x3;
	s5 =	rddreg [dreg:$0x4]  }
0x31: {  	[spmem:s4], [sflag:s22] =	dma.local [hbm:s5], $0x500  }
0x32: {  	_ =	swait.ge [sflag:s0], $0x500  }
0x33: {  	[sflag:s0] =	ssyncset.done $0x0  }
0x34: {  	s5 =	sshrl.u32 s23, $0x3;
	s6 =	rddreg [dreg:$0x5];
	[sflag:s0] =	ssyncadd.s32 $0xFFFFFB00  }
0x35: {  	[spmem:s5], [sflag:s22] =	dma.local [hbm:s6], $0x500  }
0x36: {  	_ =	swait.ge [sflag:s0], $0x500  }
0x37: {  	[sflag:s0] =	ssyncset.done $0x0  }
0x38: {  	s6 =	sshrl.u32 s24, $0x3;
	s7 =	rddreg [dreg:$0x6];
	[sflag:s0] =	ssyncadd.s32 $0xFFFFFB00  }
0x39: {  	[spmem:s6], [sflag:s22] =	dma.local [hbm:s7], $0x500  }
0x3a: {  	_ =	swait.ge [sflag:s0], $0x500  }
0x3b: {  	[sflag:s0] =	ssyncset.done $0x0  }
0x3c: {  	s7 =	sshrl.u32 s25, $0x3;
	s8 =	rddreg [dreg:$0x7];
	[sflag:s0] =	ssyncadd.s32 $0xFFFFFB00  }
0x3d: {  	[spmem:s7], [sflag:s22] =	dma.local [hbm:s8], $0x500  }
0x3e: {  	_ =	swait.ge [sflag:s0], $0x500  }
0x3f: {  	[sflag:s0] =	ssyncset.done $0x0  }
0x40: {  	s8 =	sshrl.u32 s26, $0x3;
	s9 =	rddreg [dreg:$0x8];
	[sflag:s0] =	ssyncadd.s32 $0xFFFFFB00  }
0x41: {  	[spmem:s8], [sflag:s22] =	dma.local [hbm:s9], $0x500  }
0x42: {  	_ =	swait.ge [sflag:s0], $0x500  }
0x43: {  	[sflag:s0] =	ssyncset.done $0x0  }
0x44: {  	s9 =	sshrl.u32 s28, $0x3;
	s10 =	rddreg [dreg:$0x9];
	[sflag:s0] =	ssyncadd.s32 $0xFFFFFB00  }
0x45: {  	[spmem:s9], [sflag:s22] =	dma.local [hbm:s10], $0x500  }
0x46: {  	_ =	swait.ge [sflag:s0], $0x500  }
0x47: {  	[sflag:s0] =	ssyncset.done $0x0  }
0x48: {  	s10 =	sshrl.u32 s29, $0x3;
	s11 =	rddreg [dreg:$0xa];
	[sflag:s0] =	ssyncadd.s32 $0xFFFFFB00  }
0x49: {  	[spmem:s10], [sflag:s22] =	dma.local [hbm:s11], $0x500  }
0x4a: {  	_ =	swait.ge [sflag:s0], $0x500  }
0x4b: {  	[sflag:s0] =	ssyncset.done $0x0  }
0x4c: {  	s11 =	sshrl.u32 @!p0 s30, $0x3;
	s12 =	rddreg [dreg:$0xb];
	[sflag:s0] =	ssyncadd.s32 $0xFFFFFB00  }
0x4d: {  	[spmem:s11], [sflag:s22] =	dma.local @!p0 [hbm:s12], $0x500  }
0x4e: {  	s12 =	simm.s32 @!p0 $0x1  }
0x4f: {  	_ =	swait.ge @!p0 [sflag:s12], $0x500  }
0x50: {  	[sflag:s12] =	ssyncset.done @!p0 $0x0  }
0x51: {  	[sflag:s12] =	ssyncadd.s32 @!p0 $0xFFFFFB00  }
0x52: {  	[tilespmem:s2], [sflag:$0x1] =	stream.linear.gather [hbm4b:s20+s1], $0x4000, $0x38;
	[tilespmem:$0x17940] =	vst v63  }
0x53: {  	_ =	swait.ge [sflag:s0], $0x4000  }
0x54: {  	[sflag:s0] =	ssyncset.done $0x0  }
0x55: {  	[sflag:s0] =	ssyncadd.s32 $0xFFFFC000  }
0x56: {  	s15 =	sadd.s32 $0x0, s16;
	[bflag:$0x0] =	sbarrier.arrive $0xFFFF  }
0x57: {  	[tilespmem:s1], [sflag:$0x1] =	stream.linear.gather [hbm4b:s15+s1], $0x80, $0x38;
	[tilespmem:$0x17940] =	vst v63  }
0x58: {  	_ =	swait.ge [sflag:s0], $0x80  }
0x59: {  	[sflag:s0] =	ssyncset.done $0x0  }
0x5a: {  	[sflag:s0] =	ssyncadd.s32 $0xFFFFFF80  }
0x5b: {  	[spmem:s19] =	stream.indirect.scatter.add.f32 [tilespmem:s2], [sflag:$0x1], $0x80, s1, s2, $0xb8;
	[tilespmem:$0x17940] =	vst v63  }
0x5c: {  	_ =	swait.ge [sflag:s0], $0x4000  }
0x5d: {  	s13 =	simm.s32 $0x20;
	s12 =	simm.s32 $0x10;
	[sflag:s0] =	ssyncset.done $0x0  }
.LBB2_2:
0x5e: {  	s14 =	sadd.s32 s12, s16  }
0x5f: {  	[sflag:s0] =	ssyncadd.s32 $0xFFFFC000;
	s12 =	smov.u32 s13;
	s15 =	sadd.s32 $0x10, s13  }
0x60: {  	[tilespmem:s1], [sflag:$0x1] =	stream.linear.gather [hbm4b:s14+s1], $0x80, $0x38;
	[tilespmem:$0x17940] =	vst v63  }
0x61: {  	p1 =	sne.s32 s13, $0x4E0;
	_ =	swait.ge [sflag:s0], $0x80  }
.Ltmp0:
0x62: {  	[sflag:s0] =	ssyncset.done $0x0;
	(pc) =	sbr.rel @p1 .LBB2_2-.Ltmp0, $4  }
0x63: {  	[sflag:s0] =	ssyncadd.s32 $0xFFFFFF80  }
0x64: {  	[spmem:s19] =	stream.indirect.scatter.add.f32 [tilespmem:s2], [sflag:$0x1], $0x80, s1, s2, $0xb8;
	[tilespmem:$0x17940] =	vst v63  }
0x65: {  	_ =	swait.ge [sflag:s0], $0x4000  }
0x66: {  	s13 =	smov.u32 s15;
	[sflag:s0] =	ssyncset.done $0x0  }
0x67: {  	s12 =	sadd.s32 s12, s16;
	[sflag:s0] =	ssyncadd.s32 $0xFFFFC000  }
0x68: {  	[tilespmem:s1], [sflag:$0x1] =	stream.linear.gather [hbm4b:s12+s1], $0x80, $0x38;
	[tilespmem:$0x17940] =	vst v63  }
0x69: {  	_ =	swait.ge [sflag:s0], $0x80  }
0x6a: {  	[sflag:s0] =	ssyncset.done $0x0  }
0x6b: {  	[sflag:s0] =	ssyncadd.s32 $0xFFFFFF80  }
0x6c: {  	[spmem:s19] =	stream.indirect.scatter.add.f32 [tilespmem:s2], [sflag:$0x1], $0x80, s1, s2, $0xb8;
	[tilespmem:$0x17940] =	vst v63  }
0x6d: {  	_ =	swait.ge [sflag:s0], $0x4000  }
0x6e: {  	[sflag:s0] =	ssyncset.done $0x0  }
0x6f: {  	[sflag:s0] =	ssyncadd.s32 $0xFFFFC000  }
0x70: {  	[bflag:$0x0] =	sbarrier.arrive $0xFFFF  }
0x71: {  	s14 =	rddreg [dreg:$0xc]  }
0x72: {  	[hbm:s14], [sflag:s22] =	dma.local [spmem:s4], $0x500  }
0x73: {  	_ =	swait.ge [sflag:s0], $0x500  }
0x74: {  	[sflag:s0] =	ssyncset.done $0x0  }
0x75: {  	s15 =	rddreg [dreg:$0xd];
	[sflag:s0] =	ssyncadd.s32 $0xFFFFFB00  }
0x76: {  	[hbm:s15], [sflag:s22] =	dma.local [spmem:s5], $0x500  }
0x77: {  	_ =	swait.ge [sflag:s0], $0x500  }
0x78: {  	[sflag:s0] =	ssyncset.done $0x0  }
0x79: {  	s12 =	rddreg [dreg:$0xe];
	[sflag:s0] =	ssyncadd.s32 $0xFFFFFB00  }
0x7a: {  	[hbm:s12], [sflag:s22] =	dma.local [spmem:s6], $0x500  }
0x7b: {  	_ =	swait.ge [sflag:s0], $0x500  }
0x7c: {  	[sflag:s0] =	ssyncset.done $0x0  }
0x7d: {  	s13 =	rddreg [dreg:$0xf];
	[sflag:s0] =	ssyncadd.s32 $0xFFFFFB00  }
0x7e: {  	[hbm:s13], [sflag:s22] =	dma.local [spmem:s7], $0x500  }
0x7f: {  	_ =	swait.ge [sflag:s0], $0x500  }
0x80: {  	[sflag:s0] =	ssyncset.done $0x0  }
0x81: {  	s14 =	rddreg [dreg:$0x10];
	[sflag:s0] =	ssyncadd.s32 $0xFFFFFB00  }
0x82: {  	[hbm:s14], [sflag:s22] =	dma.local [spmem:s8], $0x500  }
0x83: {  	_ =	swait.ge [sflag:s0], $0x500  }
0x84: {  	[sflag:s0] =	ssyncset.done $0x0  }
0x85: {  	s15 =	rddreg [dreg:$0x11];
	[sflag:s0] =	ssyncadd.s32 $0xFFFFFB00  }
0x86: {  	[hbm:s15], [sflag:s22] =	dma.local [spmem:s9], $0x500  }
0x87: {  	_ =	swait.ge [sflag:s0], $0x500  }
0x88: {  	[sflag:s0] =	ssyncset.done $0x0  }
0x89: {  	[sflag:s0] =	ssyncadd.s32 $0xFFFFFB00  }
0x8a: {  	[hbm:s17], [sflag:s22] =	dma.local [spmem:s10], $0x500  }
0x8b: {  	s3 =	sadd.s32 $0x1, s3;
	_ =	swait.ge [sflag:s0], $0x500  }
0x8c: {  	p1 =	sne.s32 s3, s31;
	[sflag:s0] =	ssyncset.done $0x0  }
.Ltmp1:
0x8d: {  	s4 =	simm.s32 @!p0 $0x1;
	[sflag:s0] =	ssyncadd.s32 $0xFFFFFB00;
	(pc) =	sbr.rel @p1 .LBB2_1-.Ltmp1, $4  }
0x8e: {  	[hbm:s18], [sflag:s22] =	dma.local @!p0 [spmem:s11], $0x500  }
0x8f: {  	_ =	swait.ge @!p0 [sflag:s4], $0x500  }
0x90: {  	[sflag:s4] =	ssyncset.done @!p0 $0x0  }
0x91: {  	[sflag:s4] =	ssyncadd.s32 @!p0 $0xFFFFFB00  }
0x92: {  	_ =	sfence.sel $0x180000  }
0x93: {  	[bflag:$0x0] =	sbarrier.arrive $0xFFFF  }
0x94: {  	_ =	strace $0x90000047  }
0x95: {  	s0 =	stileid.u32;
	[bflag:$0x2] =	sbarrier.arrive $0xFFFF  }
0x96: {  	p0 =	sne.s32 s0, $0x0;
	s0 =	rddreg [dreg:$0x3]  }
0x97: {  	s0 =	sadd.s32 @!p0 $0x100000, s0  }
0x98: {  	[sflag:s0] =	ssyncadd.tile.s32 @!p0 $0x1;
	_ =	shalt  }
.Lfunc_end2:
_tile_overlayer_lowered:
.L_overlay_start_2:
0x99: {  	(tag) =	ssettag $0x2  }
0x9a: {  	s0 =	rddreg [dreg:$0x0];
	s2 =	stileid.u32  }
0x9b: {  	s1 =	rddreg [dreg:$0x1];
	p0 =	sne.s32 s2, $0x0  }
0x9c: {  	s3 =	rddreg [dreg:$0x2];
	[bflag:$0x3] =	sbarrier.arrive $0xFFFF;
	s2 =	simm.s32 @!p0 $0x1C01  }
0x9d: {  	[timem:s3], [sflag:s2] =	dma.local @!p0 [hbm:s0], s1  }
0x9e: {  	s0 =	simm.s32 @!p0 $0x1  }
0x9f: {  	_ =	swait.ge @!p0 [sflag:s0], s1  }
0xa0: {  	s1 =	ssub.s32 @!p0 $0x0, s1;
	[sflag:s0] =	ssyncset.done @!p0 $0x0  }
0xa1: {  	[sflag:s0] =	ssyncadd.s32 @!p0 s1  }
0xa2: {  	[bflag:$0x3] =	sbarrier.arrive $0xFFFF  }
0xa3: {  	_ =	shalt  }

</sc_bundles>
